<compile_context>
chip_gen: v7x
topology: tpu7x:2x2x1
jax: 0.10.2.dev20260603
libtpu: 0.0.44.dev20260713+nightly
codegen_flags: <defaults>
</compile_context>

<pallas_src>
import functools

import jax
import jax.numpy as jnp
from jax import lax
from jax.experimental import pallas as pl
from jax.experimental.pallas import tpu as pltpu
from jax.experimental.pallas import tpu_sc as plsc

NN = 4096
DD = 3
NL = 10
QT = 256
EB = 8192
EE = 65536
CAP = 8192
NSUB = 16
OWN = NN // NSUB
NEG = float("-inf")


def _gat_sc_body(src_hbm, dst_hbm, xT_hbm, wv_hbm, hT_out,
                 eb_src, eb_dst, Lsrc, Ldst, wbuf,
                 h0, h1, h2, hw0, hw1, hw2, ssrc, sdst, m, den,
                 ac0, ac1, ac2):
    wid = lax.axis_index("s")
    base = wid * OWN
    lane = lax.iota(jnp.int32, 16)

    pltpu.sync_copy(wv_hbm, wbuf)
    pltpu.sync_copy(xT_hbm.at[pl.ds(0, NN)], h0)
    pltpu.sync_copy(xT_hbm.at[pl.ds(NN, NN)], h1)
    pltpu.sync_copy(xT_hbm.at[pl.ds(2 * NN, NN)], h2)

    def zero_chunk(i, _):
        sl = pl.ds(i * 16, 16)
        z = jnp.zeros((16,), jnp.int32)
        Lsrc[sl] = z
        Ldst[sl] = z
        return 0
    lax.fori_loop(0, CAP // 16, zero_chunk, 0)

    def loop_chunk(i, _):
        sl = pl.ds(i * 16, 16)
        ids = base + i * 16 + lane
        Lsrc[sl] = ids
        Ldst[sl] = ids
        return 0
    lax.fori_loop(0, OWN // 16, loop_chunk, 0)

    def scan_blk(b, countv):
        pltpu.sync_copy(src_hbm.at[pl.ds(b * EB, EB)], eb_src)
        pltpu.sync_copy(dst_hbm.at[pl.ds(b * EB, EB)], eb_dst)

        @plsc.parallel_loop(0, EB // 16, unroll=4, carry=countv)
        def ch(ci, cv):
            sl = pl.ds(ci * 16, 16)
            sv = eb_src[sl]
            dv = eb_dst[sl]
            mk = (dv // OWN) == wid
            cs = plsc.cumsum(mk.astype(jnp.int32))
            pos = cv + cs - 1
            ok = mk & (pos < CAP)
            plsc.store_scatter(Lsrc, [pos], sv, mask=ok)
            plsc.store_scatter(Ldst, [pos], dv, mask=ok)
            return cv + plsc.all_reduce_population_count(mk)
        return ch

    countv = lax.fori_loop(0, EE // EB, scan_blk,
                           jnp.zeros((16,), jnp.int32) + OWN)
    count_true = jnp.max(countv)
    count_eff = jnp.minimum(count_true, CAP)
    nch_list = (count_eff + 15) // 16

    def wb(i):
        return plsc.load_gather(wbuf, [jnp.zeros((16,), jnp.int32) + i])

    def layer_body(l, carry):
        w = [wb(9 * l + t) for t in range(9)]
        asv = [wb(90 + 3 * l + t) for t in range(3)]
        adv = [wb(120 + 3 * l + t) for t in range(3)]
        bv = [wb(150 + 3 * l + t) for t in range(3)]

        def dense_chunk(i, _=None):
            sl = pl.ds(i * 16, 16)
            a, b_, c = h0[sl], h1[sl], h2[sl]
            t0 = a * w[0] + b_ * w[3] + c * w[6]
            t1 = a * w[1] + b_ * w[4] + c * w[7]
            t2 = a * w[2] + b_ * w[5] + c * w[8]
            hw0[sl] = t0
            hw1[sl] = t1
            hw2[sl] = t2
            ssrc[sl] = t0 * asv[0] + t1 * asv[1] + t2 * asv[2]
            sdst[sl] = t0 * adv[0] + t1 * adv[1] + t2 * adv[2]
        plsc.parallel_loop(0, NN // 16, unroll=4)(dense_chunk)

        def init_chunk(i, _=None):
            sl = pl.ds(base + i * 16, 16)
            m[sl] = jnp.full((16,), NEG, jnp.float32)
            den[sl] = jnp.zeros((16,), jnp.float32)
            ac0[sl] = jnp.zeros((16,), jnp.float32)
            ac1[sl] = jnp.zeros((16,), jnp.float32)
            ac2[sl] = jnp.zeros((16,), jnp.float32)
        plsc.parallel_loop(0, OWN // 16, unroll=4)(init_chunk)

        def sweep(chunk_fn, par=False):
            def ch(ci, _=None):
                sl = pl.ds(ci * 16, 16)
                sv = Lsrc[sl]
                dv = Ldst[sl]
                valid = (ci * 16 + lane) < count_eff
                chunk_fn(sv, dv, valid)
                return 0
            if par:
                plsc.parallel_loop(0, nch_list, unroll=4)(ch)
            else:
                lax.fori_loop(0, nch_list, ch, 0)

            @pl.when(count_true > CAP)
            def _():
                def rblk(b, cv):
                    pltpu.sync_copy(src_hbm.at[pl.ds(b * EB, EB)], eb_src)
                    pltpu.sync_copy(dst_hbm.at[pl.ds(b * EB, EB)], eb_dst)

                    def rch(ci, cv2):
                        sl = pl.ds(ci * 16, 16)
                        sv = eb_src[sl]
                        dv = eb_dst[sl]
                        mk = (dv // OWN) == wid
                        cs = plsc.cumsum(mk.astype(jnp.int32))
                        pos = cv2 + cs - 1
                        chunk_fn(sv, dv, mk & (pos >= CAP))
                        return cv2 + plsc.all_reduce_population_count(mk)
                    return lax.fori_loop(0, EB // 16, rch, cv)
                lax.fori_loop(0, EE // EB, rblk,
                              jnp.zeros((16,), jnp.int32) + OWN)

        def logit_of(sv, dv):
            lg = plsc.load_gather(ssrc, [sv]) + plsc.load_gather(sdst, [dv])
            return jnp.maximum(lg, 0.2 * lg)

        def s1(sv, dv, valid):
            logit = logit_of(sv, dv)

            def cond(p):
                return jnp.max(p) > 0

            def body(p):
                cur = plsc.load_gather(m, [dv])
                need = (p > 0) & (logit > cur)
                plsc.store_scatter(m, [dv], logit, mask=need)
                cur2 = plsc.load_gather(m, [dv])
                return jnp.where(need & (cur2 < logit), 1, 0).astype(jnp.int32)

            lax.while_loop(cond, body, valid.astype(jnp.int32))
        sweep(s1)

        def s2(sv, dv, valid):
            logit = logit_of(sv, dv)
            mg = plsc.load_gather(m, [dv])
            ex = jnp.exp(logit - mg)
            ex = jnp.where(valid, ex, 0.0)
            plsc.addupdate_scatter(den, [dv], ex, mask=valid)
            g0 = plsc.load_gather(hw0, [sv])
            g1 = plsc.load_gather(hw1, [sv])
            g2 = plsc.load_gather(hw2, [sv])
            plsc.addupdate_scatter(ac0, [dv], ex * g0, mask=valid)
            plsc.addupdate_scatter(ac1, [dv], ex * g1, mask=valid)
            plsc.addupdate_scatter(ac2, [dv], ex * g2, mask=valid)
        sweep(s2, par=True)

        def upd_chunk(i, _=None):
            sl = pl.ds(base + i * 16, 16)
            d_ = den[sl] + 1e-16
            n0 = ac0[sl] / d_ + bv[0]
            n1 = ac1[sl] / d_ + bv[1]
            n2 = ac2[sl] / d_ + bv[2]
            last = l >= NL - 1
            h0[sl] = jnp.where(last, n0, jnp.maximum(n0, 0.0))
            h1[sl] = jnp.where(last, n1, jnp.maximum(n1, 0.0))
            h2[sl] = jnp.where(last, n2, jnp.maximum(n2, 0.0))
        plsc.parallel_loop(0, OWN // 16, unroll=4)(upd_chunk)

        pltpu.sync_copy(h0.at[pl.ds(base, OWN)], hT_out.at[pl.ds(base, OWN)])
        pltpu.sync_copy(h1.at[pl.ds(base, OWN)], hT_out.at[pl.ds(NN + base, OWN)])
        pltpu.sync_copy(h2.at[pl.ds(base, OWN)], hT_out.at[pl.ds(2 * NN + base, OWN)])
        plsc.subcore_barrier()
        pltpu.sync_copy(hT_out.at[pl.ds(0, NN)], h0)
        pltpu.sync_copy(hT_out.at[pl.ds(NN, NN)], h1)
        pltpu.sync_copy(hT_out.at[pl.ds(2 * NN, NN)], h2)
        plsc.subcore_barrier()
        return carry

    lax.fori_loop(0, NL, layer_body, 0)


def _gat_sc(src_e, dst_e, xT, wvec):
    mesh = plsc.VectorSubcoreMesh(core_axis_name="c", subcore_axis_name="s",
                                  num_cores=1, num_subcores=NSUB)
    fvec = lambda n: pltpu.VMEM((n,), jnp.float32)
    return pl.kernel(
        _gat_sc_body,
        out_type=jax.ShapeDtypeStruct((DD * NN,), jnp.float32),
        mesh=mesh,
        scratch_types=[
            pltpu.VMEM((EB,), jnp.int32),
            pltpu.VMEM((EB,), jnp.int32),
            pltpu.VMEM((CAP,), jnp.int32),
            pltpu.VMEM((CAP,), jnp.int32),
            fvec(192),
            fvec(NN), fvec(NN), fvec(NN),
            fvec(NN), fvec(NN), fvec(NN),
            fvec(NN), fvec(NN),
            fvec(NN), fvec(NN),
            fvec(NN), fvec(NN), fvec(NN),
        ],
        compiler_params=pltpu.CompilerParams(needs_layout_passes=False),
    )(src_e, dst_e, xT, wvec)


def _attn_mlp_body(h_ref, hT_ref, mask_ref,
                   Wq_ref, bq_ref, WkT_ref, bk_ref, WvT_ref, bv_ref,
                   Wo_ref, bo_ref, W1_ref, b1_ref, W2_ref, b2_ref,
                   W3_ref, b3_ref, out_ref):
    h_t = h_ref[...]
    hT = hT_ref[...]
    Q = jnp.dot(h_t, Wq_ref[...], preferred_element_type=jnp.float32) + bq_ref[...][None, :]
    kT = jnp.dot(WkT_ref[...], hT, preferred_element_type=jnp.float32) + bk_ref[...][:, None]
    vT = jnp.dot(WvT_ref[...], hT, preferred_element_type=jnp.float32) + bv_ref[...][:, None]
    cols = []
    for hh in range(3):
        qcol = Q[:, hh:hh + 1]
        krow = kT[hh:hh + 1, :]
        vrow = vT[hh:hh + 1, :]
        kmax = jnp.max(krow, axis=1, keepdims=True)
        kmin = jnp.min(krow, axis=1, keepdims=True)
        mrow = jnp.where(qcol >= 0.0, qcol * kmax, qcol * kmin)
        ex = jnp.exp(qcol * krow - mrow)
        dn = jnp.sum(ex, axis=1, keepdims=True)
        nm = jnp.sum(ex * vrow, axis=1, keepdims=True)
        cols.append(nm / dn)
    mo = jnp.concatenate(cols, axis=1)
    mo = jnp.dot(mo, Wo_ref[...], preferred_element_type=jnp.float32) + bo_ref[...][None, :]
    hm = jnp.maximum(jnp.dot(mo, W1_ref[...], preferred_element_type=jnp.float32) + b1_ref[...][None, :], 0.0)
    hm = jnp.maximum(jnp.dot(hm, W2_ref[...], preferred_element_type=jnp.float32) + b2_ref[...][None, :], 0.0)
    logits = jnp.dot(hm, W3_ref[...], preferred_element_type=jnp.float32) + b3_ref[...][None, :]
    out_ref[...] = jnp.where(mask_ref[...] == 1, logits, 0.0)


def _attn_mlp(h, hT, mask2d, Wq, bq, WkT, bk, WvT, bv, Wo, bo, W13, b1, W2, b2, W3, b3):
    full = lambda shape: pl.BlockSpec(shape, lambda i: tuple(0 for _ in shape))
    grid = NN // QT
    return pl.pallas_call(
        _attn_mlp_body,
        grid=(grid,),
        in_specs=[
            pl.BlockSpec((QT, DD), lambda i: (i, 0)),
            full((DD, NN)),
            pl.BlockSpec((QT, 1), lambda i: (i, 0)),
            full((DD, DD)), full((DD,)), full((DD, DD)), full((DD,)),
            full((DD, DD)), full((DD,)), full((DD, DD)), full((DD,)),
            full((DD, 16)), full((16,)), full((16, 32)), full((32,)),
            full((32, 1)), full((1,)),
        ],
        out_specs=pl.BlockSpec((QT, 1), lambda i: (i, 0)),
        out_shape=jax.ShapeDtypeStruct((NN, 1), jnp.float32),
    )(h, hT, mask2d, Wq, bq, WkT, bk, WvT, bv, Wo, bo, W13, b1, W2, b2, W3, b3)


def kernel(x, edge_index, mask, gat_W, gat_b, gat_a_src, gat_a_dst, Wq, bq, Wk, bk, Wv, bv, Wo, bo, W1, b1, W2, b2, W3, b3):
    wvec = jnp.concatenate([
        gat_W.reshape(-1), gat_a_src.reshape(-1), gat_a_dst.reshape(-1),
        gat_b.reshape(-1), jnp.zeros((12,), jnp.float32)])

    hT = _gat_sc(edge_index[0], edge_index[1], x.T.reshape(-1), wvec).reshape(DD, NN)
    h = hT.T

    logits = _attn_mlp(h, hT, mask[:, None].astype(jnp.int32),
                       Wq, bq, Wk.T, bk, Wv.T, bv, Wo, bo,
                       W1[:3, :], b1, W2, b2, W3, b3)
    return logits[:, 0]

# --- scband reference (transcript-rebuilt; emitter-appended) ---
"""Pipeline reference for scband-observation-processing-network-5789615915721 (READ-ONLY COPY).

The authoritative reference and input builder live on the scoring server;
editing this copy changes nothing except your own understanding.
"""

import jax, jax.numpy as jnp
import numpy as np

N = 4096
E = 65536
D = 3
L = 10

def setup_inputs(seed: int = 0):
    key = jax.random.key(seed)
    ks = jax.random.split(key, 24)
    inp = {}
    inp['x'] = jax.random.normal(ks[0], (N, D), dtype=jnp.float32)
    inp['edge_index'] = jax.random.randint(ks[1], (2, E), 0, N, dtype=jnp.int32)
    inp['mask'] = jax.random.randint(ks[2], (N,), 0, 2, dtype=jnp.int32)
    inp['gat_W'] = jax.random.normal(ks[3], (L, D, D), dtype=jnp.float32) * 0.4
    inp['gat_b'] = jnp.zeros((L, D), dtype=jnp.float32)
    inp['gat_a_src'] = jax.random.normal(ks[4], (L, D), dtype=jnp.float32) * 0.3
    inp['gat_a_dst'] = jax.random.normal(ks[5], (L, D), dtype=jnp.float32) * 0.3
    inp['Wq'] = jax.random.normal(ks[6], (D, D), dtype=jnp.float32) * 0.5
    inp['bq'] = jnp.zeros((D,), dtype=jnp.float32)
    inp['Wk'] = jax.random.normal(ks[7], (D, D), dtype=jnp.float32) * 0.5
    inp['bk'] = jnp.zeros((D,), dtype=jnp.float32)
    inp['Wv'] = jax.random.normal(ks[8], (D, D), dtype=jnp.float32) * 0.5
    inp['bv'] = jnp.zeros((D,), dtype=jnp.float32)
    inp['Wo'] = jax.random.normal(ks[9], (D, D), dtype=jnp.float32) * 0.5
    inp['bo'] = jnp.zeros((D,), dtype=jnp.float32)
    inp['W1'] = jax.random.normal(ks[10], (3 * D, 16), dtype=jnp.float32) * 0.3
    inp['b1'] = jnp.zeros((16,), dtype=jnp.float32)
    inp['W2'] = jax.random.normal(ks[11], (16, 32), dtype=jnp.float32) * 0.25
    inp['b2'] = jnp.zeros((32,), dtype=jnp.float32)
    inp['W3'] = jax.random.normal(ks[12], (32, 1), dtype=jnp.float32) * 0.2
    inp['b3'] = jnp.zeros((1,), dtype=jnp.float32)
    return inp

def reference(x, edge_index, mask, gat_W, gat_b, gat_a_src, gat_a_dst, Wq, bq, Wk, bk, Wv, bv, Wo, bo, W1, b1, W2, b2, W3, b3):
    n = x.shape[0]
    loops = jnp.arange(n, dtype=edge_index.dtype)
    ei = jnp.concatenate([edge_index, jnp.stack([loops, loops])], axis=1)
    src, dst = ei[0], ei[1]
    h = x
    for l in range(L):
        hw = h @ gat_W[l]
        logit = jax.nn.leaky_relu((hw * gat_a_src[l]).sum(-1)[src] + (hw * gat_a_dst[l]).sum(-1)[dst], 0.2)
        m = jax.ops.segment_max(logit, dst, num_segments=n)
        ex = jnp.exp(logit - m[dst])
        den = jax.ops.segment_sum(ex, dst, num_segments=n)
        alpha = ex / (den[dst] + 1e-16)
        h_new = jax.ops.segment_sum(alpha[:, None] * hw[src], dst, num_segments=n) + gat_b[l]
        h = jax.nn.relu(h_new) if l < L - 1 else h_new
    # history = [gat_x] on first call, so MHA is self-attention over all N nodes
    q = (h @ Wq + bq).T[:, :, None]  # [heads=3, N, head_dim=1]
    k = (h @ Wk + bk).T[:, :, None]
    v = (h @ Wv + bv).T[:, :, None]
    scores = jnp.einsum('hqd,hkd->hqk', q, k)  # scale 1/sqrt(head_dim)=1
    attn = jax.nn.softmax(scores, axis=-1)
    mo = jnp.einsum('hqk,hkd->hqd', attn, v)[:, :, 0].T @ Wo + bo  # [N, 3]
    # MLPAggregation with index=arange(N): each node is its own segment,
    # padded to max_num_elements=3 then flattened to [N, 9]
    dense = jnp.concatenate([mo, jnp.zeros((n, 2 * D), dtype=mo.dtype)], axis=1)
    hm = jax.nn.relu(dense @ W1 + b1)
    hm = jax.nn.relu(hm @ W2 + b2)
    logits = (hm @ W3 + b3)[:, 0]
    return jnp.where(mask == 1, logits, jnp.zeros_like(logits))

if __name__ == "__main__":
    import jax
    _d = setup_inputs()
    print(jax.jit(kernel)(*tuple(_d.values())))

</pallas_src>

<mosaic_0001>
#map = affine_map<(d0, d1) -> (0)>
module attributes {stable_mosaic.version = 14 : i64} {
  func.func @_gat_sc_body(%arg0: i32, %arg1: i32, %arg2: memref<65536xi32, #tpu.memory_space<hbm>>, %arg3: memref<65536xi32, #tpu.memory_space<hbm>>, %arg4: memref<12288xf32, #tpu.memory_space<hbm>>, %arg5: memref<192xf32, #tpu.memory_space<hbm>>, %arg6: memref<12288xf32, #tpu.memory_space<hbm>>, %arg7: memref<8192xi32, #tpu.memory_space<vmem>>, %arg8: memref<8192xi32, #tpu.memory_space<vmem>>, %arg9: memref<8192xi32, #tpu.memory_space<vmem>>, %arg10: memref<8192xi32, #tpu.memory_space<vmem>>, %arg11: memref<192xf32, #tpu.memory_space<vmem>>, %arg12: memref<4096xf32, #tpu.memory_space<vmem>>, %arg13: memref<4096xf32, #tpu.memory_space<vmem>>, %arg14: memref<4096xf32, #tpu.memory_space<vmem>>, %arg15: memref<4096xf32, #tpu.memory_space<vmem>>, %arg16: memref<4096xf32, #tpu.memory_space<vmem>>, %arg17: memref<4096xf32, #tpu.memory_space<vmem>>, %arg18: memref<4096xf32, #tpu.memory_space<vmem>>, %arg19: memref<4096xf32, #tpu.memory_space<vmem>>, %arg20: memref<4096xf32, #tpu.memory_space<vmem>>, %arg21: memref<4096xf32, #tpu.memory_space<vmem>>, %arg22: memref<4096xf32, #tpu.memory_space<vmem>>, %arg23: memref<4096xf32, #tpu.memory_space<vmem>>, %arg24: memref<4096xf32, #tpu.memory_space<vmem>>) attributes {dimension_semantics = [#tpu.dimension_semantics<core_parallel>, #tpu.dimension_semantics<subcore_parallel>], iteration_bounds = array<i64: 1, 16>, scalar_prefetch = 0 : i64, scratch_operands = 18 : i64, tpu.core_type = #tpu.core_type<sc_vector_subcore>, window_params = [{transform_indices = #map}, {transform_indices = #map}, {transform_indices = #map}, {transform_indices = #map}, {transform_indices = #map}]} {
    %mul3A = arith.constant 256 : i32
    %mul3A_0 = arith.muli %arg1, %mul3A : i32
    %iota3A = tpu.iota {dimensions = array<i32: 0>} : vector<16xi32>
    "tpu.region"() ({
      %run_scoped3A = tpu.sem_alloc : memref<!tpu.dma_semaphore, #tpu.memory_space<semaphore_mem>>
      tpu.enqueue_dma source(%arg5 : memref<192xf32, #tpu.memory_space<hbm>>) target(%arg11 : memref<192xf32, #tpu.memory_space<vmem>>) target_semaphore(%run_scoped3A : memref<!tpu.dma_semaphore, #tpu.memory_space<semaphore_mem>>)
      tpu.wait_dma2 semaphore(%run_scoped3A : memref<!tpu.dma_semaphore, #tpu.memory_space<semaphore_mem>>) src(%arg5 : memref<192xf32, #tpu.memory_space<hbm>>) dst(%arg11 : memref<192xf32, #tpu.memory_space<vmem>>)
      tpu.yield
    }) : () -> ()
    "tpu.region"() ({
      %run_scoped3A = tpu.sem_alloc : memref<!tpu.dma_semaphore, #tpu.memory_space<semaphore_mem>>
      %dma_start3A = arith.constant 0 : i32
      %dma_start3A_55 = tpu.memref_slice %arg4[%dma_start3A] : memref<12288xf32, #tpu.memory_space<hbm>> -> memref<4096xf32, #tpu.memory_space<hbm>>
      %dma_start3A_56 = arith.constant 0 : i32
      %dma_start3A_57 = tpu.memref_slice %arg4[%dma_start3A_56] : memref<12288xf32, #tpu.memory_space<hbm>> -> memref<4096xf32, #tpu.memory_space<hbm>>
      tpu.enqueue_dma source(%dma_start3A_57 : memref<4096xf32, #tpu.memory_space<hbm>>) target(%arg12 : memref<4096xf32, #tpu.memory_space<vmem>>) target_semaphore(%run_scoped3A : memref<!tpu.dma_semaphore, #tpu.memory_space<semaphore_mem>>)
      %dma_wait3A = arith.constant 0 : i32
      %dma_wait3A_58 = tpu.memref_slice %arg4[%dma_wait3A] : memref<12288xf32, #tpu.memory_space<hbm>> -> memref<4096xf32, #tpu.memory_space<hbm>>
      %dma_wait3A_59 = arith.constant 0 : i32
      %dma_wait3A_60 = tpu.memref_slice %arg4[%dma_wait3A_59] : memref<12288xf32, #tpu.memory_space<hbm>> -> memref<4096xf32, #tpu.memory_space<hbm>>
      tpu.wait_dma2 semaphore(%run_scoped3A : memref<!tpu.dma_semaphore, #tpu.memory_space<semaphore_mem>>) src(%dma_wait3A_60 : memref<4096xf32, #tpu.memory_space<hbm>>) dst(%arg12 : memref<4096xf32, #tpu.memory_space<vmem>>)
      tpu.yield
    }) : () -> ()
    "tpu.region"() ({
      %run_scoped3A = tpu.sem_alloc : memref<!tpu.dma_semaphore, #tpu.memory_space<semaphore_mem>>
      %dma_start3A = arith.constant 4096 : i32
      %dma_start3A_55 = tpu.memref_slice %arg4[%dma_start3A] : memref<12288xf32, #tpu.memory_space<hbm>> -> memref<4096xf32, #tpu.memory_space<hbm>>
      %dma_start3A_56 = arith.constant 4096 : i32
      %dma_start3A_57 = tpu.memref_slice %arg4[%dma_start3A_56] : memref<12288xf32, #tpu.memory_space<hbm>> -> memref<4096xf32, #tpu.memory_space<hbm>>
      tpu.enqueue_dma source(%dma_start3A_57 : memref<4096xf32, #tpu.memory_space<hbm>>) target(%arg13 : memref<4096xf32, #tpu.memory_space<vmem>>) target_semaphore(%run_scoped3A : memref<!tpu.dma_semaphore, #tpu.memory_space<semaphore_mem>>)
      %dma_wait3A = arith.constant 4096 : i32
      %dma_wait3A_58 = tpu.memref_slice %arg4[%dma_wait3A] : memref<12288xf32, #tpu.memory_space<hbm>> -> memref<4096xf32, #tpu.memory_space<hbm>>
      %dma_wait3A_59 = arith.constant 4096 : i32
      %dma_wait3A_60 = tpu.memref_slice %arg4[%dma_wait3A_59] : memref<12288xf32, #tpu.memory_space<hbm>> -> memref<4096xf32, #tpu.memory_space<hbm>>
      tpu.wait_dma2 semaphore(%run_scoped3A : memref<!tpu.dma_semaphore, #tpu.memory_space<semaphore_mem>>) src(%dma_wait3A_60 : memref<4096xf32, #tpu.memory_space<hbm>>) dst(%arg13 : memref<4096xf32, #tpu.memory_space<vmem>>)
      tpu.yield
    }) : () -> ()
    "tpu.region"() ({
      %run_scoped3A = tpu.sem_alloc : memref<!tpu.dma_semaphore, #tpu.memory_space<semaphore_mem>>
      %dma_start3A = arith.constant 8192 : i32
      %dma_start3A_55 = tpu.memref_slice %arg4[%dma_start3A] : memref<12288xf32, #tpu.memory_space<hbm>> -> memref<4096xf32, #tpu.memory_space<hbm>>
      %dma_start3A_56 = arith.constant 8192 : i32
      %dma_start3A_57 = tpu.memref_slice %arg4[%dma_start3A_56] : memref<12288xf32, #tpu.memory_space<hbm>> -> memref<4096xf32, #tpu.memory_space<hbm>>
      tpu.enqueue_dma source(%dma_start3A_57 : memref<4096xf32, #tpu.memory_space<hbm>>) target(%arg14 : memref<4096xf32, #tpu.memory_space<vmem>>) target_semaphore(%run_scoped3A : memref<!tpu.dma_semaphore, #tpu.memory_space<semaphore_mem>>)
      %dma_wait3A = arith.constant 8192 : i32
      %dma_wait3A_58 = tpu.memref_slice %arg4[%dma_wait3A] : memref<12288xf32, #tpu.memory_space<hbm>> -> memref<4096xf32, #tpu.memory_space<hbm>>
      %dma_wait3A_59 = arith.constant 8192 : i32
      %dma_wait3A_60 = tpu.memref_slice %arg4[%dma_wait3A_59] : memref<12288xf32, #tpu.memory_space<hbm>> -> memref<4096xf32, #tpu.memory_space<hbm>>
      tpu.wait_dma2 semaphore(%run_scoped3A : memref<!tpu.dma_semaphore, #tpu.memory_space<semaphore_mem>>) src(%dma_wait3A_60 : memref<4096xf32, #tpu.memory_space<hbm>>) dst(%arg14 : memref<4096xf32, #tpu.memory_space<vmem>>)
      tpu.yield
    }) : () -> ()
    %scan3A = arith.constant 0 : i32
    %scan3A_1 = arith.constant 0 : i32
    %scan3A_2 = arith.constant 512 : i32
    %scan3A_3 = arith.addi %scan3A_1, %scan3A_2 : i32
    %scan3A_4 = arith.constant 1 : i32
    %scan3A_5 = scf.for %scan3A_55 = %scan3A_1 to %scan3A_3 step %scan3A_4 iter_args(%scan3A_56 = %scan3A) -> (i32)  : i32 {
      %mul3A_57 = arith.constant 16 : i32
      %mul3A_58 = arith.muli %scan3A_55, %mul3A_57 : i32
      %broadcast_in_dim3A_59 = arith.constant 0 : i32
      %broadcast_in_dim3A_60 = vector.broadcast %broadcast_in_dim3A_59 : i32 to vector<16xi32>
      %swap3A = arith.index_cast %mul3A_58 : i32 to index
      %swap3A_61 = tpu.vector_load %arg9[%swap3A] {strides = array<i32>} : memref<8192xi32, #tpu.memory_space<vmem>>, vector<16xi32>,
      tpu.vector_store %arg9[%swap3A], %broadcast_in_dim3A_60 {strides = array<i32>} : memref<8192xi32, #tpu.memory_space<vmem>>, vector<16xi32>,
      %swap3A_62 = arith.index_cast %mul3A_58 : i32 to index
      %swap3A_63 = tpu.vector_load %arg10[%swap3A_62] {strides = array<i32>} : memref<8192xi32, #tpu.memory_space<vmem>>, vector<16xi32>,
      tpu.vector_store %arg10[%swap3A_62], %broadcast_in_dim3A_60 {strides = array<i32>} : memref<8192xi32, #tpu.memory_space<vmem>>, vector<16xi32>,
      %scan3A_64 = arith.constant 0 : i32
      scf.yield %scan3A_64 : i32
    }
    %scan3A_6 = arith.constant 512 : i32
    %scan3A_7 = arith.constant 0 : i32
    %scan3A_8 = arith.constant 0 : i32
    %scan3A_9 = arith.constant 16 : i32
    %scan3A_10 = arith.addi %scan3A_8, %scan3A_9 : i32
    %scan3A_11 = arith.constant 1 : i32
    %scan3A_12 = scf.for %scan3A_55 = %scan3A_8 to %scan3A_10 step %scan3A_11 iter_args(%scan3A_56 = %scan3A_7) -> (i32)  : i32 {
      %mul3A_57 = arith.constant 16 : i32
      %mul3A_58 = arith.muli %scan3A_55, %mul3A_57 : i32
      %mul3A_59 = arith.constant 16 : i32
      %mul3A_60 = arith.muli %scan3A_55, %mul3A_59 : i32
      %add3A_61 = arith.addi %mul3A_0, %mul3A_60 : i32
      %add3A_62 = vector.broadcast %add3A_61 : i32 to vector<16xi32>
      %add3A_63 = arith.addi %add3A_62, %iota3A : vector<16xi32>
      %swap3A = arith.index_cast %mul3A_58 : i32 to index
      %swap3A_64 = tpu.vector_load %arg9[%swap3A] {strides = array<i32>} : memref<8192xi32, #tpu.memory_space<vmem>>, vector<16xi32>,
      tpu.vector_store %arg9[%swap3A], %add3A_63 {strides = array<i32>} : memref<8192xi32, #tpu.memory_space<vmem>>, vector<16xi32>,
      %swap3A_65 = arith.index_cast %mul3A_58 : i32 to index
      %swap3A_66 = tpu.vector_load %arg10[%swap3A_65] {strides = array<i32>} : memref<8192xi32, #tpu.memory_space<vmem>>, vector<16xi32>,
      tpu.vector_store %arg10[%swap3A_65], %add3A_63 {strides = array<i32>} : memref<8192xi32, #tpu.memory_space<vmem>>, vector<16xi32>,
      %scan3A_67 = arith.constant 0 : i32
      scf.yield %scan3A_67 : i32
    }
    %scan3A_13 = arith.constant 16 : i32
    %broadcast_in_dim3A = arith.constant 0 : i32
    %broadcast_in_dim3A_14 = vector.broadcast %broadcast_in_dim3A : i32 to vector<16xi32>
    %add3A = arith.constant 256 : i32
    %add3A_15 = vector.broadcast %add3A : i32 to vector<16xi32>
    %add3A_16 = arith.addi %broadcast_in_dim3A_14, %add3A_15 : vector<16xi32>
    %scan3A_17 = arith.constant 0 : i32
    %scan3A_18 = arith.constant 8 : i32
    %scan3A_19 = arith.addi %scan3A_17, %scan3A_18 : i32
    %scan3A_20 = arith.constant 1 : i32
    %scan3A_21 = scf.for %scan3A_55 = %scan3A_17 to %scan3A_19 step %scan3A_20 iter_args(%scan3A_56 = %add3A_16) -> (vector<16xi32>)  : i32 {
      %mul3A_57 = arith.constant 8192 : i32
      %mul3A_58 = arith.muli %scan3A_55, %mul3A_57 : i32
      "tpu.region"() ({
        %run_scoped3A = tpu.sem_alloc : memref<!tpu.dma_semaphore, #tpu.memory_space<semaphore_mem>>
        %dma_start3A = tpu.memref_slice %arg2[%mul3A_58] : memref<65536xi32, #tpu.memory_space<hbm>> -> memref<8192xi32, #tpu.memory_space<hbm>>
        %dma_start3A_64 = tpu.memref_slice %arg2[%mul3A_58] : memref<65536xi32, #tpu.memory_space<hbm>> -> memref<8192xi32, #tpu.memory_space<hbm>>
        tpu.enqueue_dma source(%dma_start3A_64 : memref<8192xi32, #tpu.memory_space<hbm>>) target(%arg7 : memref<8192xi32, #tpu.memory_space<vmem>>) target_semaphore(%run_scoped3A : memref<!tpu.dma_semaphore, #tpu.memory_space<semaphore_mem>>)
        %dma_wait3A = tpu.memref_slice %arg2[%mul3A_58] : memref<65536xi32, #tpu.memory_space<hbm>> -> memref<8192xi32, #tpu.memory_space<hbm>>
        %dma_wait3A_65 = tpu.memref_slice %arg2[%mul3A_58] : memref<65536xi32, #tpu.memory_space<hbm>> -> memref<8192xi32, #tpu.memory_space<hbm>>
        tpu.wait_dma2 semaphore(%run_scoped3A : memref<!tpu.dma_semaphore, #tpu.memory_space<semaphore_mem>>) src(%dma_wait3A_65 : memref<8192xi32, #tpu.memory_space<hbm>>) dst(%arg7 : memref<8192xi32, #tpu.memory_space<vmem>>)
        tpu.yield
      }) : () -> ()
      %mul3A_59 = arith.constant 8192 : i32
      %mul3A_60 = arith.muli %scan3A_55, %mul3A_59 : i32
      "tpu.region"() ({
        %run_scoped3A = tpu.sem_alloc : memref<!tpu.dma_semaphore, #tpu.memory_space<semaphore_mem>>
        %dma_start3A = tpu.memref_slice %arg3[%mul3A_60] : memref<65536xi32, #tpu.memory_space<hbm>> -> memref<8192xi32, #tpu.memory_space<hbm>>
        %dma_start3A_64 = tpu.memref_slice %arg3[%mul3A_60] : memref<65536xi32, #tpu.memory_space<hbm>> -> memref<8192xi32, #tpu.memory_space<hbm>>
        tpu.enqueue_dma source(%dma_start3A_64 : memref<8192xi32, #tpu.memory_space<hbm>>) target(%arg8 : memref<8192xi32, #tpu.memory_space<vmem>>) target_semaphore(%run_scoped3A : memref<!tpu.dma_semaphore, #tpu.memory_space<semaphore_mem>>)
        %dma_wait3A = tpu.memref_slice %arg3[%mul3A_60] : memref<65536xi32, #tpu.memory_space<hbm>> -> memref<8192xi32, #tpu.memory_space<hbm>>
        %dma_wait3A_65 = tpu.memref_slice %arg3[%mul3A_60] : memref<65536xi32, #tpu.memory_space<hbm>> -> memref<8192xi32, #tpu.memory_space<hbm>>
        tpu.wait_dma2 semaphore(%run_scoped3A : memref<!tpu.dma_semaphore, #tpu.memory_space<semaphore_mem>>) src(%dma_wait3A_65 : memref<8192xi32, #tpu.memory_space<hbm>>) dst(%arg8 : memref<8192xi32, #tpu.memory_space<vmem>>)
        tpu.yield
      }) : () -> ()
      %parallel_loop3A = arith.constant 0 : i32
      %parallel_loop3A_61 = arith.constant 512 : i32
      %parallel_loop3A_62 = arith.constant 1 : i32
      %parallel_loop3A_63 = scf.for %parallel_loop3A_64 = %parallel_loop3A to %parallel_loop3A_61 step %parallel_loop3A_62 iter_args(%parallel_loop3A_65 = %scan3A_56) -> (vector<16xi32>)  : i32 {
        %parallel_loop3A_66 = arith.constant 16 : i32
        %parallel_loop3A_67 = arith.muli %parallel_loop3A_64, %parallel_loop3A_66 : i32
        %parallel_loop3A_68 = arith.index_cast %parallel_loop3A_67 : i32 to index
        %parallel_loop3A_69 = tpu.vector_load %arg7[%parallel_loop3A_68] {strides = array<i32>} : memref<8192xi32, #tpu.memory_space<vmem>>, vector<16xi32>,
        %parallel_loop3A_70 = arith.index_cast %parallel_loop3A_67 : i32 to index
        %parallel_loop3A_71 = tpu.vector_load %arg8[%parallel_loop3A_70] {strides = array<i32>} : memref<8192xi32, #tpu.memory_space<vmem>>, vector<16xi32>,
        %parallel_loop3A_72 = arith.constant 256 : i32
        %parallel_loop3A_73 = vector.broadcast %parallel_loop3A_72 : i32 to vector<16xi32>
        %parallel_loop3A_74 = arith.divsi %parallel_loop3A_71, %parallel_loop3A_73 : vector<16xi32>
        %parallel_loop3A_75 = arith.constant 0 : i32
        %parallel_loop3A_76 = vector.broadcast %parallel_loop3A_75 : i32 to vector<16xi32>
        %parallel_loop3A_77 = arith.cmpi sgt, %parallel_loop3A_71, %parallel_loop3A_76 : vector<16xi32>
        %parallel_loop3A_78 = arith.extui %parallel_loop3A_77 : vector<16xi1> to vector<16xi32>
        %parallel_loop3A_79 = arith.constant 0 : i32
        %parallel_loop3A_80 = vector.broadcast %parallel_loop3A_79 : i32 to vector<16xi32>
        %parallel_loop3A_81 = arith.cmpi slt, %parallel_loop3A_71, %parallel_loop3A_80 : vector<16xi32>
        %parallel_loop3A_82 = arith.extui %parallel_loop3A_81 : vector<16xi1> to vector<16xi32>
        %parallel_loop3A_83 = arith.subi %parallel_loop3A_78, %parallel_loop3A_82 : vector<16xi32>
        %parallel_loop3A_84 = arith.constant 0 : i32
        %parallel_loop3A_85 = arith.cmpi sgt, %parallel_loop3A_72, %parallel_loop3A_84 : i32
        %parallel_loop3A_86 = arith.extui %parallel_loop3A_85 : i1 to i32
        %parallel_loop3A_87 = arith.constant 0 : i32
        %parallel_loop3A_88 = arith.cmpi slt, %parallel_loop3A_72, %parallel_loop3A_87 : i32
        %parallel_loop3A_89 = arith.extui %parallel_loop3A_88 : i1 to i32
        %parallel_loop3A_90 = arith.subi %parallel_loop3A_86, %parallel_loop3A_89 : i32
        %parallel_loop3A_91 = vector.broadcast %parallel_loop3A_90 : i32 to vector<16xi32>
        %parallel_loop3A_92 = arith.cmpi ne, %parallel_loop3A_83, %parallel_loop3A_91 : vector<16xi32>
        %parallel_loop3A_93 = vector.broadcast %parallel_loop3A_72 : i32 to vector<16xi32>
        %parallel_loop3A_94 = arith.remsi %parallel_loop3A_71, %parallel_loop3A_93 : vector<16xi32>
        %parallel_loop3A_95 = arith.constant 0 : i32
        %parallel_loop3A_96 = vector.broadcast %parallel_loop3A_95 : i32 to vector<16xi32>
        %parallel_loop3A_97 = arith.cmpi ne, %parallel_loop3A_94, %parallel_loop3A_96 : vector<16xi32>
        %parallel_loop3A_98 = arith.andi %parallel_loop3A_92, %parallel_loop3A_97 : vector<16xi1>
        %parallel_loop3A_99 = arith.constant 1 : i32
        %parallel_loop3A_100 = vector.broadcast %parallel_loop3A_99 : i32 to vector<16xi32>
        %parallel_loop3A_101 = arith.subi %parallel_loop3A_74, %parallel_loop3A_100 : vector<16xi32>
        %parallel_loop3A_102 = arith.select %parallel_loop3A_98, %parallel_loop3A_101, %parallel_loop3A_74 : vector<16xi1>, vector<16xi32>
        %parallel_loop3A_103 = vector.broadcast %arg1 : i32 to vector<16xi32>
        %parallel_loop3A_104 = arith.cmpi eq, %parallel_loop3A_102, %parallel_loop3A_103 : vector<16xi32>
        %parallel_loop3A_105 = arith.extui %parallel_loop3A_104 : vector<16xi1> to vector<16xi32>
        %parallel_loop3A_106 = arith.constant true
        %parallel_loop3A_107 = vector.broadcast %parallel_loop3A_106 : i1 to vector<16xi1>
        %parallel_loop3A_108 = tpu.scan <sum>, %parallel_loop3A_105 masked %parallel_loop3A_107 : vector<16xi32>, vector<16xi1> -> vector<16xi32>
        %parallel_loop3A_109 = arith.addi %parallel_loop3A_65, %parallel_loop3A_108 : vector<16xi32>
        %parallel_loop3A_110 = arith.constant 1 : i32
        %parallel_loop3A_111 = vector.broadcast %parallel_loop3A_110 : i32 to vector<16xi32>
        %parallel_loop3A_112 = arith.subi %parallel_loop3A_109, %parallel_loop3A_111 : vector<16xi32>
        %parallel_loop3A_113 = arith.constant 8192 : i32
        %parallel_loop3A_114 = vector.broadcast %parallel_loop3A_113 : i32 to vector<16xi32>
        %parallel_loop3A_115 = arith.cmpi slt, %parallel_loop3A_112, %parallel_loop3A_114 : vector<16xi32>
        %parallel_loop3A_116 = arith.andi %parallel_loop3A_104, %parallel_loop3A_115 : vector<16xi1>
        tpu.vector_store_idx %arg9[%parallel_loop3A_112], %parallel_loop3A_69 masked %parallel_loop3A_116 : memref<8192xi32, #tpu.memory_space<vmem>>[vector<16xi32>], vector<16xi32>, vector<16xi1>
        tpu.vector_store_idx %arg10[%parallel_loop3A_112], %parallel_loop3A_71 masked %parallel_loop3A_116 : memref<8192xi32, #tpu.memory_space<vmem>>[vector<16xi32>], vector<16xi32>, vector<16xi1>
        %parallel_loop3A_117 = tpu.all_reduce %parallel_loop3A_104 {dim = 0 : i64, kind = #tpu.reduction_kind<sum>} : vector<16xi1> -> vector<16xi32>
        %parallel_loop3A_118 = arith.addi %parallel_loop3A_65, %parallel_loop3A_117 : vector<16xi32>
        scf.yield %parallel_loop3A_118 : vector<16xi32>
      } {sc.loop_unroll_factor = 4 : i64, sc.parallel_access}
      scf.yield %parallel_loop3A_63 : vector<16xi32>
    }
    %scan3A_22 = arith.constant 8 : i32
    %reduce_max3A = arith.constant true
    %reduce_max3A_23 = vector.broadcast %reduce_max3A : i1 to vector<16xi1>
    %reduce_max3A_24 = arith.constant -2147483648 : i32
    %reduce_max3A_25 = vector.broadcast %reduce_max3A_24 : i32 to vector<16xi32>
    %reduce_max3A_26 = arith.xori %scan3A_21, %reduce_max3A_25 : vector<16xi32>
    %reduce_max3A_27 = tpu.scan <max>, %reduce_max3A_26 masked %reduce_max3A_23 : vector<16xi32>, vector<16xi1> -> vector<16xi32>
    %reduce_max3A_28 = arith.xori %reduce_max3A_27, %reduce_max3A_25 : vector<16xi32>
    %reduce_max3A_29 = vector.extract %reduce_max3A_28[15] : i32 from vector<16xi32>
    %min3A = arith.constant 8192 : i32
    %min3A_30 = arith.minsi %reduce_max3A_29, %min3A : i32
    %add3A_31 = arith.constant 15 : i32
    %add3A_32 = arith.addi %min3A_30, %add3A_31 : i32
    %jit3A = arith.constant 16 : i32
    %div3A = arith.divsi %add3A_32, %jit3A : i32
    %sign3A = arith.constant 0 : i32
    %sign3A_33 = arith.cmpi sgt, %add3A_32, %sign3A : i32
    %sign3A_34 = arith.extui %sign3A_33 : i1 to i32
    %sign3A_35 = arith.constant 0 : i32
    %sign3A_36 = arith.cmpi slt, %add3A_32, %sign3A_35 : i32
    %sign3A_37 = arith.extui %sign3A_36 : i1 to i32
    %sign3A_38 = arith.subi %sign3A_34, %sign3A_37 : i32
    %sign3A_39 = arith.constant 0 : i32
    %sign3A_40 = arith.cmpi sgt, %jit3A, %sign3A_39 : i32
    %sign3A_41 = arith.extui %sign3A_40 : i1 to i32
    %sign3A_42 = arith.constant 0 : i32
    %sign3A_43 = arith.cmpi slt, %jit3A, %sign3A_42 : i32
    %sign3A_44 = arith.extui %sign3A_43 : i1 to i32
    %sign3A_45 = arith.subi %sign3A_41, %sign3A_44 : i32
    %ne3A = arith.cmpi ne, %sign3A_38, %sign3A_45 : i32
    %rem3A = arith.remsi %add3A_32, %jit3A : i32
    %ne3A_46 = arith.constant 0 : i32
    %ne3A_47 = arith.cmpi ne, %rem3A, %ne3A_46 : i32
    %and3A = arith.andi %ne3A, %ne3A_47 : i1
    %sub3A = arith.constant 1 : i32
    %sub3A_48 = arith.subi %div3A, %sub3A : i32
    %select_n3A = arith.select %and3A, %sub3A_48, %div3A : i32
    %scan3A_49 = arith.constant 0 : i32
    %scan3A_50 = arith.constant 0 : i32
    %scan3A_51 = arith.constant 10 : i32
    %scan3A_52 = arith.addi %scan3A_50, %scan3A_51 : i32
    %scan3A_53 = arith.constant 1 : i32
    scf.for %scan3A_55 = %scan3A_50 to %scan3A_52 step %scan3A_53  : i32 {
      %mul3A_56 = arith.constant 9 : i32
      %mul3A_57 = arith.muli %mul3A_56, %scan3A_55 : i32
      %add3A_58 = arith.constant 0 : i32
      %add3A_59 = arith.addi %mul3A_57, %add3A_58 : i32
      %broadcast_in_dim3A_60 = arith.constant 0 : i32
      %broadcast_in_dim3A_61 = vector.broadcast %broadcast_in_dim3A_60 : i32 to vector<16xi32>
      %add3A_62 = vector.broadcast %add3A_59 : i32 to vector<16xi32>
      %add3A_63 = arith.addi %broadcast_in_dim3A_61, %add3A_62 : vector<16xi32>
      %gather3A = tpu.vector_load_idx %arg11[%add3A_63] : memref<192xf32, #tpu.memory_space<vmem>>[vector<16xi32>], vector<16xf32>,
      %mul3A_64 = arith.constant 9 : i32
      %mul3A_65 = arith.muli %mul3A_64, %scan3A_55 : i32
      %add3A_66 = arith.constant 1 : i32
      %add3A_67 = arith.addi %mul3A_65, %add3A_66 : i32
      %broadcast_in_dim3A_68 = arith.constant 0 : i32
      %broadcast_in_dim3A_69 = vector.broadcast %broadcast_in_dim3A_68 : i32 to vector<16xi32>
      %add3A_70 = vector.broadcast %add3A_67 : i32 to vector<16xi32>
      %add3A_71 = arith.addi %broadcast_in_dim3A_69, %add3A_70 : vector<16xi32>
      %gather3A_72 = tpu.vector_load_idx %arg11[%add3A_71] : memref<192xf32, #tpu.memory_space<vmem>>[vector<16xi32>], vector<16xf32>,
      %mul3A_73 = arith.constant 9 : i32
      %mul3A_74 = arith.muli %mul3A_73, %scan3A_55 : i32
      %add3A_75 = arith.constant 2 : i32
      %add3A_76 = arith.addi %mul3A_74, %add3A_75 : i32
      %broadcast_in_dim3A_77 = arith.constant 0 : i32
      %broadcast_in_dim3A_78 = vector.broadcast %broadcast_in_dim3A_77 : i32 to vector<16xi32>
      %add3A_79 = vector.broadcast %add3A_76 : i32 to vector<16xi32>
      %add3A_80 = arith.addi %broadcast_in_dim3A_78, %add3A_79 : vector<16xi32>
      %gather3A_81 = tpu.vector_load_idx %arg11[%add3A_80] : memref<192xf32, #tpu.memory_space<vmem>>[vector<16xi32>], vector<16xf32>,
      %mul3A_82 = arith.constant 9 : i32
      %mul3A_83 = arith.muli %mul3A_82, %scan3A_55 : i32
      %add3A_84 = arith.constant 3 : i32
      %add3A_85 = arith.addi %mul3A_83, %add3A_84 : i32
      %broadcast_in_dim3A_86 = arith.constant 0 : i32
      %broadcast_in_dim3A_87 = vector.broadcast %broadcast_in_dim3A_86 : i32 to vector<16xi32>
      %add3A_88 = vector.broadcast %add3A_85 : i32 to vector<16xi32>
      %add3A_89 = arith.addi %broadcast_in_dim3A_87, %add3A_88 : vector<16xi32>
      %gather3A_90 = tpu.vector_load_idx %arg11[%add3A_89] : memref<192xf32, #tpu.memory_space<vmem>>[vector<16xi32>], vector<16xf32>,
      %mul3A_91 = arith.constant 9 : i32
      %mul3A_92 = arith.muli %mul3A_91, %scan3A_55 : i32
      %add3A_93 = arith.constant 4 : i32
      %add3A_94 = arith.addi %mul3A_92, %add3A_93 : i32
      %broadcast_in_dim3A_95 = arith.constant 0 : i32
      %broadcast_in_dim3A_96 = vector.broadcast %broadcast_in_dim3A_95 : i32 to vector<16xi32>
      %add3A_97 = vector.broadcast %add3A_94 : i32 to vector<16xi32>
      %add3A_98 = arith.addi %broadcast_in_dim3A_96, %add3A_97 : vector<16xi32>
      %gather3A_99 = tpu.vector_load_idx %arg11[%add3A_98] : memref<192xf32, #tpu.memory_space<vmem>>[vector<16xi32>], vector<16xf32>,
      %mul3A_100 = arith.constant 9 : i32
      %mul3A_101 = arith.muli %mul3A_100, %scan3A_55 : i32
      %add3A_102 = arith.constant 5 : i32
      %add3A_103 = arith.addi %mul3A_101, %add3A_102 : i32
      %broadcast_in_dim3A_104 = arith.constant 0 : i32
      %broadcast_in_dim3A_105 = vector.broadcast %broadcast_in_dim3A_104 : i32 to vector<16xi32>
      %add3A_106 = vector.broadcast %add3A_103 : i32 to vector<16xi32>
      %add3A_107 = arith.addi %broadcast_in_dim3A_105, %add3A_106 : vector<16xi32>
      %gather3A_108 = tpu.vector_load_idx %arg11[%add3A_107] : memref<192xf32, #tpu.memory_space<vmem>>[vector<16xi32>], vector<16xf32>,
      %mul3A_109 = arith.constant 9 : i32
      %mul3A_110 = arith.muli %mul3A_109, %scan3A_55 : i32
      %add3A_111 = arith.constant 6 : i32
      %add3A_112 = arith.addi %mul3A_110, %add3A_111 : i32
      %broadcast_in_dim3A_113 = arith.constant 0 : i32
      %broadcast_in_dim3A_114 = vector.broadcast %broadcast_in_dim3A_113 : i32 to vector<16xi32>
      %add3A_115 = vector.broadcast %add3A_112 : i32 to vector<16xi32>
      %add3A_116 = arith.addi %broadcast_in_dim3A_114, %add3A_115 : vector<16xi32>
      %gather3A_117 = tpu.vector_load_idx %arg11[%add3A_116] : memref<192xf32, #tpu.memory_space<vmem>>[vector<16xi32>], vector<16xf32>,
      %mul3A_118 = arith.constant 9 : i32
      %mul3A_119 = arith.muli %mul3A_118, %scan3A_55 : i32
      %add3A_120 = arith.constant 7 : i32
      %add3A_121 = arith.addi %mul3A_119, %add3A_120 : i32
      %broadcast_in_dim3A_122 = arith.constant 0 : i32
      %broadcast_in_dim3A_123 = vector.broadcast %broadcast_in_dim3A_122 : i32 to vector<16xi32>
      %add3A_124 = vector.broadcast %add3A_121 : i32 to vector<16xi32>
      %add3A_125 = arith.addi %broadcast_in_dim3A_123, %add3A_124 : vector<16xi32>
      %gather3A_126 = tpu.vector_load_idx %arg11[%add3A_125] : memref<192xf32, #tpu.memory_space<vmem>>[vector<16xi32>], vector<16xf32>,
      %mul3A_127 = arith.constant 9 : i32
      %mul3A_128 = arith.muli %mul3A_127, %scan3A_55 : i32
      %add3A_129 = arith.constant 8 : i32
      %add3A_130 = arith.addi %mul3A_128, %add3A_129 : i32
      %broadcast_in_dim3A_131 = arith.constant 0 : i32
      %broadcast_in_dim3A_132 = vector.broadcast %broadcast_in_dim3A_131 : i32 to vector<16xi32>
      %add3A_133 = vector.broadcast %add3A_130 : i32 to vector<16xi32>
      %add3A_134 = arith.addi %broadcast_in_dim3A_132, %add3A_133 : vector<16xi32>
      %gather3A_135 = tpu.vector_load_idx %arg11[%add3A_134] : memref<192xf32, #tpu.memory_space<vmem>>[vector<16xi32>], vector<16xf32>,
      %mul3A_136 = arith.constant 3 : i32
      %mul3A_137 = arith.muli %mul3A_136, %scan3A_55 : i32
      %add3A_138 = arith.constant 90 : i32
      %add3A_139 = arith.addi %add3A_138, %mul3A_137 : i32
      %add3A_140 = arith.constant 0 : i32
      %add3A_141 = arith.addi %add3A_139, %add3A_140 : i32
      %broadcast_in_dim3A_142 = arith.constant 0 : i32
      %broadcast_in_dim3A_143 = vector.broadcast %broadcast_in_dim3A_142 : i32 to vector<16xi32>
      %add3A_144 = vector.broadcast %add3A_141 : i32 to vector<16xi32>
      %add3A_145 = arith.addi %broadcast_in_dim3A_143, %add3A_144 : vector<16xi32>
      %gather3A_146 = tpu.vector_load_idx %arg11[%add3A_145] : memref<192xf32, #tpu.memory_space<vmem>>[vector<16xi32>], vector<16xf32>,
      %mul3A_147 = arith.constant 3 : i32
      %mul3A_148 = arith.muli %mul3A_147, %scan3A_55 : i32
      %add3A_149 = arith.constant 90 : i32
      %add3A_150 = arith.addi %add3A_149, %mul3A_148 : i32
      %add3A_151 = arith.constant 1 : i32
      %add3A_152 = arith.addi %add3A_150, %add3A_151 : i32
      %broadcast_in_dim3A_153 = arith.constant 0 : i32
      %broadcast_in_dim3A_154 = vector.broadcast %broadcast_in_dim3A_153 : i32 to vector<16xi32>
      %add3A_155 = vector.broadcast %add3A_152 : i32 to vector<16xi32>
      %add3A_156 = arith.addi %broadcast_in_dim3A_154, %add3A_155 : vector<16xi32>
      %gather3A_157 = tpu.vector_load_idx %arg11[%add3A_156] : memref<192xf32, #tpu.memory_space<vmem>>[vector<16xi32>], vector<16xf32>,
      %mul3A_158 = arith.constant 3 : i32
      %mul3A_159 = arith.muli %mul3A_158, %scan3A_55 : i32
      %add3A_160 = arith.constant 90 : i32
      %add3A_161 = arith.addi %add3A_160, %mul3A_159 : i32
      %add3A_162 = arith.constant 2 : i32
      %add3A_163 = arith.addi %add3A_161, %add3A_162 : i32
      %broadcast_in_dim3A_164 = arith.constant 0 : i32
      %broadcast_in_dim3A_165 = vector.broadcast %broadcast_in_dim3A_164 : i32 to vector<16xi32>
      %add3A_166 = vector.broadcast %add3A_163 : i32 to vector<16xi32>
      %add3A_167 = arith.addi %broadcast_in_dim3A_165, %add3A_166 : vector<16xi32>
      %gather3A_168 = tpu.vector_load_idx %arg11[%add3A_167] : memref<192xf32, #tpu.memory_space<vmem>>[vector<16xi32>], vector<16xf32>,
      %mul3A_169 = arith.constant 3 : i32
      %mul3A_170 = arith.muli %mul3A_169, %scan3A_55 : i32
      %add3A_171 = arith.constant 120 : i32
      %add3A_172 = arith.addi %add3A_171, %mul3A_170 : i32
      %add3A_173 = arith.constant 0 : i32
      %add3A_174 = arith.addi %add3A_172, %add3A_173 : i32
      %broadcast_in_dim3A_175 = arith.constant 0 : i32
      %broadcast_in_dim3A_176 = vector.broadcast %broadcast_in_dim3A_175 : i32 to vector<16xi32>
      %add3A_177 = vector.broadcast %add3A_174 : i32 to vector<16xi32>
      %add3A_178 = arith.addi %broadcast_in_dim3A_176, %add3A_177 : vector<16xi32>
      %gather3A_179 = tpu.vector_load_idx %arg11[%add3A_178] : memref<192xf32, #tpu.memory_space<vmem>>[vector<16xi32>], vector<16xf32>,
      %mul3A_180 = arith.constant 3 : i32
      %mul3A_181 = arith.muli %mul3A_180, %scan3A_55 : i32
      %add3A_182 = arith.constant 120 : i32
      %add3A_183 = arith.addi %add3A_182, %mul3A_181 : i32
      %add3A_184 = arith.constant 1 : i32
      %add3A_185 = arith.addi %add3A_183, %add3A_184 : i32
      %broadcast_in_dim3A_186 = arith.constant 0 : i32
      %broadcast_in_dim3A_187 = vector.broadcast %broadcast_in_dim3A_186 : i32 to vector<16xi32>
      %add3A_188 = vector.broadcast %add3A_185 : i32 to vector<16xi32>
      %add3A_189 = arith.addi %broadcast_in_dim3A_187, %add3A_188 : vector<16xi32>
      %gather3A_190 = tpu.vector_load_idx %arg11[%add3A_189] : memref<192xf32, #tpu.memory_space<vmem>>[vector<16xi32>], vector<16xf32>,
      %mul3A_191 = arith.constant 3 : i32
      %mul3A_192 = arith.muli %mul3A_191, %scan3A_55 : i32
      %add3A_193 = arith.constant 120 : i32
      %add3A_194 = arith.addi %add3A_193, %mul3A_192 : i32
      %add3A_195 = arith.constant 2 : i32
      %add3A_196 = arith.addi %add3A_194, %add3A_195 : i32
      %broadcast_in_dim3A_197 = arith.constant 0 : i32
      %broadcast_in_dim3A_198 = vector.broadcast %broadcast_in_dim3A_197 : i32 to vector<16xi32>
      %add3A_199 = vector.broadcast %add3A_196 : i32 to vector<16xi32>
      %add3A_200 = arith.addi %broadcast_in_dim3A_198, %add3A_199 : vector<16xi32>
      %gather3A_201 = tpu.vector_load_idx %arg11[%add3A_200] : memref<192xf32, #tpu.memory_space<vmem>>[vector<16xi32>], vector<16xf32>,
      %mul3A_202 = arith.constant 3 : i32
      %mul3A_203 = arith.muli %mul3A_202, %scan3A_55 : i32
      %add3A_204 = arith.constant 150 : i32
      %add3A_205 = arith.addi %add3A_204, %mul3A_203 : i32
      %add3A_206 = arith.constant 0 : i32
      %add3A_207 = arith.addi %add3A_205, %add3A_206 : i32
      %broadcast_in_dim3A_208 = arith.constant 0 : i32
      %broadcast_in_dim3A_209 = vector.broadcast %broadcast_in_dim3A_208 : i32 to vector<16xi32>
      %add3A_210 = vector.broadcast %add3A_207 : i32 to vector<16xi32>
      %add3A_211 = arith.addi %broadcast_in_dim3A_209, %add3A_210 : vector<16xi32>
      %gather3A_212 = tpu.vector_load_idx %arg11[%add3A_211] : memref<192xf32, #tpu.memory_space<vmem>>[vector<16xi32>], vector<16xf32>,
      %mul3A_213 = arith.constant 3 : i32
      %mul3A_214 = arith.muli %mul3A_213, %scan3A_55 : i32
      %add3A_215 = arith.constant 150 : i32
      %add3A_216 = arith.addi %add3A_215, %mul3A_214 : i32
      %add3A_217 = arith.constant 1 : i32
      %add3A_218 = arith.addi %add3A_216, %add3A_217 : i32
      %broadcast_in_dim3A_219 = arith.constant 0 : i32
      %broadcast_in_dim3A_220 = vector.broadcast %broadcast_in_dim3A_219 : i32 to vector<16xi32>
      %add3A_221 = vector.broadcast %add3A_218 : i32 to vector<16xi32>
      %add3A_222 = arith.addi %broadcast_in_dim3A_220, %add3A_221 : vector<16xi32>
      %gather3A_223 = tpu.vector_load_idx %arg11[%add3A_222] : memref<192xf32, #tpu.memory_space<vmem>>[vector<16xi32>], vector<16xf32>,
      %mul3A_224 = arith.constant 3 : i32
      %mul3A_225 = arith.muli %mul3A_224, %scan3A_55 : i32
      %add3A_226 = arith.constant 150 : i32
      %add3A_227 = arith.addi %add3A_226, %mul3A_225 : i32
      %add3A_228 = arith.constant 2 : i32
      %add3A_229 = arith.addi %add3A_227, %add3A_228 : i32
      %broadcast_in_dim3A_230 = arith.constant 0 : i32
      %broadcast_in_dim3A_231 = vector.broadcast %broadcast_in_dim3A_230 : i32 to vector<16xi32>
      %add3A_232 = vector.broadcast %add3A_229 : i32 to vector<16xi32>
      %add3A_233 = arith.addi %broadcast_in_dim3A_231, %add3A_232 : vector<16xi32>
      %gather3A_234 = tpu.vector_load_idx %arg11[%add3A_233] : memref<192xf32, #tpu.memory_space<vmem>>[vector<16xi32>], vector<16xf32>,
      %parallel_loop3A = arith.constant 0 : i32
      %parallel_loop3A_235 = arith.constant 256 : i32
      %parallel_loop3A_236 = arith.constant 1 : i32
      scf.for %parallel_loop3A_268 = %parallel_loop3A to %parallel_loop3A_235 step %parallel_loop3A_236  : i32 {
        %parallel_loop3A_269 = arith.constant 16 : i32
        %parallel_loop3A_270 = arith.muli %parallel_loop3A_268, %parallel_loop3A_269 : i32
        %parallel_loop3A_271 = arith.index_cast %parallel_loop3A_270 : i32 to index
        %parallel_loop3A_272 = tpu.vector_load %arg12[%parallel_loop3A_271] {strides = array<i32>} : memref<4096xf32, #tpu.memory_space<vmem>>, vector<16xf32>,
        %parallel_loop3A_273 = arith.index_cast %parallel_loop3A_270 : i32 to index
        %parallel_loop3A_274 = tpu.vector_load %arg13[%parallel_loop3A_273] {strides = array<i32>} : memref<4096xf32, #tpu.memory_space<vmem>>, vector<16xf32>,
        %parallel_loop3A_275 = arith.index_cast %parallel_loop3A_270 : i32 to index
        %parallel_loop3A_276 = tpu.vector_load %arg14[%parallel_loop3A_275] {strides = array<i32>} : memref<4096xf32, #tpu.memory_space<vmem>>, vector<16xf32>,
        %parallel_loop3A_277 = arith.mulf %parallel_loop3A_272, %gather3A : vector<16xf32>
        %parallel_loop3A_278 = arith.mulf %parallel_loop3A_274, %gather3A_90 : vector<16xf32>
        %parallel_loop3A_279 = arith.addf %parallel_loop3A_277, %parallel_loop3A_278 : vector<16xf32>
        %parallel_loop3A_280 = arith.mulf %parallel_loop3A_276, %gather3A_117 : vector<16xf32>
        %parallel_loop3A_281 = arith.addf %parallel_loop3A_279, %parallel_loop3A_280 : vector<16xf32>
        %parallel_loop3A_282 = arith.mulf %parallel_loop3A_272, %gather3A_72 : vector<16xf32>
        %parallel_loop3A_283 = arith.mulf %parallel_loop3A_274, %gather3A_99 : vector<16xf32>
        %parallel_loop3A_284 = arith.addf %parallel_loop3A_282, %parallel_loop3A_283 : vector<16xf32>
        %parallel_loop3A_285 = arith.mulf %parallel_loop3A_276, %gather3A_126 : vector<16xf32>
        %parallel_loop3A_286 = arith.addf %parallel_loop3A_284, %parallel_loop3A_285 : vector<16xf32>
        %parallel_loop3A_287 = arith.mulf %parallel_loop3A_272, %gather3A_81 : vector<16xf32>
        %parallel_loop3A_288 = arith.mulf %parallel_loop3A_274, %gather3A_108 : vector<16xf32>
        %parallel_loop3A_289 = arith.addf %parallel_loop3A_287, %parallel_loop3A_288 : vector<16xf32>
        %parallel_loop3A_290 = arith.mulf %parallel_loop3A_276, %gather3A_135 : vector<16xf32>
        %parallel_loop3A_291 = arith.addf %parallel_loop3A_289, %parallel_loop3A_290 : vector<16xf32>
        %parallel_loop3A_292 = arith.index_cast %parallel_loop3A_270 : i32 to index
        %parallel_loop3A_293 = tpu.vector_load %arg15[%parallel_loop3A_292] {strides = array<i32>} : memref<4096xf32, #tpu.memory_space<vmem>>, vector<16xf32>,
        tpu.vector_store %arg15[%parallel_loop3A_292], %parallel_loop3A_281 {strides = array<i32>} : memref<4096xf32, #tpu.memory_space<vmem>>, vector<16xf32>,
        %parallel_loop3A_294 = arith.index_cast %parallel_loop3A_270 : i32 to index
        %parallel_loop3A_295 = tpu.vector_load %arg16[%parallel_loop3A_294] {strides = array<i32>} : memref<4096xf32, #tpu.memory_space<vmem>>, vector<16xf32>,
        tpu.vector_store %arg16[%parallel_loop3A_294], %parallel_loop3A_286 {strides = array<i32>} : memref<4096xf32, #tpu.memory_space<vmem>>, vector<16xf32>,
        %parallel_loop3A_296 = arith.index_cast %parallel_loop3A_270 : i32 to index
        %parallel_loop3A_297 = tpu.vector_load %arg17[%parallel_loop3A_296] {strides = array<i32>} : memref<4096xf32, #tpu.memory_space<vmem>>, vector<16xf32>,
        tpu.vector_store %arg17[%parallel_loop3A_296], %parallel_loop3A_291 {strides = array<i32>} : memref<4096xf32, #tpu.memory_space<vmem>>, vector<16xf32>,
        %parallel_loop3A_298 = arith.mulf %parallel_loop3A_281, %gather3A_146 : vector<16xf32>
        %parallel_loop3A_299 = arith.mulf %parallel_loop3A_286, %gather3A_157 : vector<16xf32>
        %parallel_loop3A_300 = arith.addf %parallel_loop3A_298, %parallel_loop3A_299 : vector<16xf32>
        %parallel_loop3A_301 = arith.mulf %parallel_loop3A_291, %gather3A_168 : vector<16xf32>
        %parallel_loop3A_302 = arith.addf %parallel_loop3A_300, %parallel_loop3A_301 : vector<16xf32>
        %parallel_loop3A_303 = arith.index_cast %parallel_loop3A_270 : i32 to index
        %parallel_loop3A_304 = tpu.vector_load %arg18[%parallel_loop3A_303] {strides = array<i32>} : memref<4096xf32, #tpu.memory_space<vmem>>, vector<16xf32>,
        tpu.vector_store %arg18[%parallel_loop3A_303], %parallel_loop3A_302 {strides = array<i32>} : memref<4096xf32, #tpu.memory_space<vmem>>, vector<16xf32>,
        %parallel_loop3A_305 = arith.mulf %parallel_loop3A_281, %gather3A_179 : vector<16xf32>
        %parallel_loop3A_306 = arith.mulf %parallel_loop3A_286, %gather3A_190 : vector<16xf32>
        %parallel_loop3A_307 = arith.addf %parallel_loop3A_305, %parallel_loop3A_306 : vector<16xf32>
        %parallel_loop3A_308 = arith.mulf %parallel_loop3A_291, %gather3A_201 : vector<16xf32>
        %parallel_loop3A_309 = arith.addf %parallel_loop3A_307, %parallel_loop3A_308 : vector<16xf32>
        %parallel_loop3A_310 = arith.index_cast %parallel_loop3A_270 : i32 to index
        %parallel_loop3A_311 = tpu.vector_load %arg19[%parallel_loop3A_310] {strides = array<i32>} : memref<4096xf32, #tpu.memory_space<vmem>>, vector<16xf32>,
        tpu.vector_store %arg19[%parallel_loop3A_310], %parallel_loop3A_309 {strides = array<i32>} : memref<4096xf32, #tpu.memory_space<vmem>>, vector<16xf32>,
      } {sc.loop_unroll_factor = 4 : i64, sc.parallel_access}
      %parallel_loop3A_237 = arith.constant 0 : i32
      %parallel_loop3A_238 = arith.constant 16 : i32
      %parallel_loop3A_239 = arith.constant 1 : i32
      scf.for %parallel_loop3A_268 = %parallel_loop3A_237 to %parallel_loop3A_238 step %parallel_loop3A_239  : i32 {
        %parallel_loop3A_269 = arith.constant 16 : i32
        %parallel_loop3A_270 = arith.muli %parallel_loop3A_268, %parallel_loop3A_269 : i32
        %parallel_loop3A_271 = arith.addi %mul3A_0, %parallel_loop3A_270 : i32
        %parallel_loop3A_272 = arith.constant 0xFF800000 : f32
        %parallel_loop3A_273 = vector.broadcast %parallel_loop3A_272 : f32 to vector<16xf32>
        %parallel_loop3A_274 = arith.index_cast %parallel_loop3A_271 : i32 to index
        %parallel_loop3A_275 = tpu.vector_load %arg20[%parallel_loop3A_274] {strides = array<i32>} : memref<4096xf32, #tpu.memory_space<vmem>>, vector<16xf32>,
        tpu.vector_store %arg20[%parallel_loop3A_274], %parallel_loop3A_273 {strides = array<i32>} : memref<4096xf32, #tpu.memory_space<vmem>>, vector<16xf32>,
        %parallel_loop3A_276 = arith.constant 0.000000e+00 : f32
        %parallel_loop3A_277 = vector.broadcast %parallel_loop3A_276 : f32 to vector<16xf32>
        %parallel_loop3A_278 = arith.index_cast %parallel_loop3A_271 : i32 to index
        %parallel_loop3A_279 = tpu.vector_load %arg21[%parallel_loop3A_278] {strides = array<i32>} : memref<4096xf32, #tpu.memory_space<vmem>>, vector<16xf32>,
        tpu.vector_store %arg21[%parallel_loop3A_278], %parallel_loop3A_277 {strides = array<i32>} : memref<4096xf32, #tpu.memory_space<vmem>>, vector<16xf32>,
        %parallel_loop3A_280 = arith.constant 0.000000e+00 : f32
        %parallel_loop3A_281 = vector.broadcast %parallel_loop3A_280 : f32 to vector<16xf32>
        %parallel_loop3A_282 = arith.index_cast %parallel_loop3A_271 : i32 to index
        %parallel_loop3A_283 = tpu.vector_load %arg22[%parallel_loop3A_282] {strides = array<i32>} : memref<4096xf32, #tpu.memory_space<vmem>>, vector<16xf32>,
        tpu.vector_store %arg22[%parallel_loop3A_282], %parallel_loop3A_281 {strides = array<i32>} : memref<4096xf32, #tpu.memory_space<vmem>>, vector<16xf32>,
        %parallel_loop3A_284 = arith.constant 0.000000e+00 : f32
        %parallel_loop3A_285 = vector.broadcast %parallel_loop3A_284 : f32 to vector<16xf32>
        %parallel_loop3A_286 = arith.index_cast %parallel_loop3A_271 : i32 to index
        %parallel_loop3A_287 = tpu.vector_load %arg23[%parallel_loop3A_286] {strides = array<i32>} : memref<4096xf32, #tpu.memory_space<vmem>>, vector<16xf32>,
        tpu.vector_store %arg23[%parallel_loop3A_286], %parallel_loop3A_285 {strides = array<i32>} : memref<4096xf32, #tpu.memory_space<vmem>>, vector<16xf32>,
        %parallel_loop3A_288 = arith.constant 0.000000e+00 : f32
        %parallel_loop3A_289 = vector.broadcast %parallel_loop3A_288 : f32 to vector<16xf32>
        %parallel_loop3A_290 = arith.index_cast %parallel_loop3A_271 : i32 to index
        %parallel_loop3A_291 = tpu.vector_load %arg24[%parallel_loop3A_290] {strides = array<i32>} : memref<4096xf32, #tpu.memory_space<vmem>>, vector<16xf32>,
        tpu.vector_store %arg24[%parallel_loop3A_290], %parallel_loop3A_289 {strides = array<i32>} : memref<4096xf32, #tpu.memory_space<vmem>>, vector<16xf32>,
      } {sc.loop_unroll_factor = 4 : i64, sc.parallel_access}
      %while3A = arith.constant 0 : i32
      %while3A_240 = arith.constant 0 : i32
      %while3A_241 = arith.subi %select_n3A, %while3A : i32
      %while3A_242 = arith.addi %while3A, %while3A_241 : i32
      %while3A_243 = arith.constant 1 : i32
      %while3A_244 = arith.divsi %while3A_241, %while3A_243 : i32
      %while3A_245 = arith.muli %while3A_244, %while3A_243 : i32
      %while3A_246 = arith.addi %while3A, %while3A_245 : i32
      %while3A_247 = arith.constant 1 : i32
      %while3A_248 = scf.for %while3A_268 = %while3A to %while3A_246 step %while3A_247 iter_args(%while3A_269 = %while3A_240) -> (i32)  : i32 {
        %mul3A_270 = arith.constant 16 : i32
        %mul3A_271 = arith.muli %while3A_268, %mul3A_270 : i32
        %get3A = arith.index_cast %mul3A_271 : i32 to index
        %get3A_272 = tpu.vector_load %arg9[%get3A] {strides = array<i32>} : memref<8192xi32, #tpu.memory_space<vmem>>, vector<16xi32>,
        %get3A_273 = arith.index_cast %mul3A_271 : i32 to index
        %get3A_274 = tpu.vector_load %arg10[%get3A_273] {strides = array<i32>} : memref<8192xi32, #tpu.memory_space<vmem>>, vector<16xi32>,
        %mul3A_275 = arith.constant 16 : i32
        %mul3A_276 = arith.muli %while3A_268, %mul3A_275 : i32
        %add3A_277 = vector.broadcast %mul3A_276 : i32 to vector<16xi32>
        %add3A_278 = arith.addi %add3A_277, %iota3A : vector<16xi32>
        %lt3A = vector.broadcast %min3A_30 : i32 to vector<16xi32>
        %lt3A_279 = arith.cmpi slt, %add3A_278, %lt3A : vector<16xi32>
        %gather3A_280 = tpu.vector_load_idx %arg18[%get3A_272] : memref<4096xf32, #tpu.memory_space<vmem>>[vector<16xi32>], vector<16xf32>,
        %gather3A_281 = tpu.vector_load_idx %arg19[%get3A_274] : memref<4096xf32, #tpu.memory_space<vmem>>[vector<16xi32>], vector<16xf32>,
        %add3A_282 = arith.addf %gather3A_280, %gather3A_281 : vector<16xf32>
        %mul3A_283 = arith.constant 2.000000e-01 : f32
        %mul3A_284 = vector.broadcast %mul3A_283 : f32 to vector<16xf32>
        %mul3A_285 = arith.mulf %mul3A_284, %add3A_282 : vector<16xf32>
        %max3A = arith.maximumf %add3A_282, %mul3A_285 : vector<16xf32>
        %convert_element_type3A_286 = arith.extui %lt3A_279 : vector<16xi1> to vector<16xi32>
        %while3A_287 = scf.while (%while3A_289 = %convert_element_type3A_286) : (vector<16xi32>) -> vector<16xi32> {
          %reduce_max3A_290 = arith.constant true
          %reduce_max3A_291 = vector.broadcast %reduce_max3A_290 : i1 to vector<16xi1>
          %reduce_max3A_292 = arith.constant -2147483648 : i32
          %reduce_max3A_293 = vector.broadcast %reduce_max3A_292 : i32 to vector<16xi32>
          %reduce_max3A_294 = arith.xori %while3A_289, %reduce_max3A_293 : vector<16xi32>
          %reduce_max3A_295 = tpu.scan <max>, %reduce_max3A_294 masked %reduce_max3A_291 : vector<16xi32>, vector<16xi1> -> vector<16xi32>
          %reduce_max3A_296 = arith.xori %reduce_max3A_295, %reduce_max3A_293 : vector<16xi32>
          %reduce_max3A_297 = vector.extract %reduce_max3A_296[15] : i32 from vector<16xi32>
          %gt3A_298 = arith.constant 0 : i32
          %gt3A_299 = arith.cmpi sgt, %reduce_max3A_297, %gt3A_298 : i32
          scf.condition(%gt3A_299) %while3A_289 : vector<16xi32>
        } do {
        ^bb0(%while3A_289: vector<16xi32>):
          %gather3A_290 = tpu.vector_load_idx %arg20[%get3A_274] : memref<4096xf32, #tpu.memory_space<vmem>>[vector<16xi32>], vector<16xf32>,
          %gt3A_291 = arith.constant 0 : i32
          %gt3A_292 = vector.broadcast %gt3A_291 : i32 to vector<16xi32>
          %gt3A_293 = arith.cmpi sgt, %while3A_289, %gt3A_292 : vector<16xi32>
          %gt3A_294 = arith.cmpf ogt, %max3A, %gather3A_290 : vector<16xf32>
          %and3A_295 = arith.andi %gt3A_293, %gt3A_294 : vector<16xi1>
          tpu.vector_store_idx %arg20[%get3A_274], %max3A masked %and3A_295 : memref<4096xf32, #tpu.memory_space<vmem>>[vector<16xi32>], vector<16xf32>, vector<16xi1>
          %gather3A_296 = tpu.vector_load_idx %arg20[%get3A_274] : memref<4096xf32, #tpu.memory_space<vmem>>[vector<16xi32>], vector<16xf32>,
          %lt3A_297 = arith.cmpf olt, %gather3A_296, %max3A : vector<16xf32>
          %and3A_298 = arith.andi %and3A_295, %lt3A_297 : vector<16xi1>
          %jit3A_299 = arith.constant 1 : i32
          %jit3A_300 = arith.constant 0 : i32
          %broadcast_in_dim3A_301 = vector.broadcast %jit3A_299 : i32 to vector<16xi32>
          %broadcast_in_dim3A_302 = vector.broadcast %jit3A_300 : i32 to vector<16xi32>
          %select_n3A_303 = arith.select %and3A_298, %broadcast_in_dim3A_301, %broadcast_in_dim3A_302 : vector<16xi1>, vector<16xi32>
          scf.yield %select_n3A_303 : vector<16xi32>
        }
        %while3A_288 = arith.constant 0 : i32
        scf.yield %while3A_288 : i32
      }
      %while3A_249 = arith.constant 1 : i32
      %while3A_250 = scf.for %while3A_268 = %while3A_246 to %while3A_242 step %while3A_249 iter_args(%while3A_269 = %while3A_248) -> (i32)  : i32 {
        %mul3A_270 = arith.constant 16 : i32
        %mul3A_271 = arith.muli %while3A_268, %mul3A_270 : i32
        %get3A = arith.index_cast %mul3A_271 : i32 to index
        %get3A_272 = tpu.vector_load %arg9[%get3A] {strides = array<i32>} : memref<8192xi32, #tpu.memory_space<vmem>>, vector<16xi32>,
        %get3A_273 = arith.index_cast %mul3A_271 : i32 to index
        %get3A_274 = tpu.vector_load %arg10[%get3A_273] {strides = array<i32>} : memref<8192xi32, #tpu.memory_space<vmem>>, vector<16xi32>,
        %mul3A_275 = arith.constant 16 : i32
        %mul3A_276 = arith.muli %while3A_268, %mul3A_275 : i32
        %add3A_277 = vector.broadcast %mul3A_276 : i32 to vector<16xi32>
        %add3A_278 = arith.addi %add3A_277, %iota3A : vector<16xi32>
        %lt3A = vector.broadcast %min3A_30 : i32 to vector<16xi32>
        %lt3A_279 = arith.cmpi slt, %add3A_278, %lt3A : vector<16xi32>
        %gather3A_280 = tpu.vector_load_idx %arg18[%get3A_272] : memref<4096xf32, #tpu.memory_space<vmem>>[vector<16xi32>], vector<16xf32>,
        %gather3A_281 = tpu.vector_load_idx %arg19[%get3A_274] : memref<4096xf32, #tpu.memory_space<vmem>>[vector<16xi32>], vector<16xf32>,
        %add3A_282 = arith.addf %gather3A_280, %gather3A_281 : vector<16xf32>
        %mul3A_283 = arith.constant 2.000000e-01 : f32
        %mul3A_284 = vector.broadcast %mul3A_283 : f32 to vector<16xf32>
        %mul3A_285 = arith.mulf %mul3A_284, %add3A_282 : vector<16xf32>
        %max3A = arith.maximumf %add3A_282, %mul3A_285 : vector<16xf32>
        %convert_element_type3A_286 = arith.extui %lt3A_279 : vector<16xi1> to vector<16xi32>
        %while3A_287 = scf.while (%while3A_289 = %convert_element_type3A_286) : (vector<16xi32>) -> vector<16xi32> {
          %reduce_max3A_290 = arith.constant true
          %reduce_max3A_291 = vector.broadcast %reduce_max3A_290 : i1 to vector<16xi1>
          %reduce_max3A_292 = arith.constant -2147483648 : i32
          %reduce_max3A_293 = vector.broadcast %reduce_max3A_292 : i32 to vector<16xi32>
          %reduce_max3A_294 = arith.xori %while3A_289, %reduce_max3A_293 : vector<16xi32>
          %reduce_max3A_295 = tpu.scan <max>, %reduce_max3A_294 masked %reduce_max3A_291 : vector<16xi32>, vector<16xi1> -> vector<16xi32>
          %reduce_max3A_296 = arith.xori %reduce_max3A_295, %reduce_max3A_293 : vector<16xi32>
          %reduce_max3A_297 = vector.extract %reduce_max3A_296[15] : i32 from vector<16xi32>
          %gt3A_298 = arith.constant 0 : i32
          %gt3A_299 = arith.cmpi sgt, %reduce_max3A_297, %gt3A_298 : i32
          scf.condition(%gt3A_299) %while3A_289 : vector<16xi32>
        } do {
        ^bb0(%while3A_289: vector<16xi32>):
          %gather3A_290 = tpu.vector_load_idx %arg20[%get3A_274] : memref<4096xf32, #tpu.memory_space<vmem>>[vector<16xi32>], vector<16xf32>,
          %gt3A_291 = arith.constant 0 : i32
          %gt3A_292 = vector.broadcast %gt3A_291 : i32 to vector<16xi32>
          %gt3A_293 = arith.cmpi sgt, %while3A_289, %gt3A_292 : vector<16xi32>
          %gt3A_294 = arith.cmpf ogt, %max3A, %gather3A_290 : vector<16xf32>
          %and3A_295 = arith.andi %gt3A_293, %gt3A_294 : vector<16xi1>
          tpu.vector_store_idx %arg20[%get3A_274], %max3A masked %and3A_295 : memref<4096xf32, #tpu.memory_space<vmem>>[vector<16xi32>], vector<16xf32>, vector<16xi1>
          %gather3A_296 = tpu.vector_load_idx %arg20[%get3A_274] : memref<4096xf32, #tpu.memory_space<vmem>>[vector<16xi32>], vector<16xf32>,
          %lt3A_297 = arith.cmpf olt, %gather3A_296, %max3A : vector<16xf32>
          %and3A_298 = arith.andi %and3A_295, %lt3A_297 : vector<16xi1>
          %jit3A_299 = arith.constant 1 : i32
          %jit3A_300 = arith.constant 0 : i32
          %broadcast_in_dim3A_301 = vector.broadcast %jit3A_299 : i32 to vector<16xi32>
          %broadcast_in_dim3A_302 = vector.broadcast %jit3A_300 : i32 to vector<16xi32>
          %select_n3A_303 = arith.select %and3A_298, %broadcast_in_dim3A_301, %broadcast_in_dim3A_302 : vector<16xi1>, vector<16xi32>
          scf.yield %select_n3A_303 : vector<16xi32>
        }
        %while3A_288 = arith.constant 0 : i32
        scf.yield %while3A_288 : i32
      }
      %gt3A = arith.constant 8192 : i32
      %gt3A_251 = arith.cmpi sgt, %reduce_max3A_29, %gt3A : i32
      %convert_element_type3A = arith.extui %gt3A_251 : i1 to i32
      %cond3A = arith.constant 0 : i32
      %cond3A_252 = arith.cmpi ne, %convert_element_type3A, %cond3A : i32
      scf.if %cond3A_252 {
        %broadcast_in_dim3A_268 = arith.constant 0 : i32
        %broadcast_in_dim3A_269 = vector.broadcast %broadcast_in_dim3A_268 : i32 to vector<16xi32>
        %add3A_270 = arith.constant 256 : i32
        %add3A_271 = vector.broadcast %add3A_270 : i32 to vector<16xi32>
        %add3A_272 = arith.addi %broadcast_in_dim3A_269, %add3A_271 : vector<16xi32>
        %scan3A_273 = arith.constant 0 : i32
        %scan3A_274 = arith.constant 8 : i32
        %scan3A_275 = arith.addi %scan3A_273, %scan3A_274 : i32
        %scan3A_276 = arith.constant 1 : i32
        %scan3A_277 = scf.for %scan3A_279 = %scan3A_273 to %scan3A_275 step %scan3A_276 iter_args(%scan3A_280 = %add3A_272) -> (vector<16xi32>)  : i32 {
          %mul3A_281 = arith.constant 8192 : i32
          %mul3A_282 = arith.muli %scan3A_279, %mul3A_281 : i32
          "tpu.region"() ({
            %run_scoped3A = tpu.sem_alloc : memref<!tpu.dma_semaphore, #tpu.memory_space<semaphore_mem>>
            %dma_start3A = tpu.memref_slice %arg2[%mul3A_282] : memref<65536xi32, #tpu.memory_space<hbm>> -> memref<8192xi32, #tpu.memory_space<hbm>>
            %dma_start3A_291 = tpu.memref_slice %arg2[%mul3A_282] : memref<65536xi32, #tpu.memory_space<hbm>> -> memref<8192xi32, #tpu.memory_space<hbm>>
            tpu.enqueue_dma source(%dma_start3A_291 : memref<8192xi32, #tpu.memory_space<hbm>>) target(%arg7 : memref<8192xi32, #tpu.memory_space<vmem>>) target_semaphore(%run_scoped3A : memref<!tpu.dma_semaphore, #tpu.memory_space<semaphore_mem>>)
            %dma_wait3A = tpu.memref_slice %arg2[%mul3A_282] : memref<65536xi32, #tpu.memory_space<hbm>> -> memref<8192xi32, #tpu.memory_space<hbm>>
            %dma_wait3A_292 = tpu.memref_slice %arg2[%mul3A_282] : memref<65536xi32, #tpu.memory_space<hbm>> -> memref<8192xi32, #tpu.memory_space<hbm>>
            tpu.wait_dma2 semaphore(%run_scoped3A : memref<!tpu.dma_semaphore, #tpu.memory_space<semaphore_mem>>) src(%dma_wait3A_292 : memref<8192xi32, #tpu.memory_space<hbm>>) dst(%arg7 : memref<8192xi32, #tpu.memory_space<vmem>>)
            tpu.yield
          }) : () -> ()
          %mul3A_283 = arith.constant 8192 : i32
          %mul3A_284 = arith.muli %scan3A_279, %mul3A_283 : i32
          "tpu.region"() ({
            %run_scoped3A = tpu.sem_alloc : memref<!tpu.dma_semaphore, #tpu.memory_space<semaphore_mem>>
            %dma_start3A = tpu.memref_slice %arg3[%mul3A_284] : memref<65536xi32, #tpu.memory_space<hbm>> -> memref<8192xi32, #tpu.memory_space<hbm>>
            %dma_start3A_291 = tpu.memref_slice %arg3[%mul3A_284] : memref<65536xi32, #tpu.memory_space<hbm>> -> memref<8192xi32, #tpu.memory_space<hbm>>
            tpu.enqueue_dma source(%dma_start3A_291 : memref<8192xi32, #tpu.memory_space<hbm>>) target(%arg8 : memref<8192xi32, #tpu.memory_space<vmem>>) target_semaphore(%run_scoped3A : memref<!tpu.dma_semaphore, #tpu.memory_space<semaphore_mem>>)
            %dma_wait3A = tpu.memref_slice %arg3[%mul3A_284] : memref<65536xi32, #tpu.memory_space<hbm>> -> memref<8192xi32, #tpu.memory_space<hbm>>
            %dma_wait3A_292 = tpu.memref_slice %arg3[%mul3A_284] : memref<65536xi32, #tpu.memory_space<hbm>> -> memref<8192xi32, #tpu.memory_space<hbm>>
            tpu.wait_dma2 semaphore(%run_scoped3A : memref<!tpu.dma_semaphore, #tpu.memory_space<semaphore_mem>>) src(%dma_wait3A_292 : memref<8192xi32, #tpu.memory_space<hbm>>) dst(%arg8 : memref<8192xi32, #tpu.memory_space<vmem>>)
            tpu.yield
          }) : () -> ()
          %scan3A_285 = arith.constant 0 : i32
          %scan3A_286 = arith.constant 512 : i32
          %scan3A_287 = arith.addi %scan3A_285, %scan3A_286 : i32
          %scan3A_288 = arith.constant 1 : i32
          %scan3A_289 = scf.for %scan3A_291 = %scan3A_285 to %scan3A_287 step %scan3A_288 iter_args(%scan3A_292 = %scan3A_280) -> (vector<16xi32>)  : i32 {
            %mul3A_293 = arith.constant 16 : i32
            %mul3A_294 = arith.muli %scan3A_291, %mul3A_293 : i32
            %get3A = arith.index_cast %mul3A_294 : i32 to index
            %get3A_295 = tpu.vector_load %arg7[%get3A] {strides = array<i32>} : memref<8192xi32, #tpu.memory_space<vmem>>, vector<16xi32>,
            %get3A_296 = arith.index_cast %mul3A_294 : i32 to index
            %get3A_297 = tpu.vector_load %arg8[%get3A_296] {strides = array<i32>} : memref<8192xi32, #tpu.memory_space<vmem>>, vector<16xi32>,
            %jit3A_298 = arith.constant 256 : i32
            %div3A_299 = vector.broadcast %jit3A_298 : i32 to vector<16xi32>
            %div3A_300 = arith.divsi %get3A_297, %div3A_299 : vector<16xi32>
            %sign3A_301 = arith.constant 0 : i32
            %sign3A_302 = vector.broadcast %sign3A_301 : i32 to vector<16xi32>
            %sign3A_303 = arith.cmpi sgt, %get3A_297, %sign3A_302 : vector<16xi32>
            %sign3A_304 = arith.extui %sign3A_303 : vector<16xi1> to vector<16xi32>
            %sign3A_305 = arith.constant 0 : i32
            %sign3A_306 = vector.broadcast %sign3A_305 : i32 to vector<16xi32>
            %sign3A_307 = arith.cmpi slt, %get3A_297, %sign3A_306 : vector<16xi32>
            %sign3A_308 = arith.extui %sign3A_307 : vector<16xi1> to vector<16xi32>
            %sign3A_309 = arith.subi %sign3A_304, %sign3A_308 : vector<16xi32>
            %sign3A_310 = arith.constant 0 : i32
            %sign3A_311 = arith.cmpi sgt, %jit3A_298, %sign3A_310 : i32
            %sign3A_312 = arith.extui %sign3A_311 : i1 to i32
            %sign3A_313 = arith.constant 0 : i32
            %sign3A_314 = arith.cmpi slt, %jit3A_298, %sign3A_313 : i32
            %sign3A_315 = arith.extui %sign3A_314 : i1 to i32
            %sign3A_316 = arith.subi %sign3A_312, %sign3A_315 : i32
            %ne3A_317 = vector.broadcast %sign3A_316 : i32 to vector<16xi32>
            %ne3A_318 = arith.cmpi ne, %sign3A_309, %ne3A_317 : vector<16xi32>
            %rem3A_319 = vector.broadcast %jit3A_298 : i32 to vector<16xi32>
            %rem3A_320 = arith.remsi %get3A_297, %rem3A_319 : vector<16xi32>
            %ne3A_321 = arith.constant 0 : i32
            %ne3A_322 = vector.broadcast %ne3A_321 : i32 to vector<16xi32>
            %ne3A_323 = arith.cmpi ne, %rem3A_320, %ne3A_322 : vector<16xi32>
            %and3A_324 = arith.andi %ne3A_318, %ne3A_323 : vector<16xi1>
            %sub3A_325 = arith.constant 1 : i32
            %sub3A_326 = vector.broadcast %sub3A_325 : i32 to vector<16xi32>
            %sub3A_327 = arith.subi %div3A_300, %sub3A_326 : vector<16xi32>
            %select_n3A_328 = arith.select %and3A_324, %sub3A_327, %div3A_300 : vector<16xi1>, vector<16xi32>
            %eq3A = vector.broadcast %arg1 : i32 to vector<16xi32>
            %eq3A_329 = arith.cmpi eq, %select_n3A_328, %eq3A : vector<16xi32>
            %convert_element_type3A_330 = arith.extui %eq3A_329 : vector<16xi1> to vector<16xi32>
            %broadcast_in_dim3A_331 = arith.constant true
            %broadcast_in_dim3A_332 = vector.broadcast %broadcast_in_dim3A_331 : i1 to vector<16xi1>
            %masked_cumsum3A = tpu.scan <sum>, %convert_element_type3A_330 masked %broadcast_in_dim3A_332 : vector<16xi32>, vector<16xi1> -> vector<16xi32>
            %add3A_333 = arith.addi %scan3A_292, %masked_cumsum3A : vector<16xi32>
            %sub3A_334 = arith.constant 1 : i32
            %sub3A_335 = vector.broadcast %sub3A_334 : i32 to vector<16xi32>
            %sub3A_336 = arith.subi %add3A_333, %sub3A_335 : vector<16xi32>
            %ge3A = arith.constant 8192 : i32
            %ge3A_337 = vector.broadcast %ge3A : i32 to vector<16xi32>
            %ge3A_338 = arith.cmpi sge, %sub3A_336, %ge3A_337 : vector<16xi32>
            %and3A_339 = arith.andi %eq3A_329, %ge3A_338 : vector<16xi1>
            %gather3A_340 = tpu.vector_load_idx %arg18[%get3A_295] : memref<4096xf32, #tpu.memory_space<vmem>>[vector<16xi32>], vector<16xf32>,
            %gather3A_341 = tpu.vector_load_idx %arg19[%get3A_297] : memref<4096xf32, #tpu.memory_space<vmem>>[vector<16xi32>], vector<16xf32>,
            %add3A_342 = arith.addf %gather3A_340, %gather3A_341 : vector<16xf32>
            %mul3A_343 = arith.constant 2.000000e-01 : f32
            %mul3A_344 = vector.broadcast %mul3A_343 : f32 to vector<16xf32>
            %mul3A_345 = arith.mulf %mul3A_344, %add3A_342 : vector<16xf32>
            %max3A = arith.maximumf %add3A_342, %mul3A_345 : vector<16xf32>
            %convert_element_type3A_346 = arith.extui %and3A_339 : vector<16xi1> to vector<16xi32>
            %while3A_347 = scf.while (%while3A_349 = %convert_element_type3A_346) : (vector<16xi32>) -> vector<16xi32> {
              %reduce_max3A_350 = arith.constant true
              %reduce_max3A_351 = vector.broadcast %reduce_max3A_350 : i1 to vector<16xi1>
              %reduce_max3A_352 = arith.constant -2147483648 : i32
              %reduce_max3A_353 = vector.broadcast %reduce_max3A_352 : i32 to vector<16xi32>
              %reduce_max3A_354 = arith.xori %while3A_349, %reduce_max3A_353 : vector<16xi32>
              %reduce_max3A_355 = tpu.scan <max>, %reduce_max3A_354 masked %reduce_max3A_351 : vector<16xi32>, vector<16xi1> -> vector<16xi32>
              %reduce_max3A_356 = arith.xori %reduce_max3A_355, %reduce_max3A_353 : vector<16xi32>
              %reduce_max3A_357 = vector.extract %reduce_max3A_356[15] : i32 from vector<16xi32>
              %gt3A_358 = arith.constant 0 : i32
              %gt3A_359 = arith.cmpi sgt, %reduce_max3A_357, %gt3A_358 : i32
              scf.condition(%gt3A_359) %while3A_349 : vector<16xi32>
            } do {
            ^bb0(%while3A_349: vector<16xi32>):
              %gather3A_350 = tpu.vector_load_idx %arg20[%get3A_297] : memref<4096xf32, #tpu.memory_space<vmem>>[vector<16xi32>], vector<16xf32>,
              %gt3A_351 = arith.constant 0 : i32
              %gt3A_352 = vector.broadcast %gt3A_351 : i32 to vector<16xi32>
              %gt3A_353 = arith.cmpi sgt, %while3A_349, %gt3A_352 : vector<16xi32>
              %gt3A_354 = arith.cmpf ogt, %max3A, %gather3A_350 : vector<16xf32>
              %and3A_355 = arith.andi %gt3A_353, %gt3A_354 : vector<16xi1>
              tpu.vector_store_idx %arg20[%get3A_297], %max3A masked %and3A_355 : memref<4096xf32, #tpu.memory_space<vmem>>[vector<16xi32>], vector<16xf32>, vector<16xi1>
              %gather3A_356 = tpu.vector_load_idx %arg20[%get3A_297] : memref<4096xf32, #tpu.memory_space<vmem>>[vector<16xi32>], vector<16xf32>,
              %lt3A = arith.cmpf olt, %gather3A_356, %max3A : vector<16xf32>
              %and3A_357 = arith.andi %and3A_355, %lt3A : vector<16xi1>
              %jit3A_358 = arith.constant 1 : i32
              %jit3A_359 = arith.constant 0 : i32
              %broadcast_in_dim3A_360 = vector.broadcast %jit3A_358 : i32 to vector<16xi32>
              %broadcast_in_dim3A_361 = vector.broadcast %jit3A_359 : i32 to vector<16xi32>
              %select_n3A_362 = arith.select %and3A_357, %broadcast_in_dim3A_360, %broadcast_in_dim3A_361 : vector<16xi1>, vector<16xi32>
              scf.yield %select_n3A_362 : vector<16xi32>
            }
            %all_reduce_population_count3A = tpu.all_reduce %eq3A_329 {dim = 0 : i64, kind = #tpu.reduction_kind<sum>} : vector<16xi1> -> vector<16xi32>
            %add3A_348 = arith.addi %scan3A_292, %all_reduce_population_count3A : vector<16xi32>
            scf.yield %add3A_348 : vector<16xi32>
          }
          %scan3A_290 = arith.constant 512 : i32
          scf.yield %scan3A_289 : vector<16xi32>
        }
        %scan3A_278 = arith.constant 8 : i32
      } else {
      }
      %parallel_loop3A_253 = arith.constant 0 : i32
      %parallel_loop3A_254 = arith.constant 1 : i32
      scf.for %parallel_loop3A_268 = %parallel_loop3A_253 to %select_n3A step %parallel_loop3A_254  : i32 {
        %parallel_loop3A_269 = arith.constant 16 : i32
        %parallel_loop3A_270 = arith.muli %parallel_loop3A_268, %parallel_loop3A_269 : i32
        %parallel_loop3A_271 = arith.index_cast %parallel_loop3A_270 : i32 to index
        %parallel_loop3A_272 = tpu.vector_load %arg9[%parallel_loop3A_271] {strides = array<i32>} : memref<8192xi32, #tpu.memory_space<vmem>>, vector<16xi32>,
        %parallel_loop3A_273 = arith.index_cast %parallel_loop3A_270 : i32 to index
        %parallel_loop3A_274 = tpu.vector_load %arg10[%parallel_loop3A_273] {strides = array<i32>} : memref<8192xi32, #tpu.memory_space<vmem>>, vector<16xi32>,
        %parallel_loop3A_275 = arith.constant 16 : i32
        %parallel_loop3A_276 = arith.muli %parallel_loop3A_268, %parallel_loop3A_275 : i32
        %parallel_loop3A_277 = vector.broadcast %parallel_loop3A_276 : i32 to vector<16xi32>
        %parallel_loop3A_278 = arith.addi %parallel_loop3A_277, %iota3A : vector<16xi32>
        %parallel_loop3A_279 = vector.broadcast %min3A_30 : i32 to vector<16xi32>
        %parallel_loop3A_280 = arith.cmpi slt, %parallel_loop3A_278, %parallel_loop3A_279 : vector<16xi32>
        %parallel_loop3A_281 = tpu.vector_load_idx %arg18[%parallel_loop3A_272] : memref<4096xf32, #tpu.memory_space<vmem>>[vector<16xi32>], vector<16xf32>,
        %parallel_loop3A_282 = tpu.vector_load_idx %arg19[%parallel_loop3A_274] : memref<4096xf32, #tpu.memory_space<vmem>>[vector<16xi32>], vector<16xf32>,
        %parallel_loop3A_283 = arith.addf %parallel_loop3A_281, %parallel_loop3A_282 : vector<16xf32>
        %parallel_loop3A_284 = arith.constant 2.000000e-01 : f32
        %parallel_loop3A_285 = vector.broadcast %parallel_loop3A_284 : f32 to vector<16xf32>
        %parallel_loop3A_286 = arith.mulf %parallel_loop3A_285, %parallel_loop3A_283 : vector<16xf32>
        %parallel_loop3A_287 = arith.maximumf %parallel_loop3A_283, %parallel_loop3A_286 : vector<16xf32>
        %parallel_loop3A_288 = tpu.vector_load_idx %arg20[%parallel_loop3A_274] : memref<4096xf32, #tpu.memory_space<vmem>>[vector<16xi32>], vector<16xf32>,
        %parallel_loop3A_289 = arith.subf %parallel_loop3A_287, %parallel_loop3A_288 : vector<16xf32>
        %parallel_loop3A_290 = math.exp %parallel_loop3A_289 : vector<16xf32>
        %parallel_loop3A_291 = arith.constant 0.000000e+00 : f32
        %parallel_loop3A_292 = vector.broadcast %parallel_loop3A_291 : f32 to vector<16xf32>
        %parallel_loop3A_293 = arith.select %parallel_loop3A_280, %parallel_loop3A_290, %parallel_loop3A_292 : vector<16xi1>, vector<16xf32>
        tpu.vector_store_idx %arg21[%parallel_loop3A_274], %parallel_loop3A_293 masked %parallel_loop3A_280 {add = true} : memref<4096xf32, #tpu.memory_space<vmem>>[vector<16xi32>], vector<16xf32>, vector<16xi1>
        %parallel_loop3A_294 = tpu.vector_load_idx %arg15[%parallel_loop3A_272] : memref<4096xf32, #tpu.memory_space<vmem>>[vector<16xi32>], vector<16xf32>,
        %parallel_loop3A_295 = tpu.vector_load_idx %arg16[%parallel_loop3A_272] : memref<4096xf32, #tpu.memory_space<vmem>>[vector<16xi32>], vector<16xf32>,
        %parallel_loop3A_296 = tpu.vector_load_idx %arg17[%parallel_loop3A_272] : memref<4096xf32, #tpu.memory_space<vmem>>[vector<16xi32>], vector<16xf32>,
        %parallel_loop3A_297 = arith.mulf %parallel_loop3A_293, %parallel_loop3A_294 : vector<16xf32>
        tpu.vector_store_idx %arg22[%parallel_loop3A_274], %parallel_loop3A_297 masked %parallel_loop3A_280 {add = true} : memref<4096xf32, #tpu.memory_space<vmem>>[vector<16xi32>], vector<16xf32>, vector<16xi1>
        %parallel_loop3A_298 = arith.mulf %parallel_loop3A_293, %parallel_loop3A_295 : vector<16xf32>
        tpu.vector_store_idx %arg23[%parallel_loop3A_274], %parallel_loop3A_298 masked %parallel_loop3A_280 {add = true} : memref<4096xf32, #tpu.memory_space<vmem>>[vector<16xi32>], vector<16xf32>, vector<16xi1>
        %parallel_loop3A_299 = arith.mulf %parallel_loop3A_293, %parallel_loop3A_296 : vector<16xf32>
        tpu.vector_store_idx %arg24[%parallel_loop3A_274], %parallel_loop3A_299 masked %parallel_loop3A_280 {add = true} : memref<4096xf32, #tpu.memory_space<vmem>>[vector<16xi32>], vector<16xf32>, vector<16xi1>
      } {sc.loop_unroll_factor = 4 : i64, sc.parallel_access}
      %gt3A_255 = arith.constant 8192 : i32
      %gt3A_256 = arith.cmpi sgt, %reduce_max3A_29, %gt3A_255 : i32
      %convert_element_type3A_257 = arith.extui %gt3A_256 : i1 to i32
      %cond3A_258 = arith.constant 0 : i32
      %cond3A_259 = arith.cmpi ne, %convert_element_type3A_257, %cond3A_258 : i32
      scf.if %cond3A_259 {
        %broadcast_in_dim3A_268 = arith.constant 0 : i32
        %broadcast_in_dim3A_269 = vector.broadcast %broadcast_in_dim3A_268 : i32 to vector<16xi32>
        %add3A_270 = arith.constant 256 : i32
        %add3A_271 = vector.broadcast %add3A_270 : i32 to vector<16xi32>
        %add3A_272 = arith.addi %broadcast_in_dim3A_269, %add3A_271 : vector<16xi32>
        %scan3A_273 = arith.constant 0 : i32
        %scan3A_274 = arith.constant 8 : i32
        %scan3A_275 = arith.addi %scan3A_273, %scan3A_274 : i32
        %scan3A_276 = arith.constant 1 : i32
        %scan3A_277 = scf.for %scan3A_279 = %scan3A_273 to %scan3A_275 step %scan3A_276 iter_args(%scan3A_280 = %add3A_272) -> (vector<16xi32>)  : i32 {
          %mul3A_281 = arith.constant 8192 : i32
          %mul3A_282 = arith.muli %scan3A_279, %mul3A_281 : i32
          "tpu.region"() ({
            %run_scoped3A = tpu.sem_alloc : memref<!tpu.dma_semaphore, #tpu.memory_space<semaphore_mem>>
            %dma_start3A = tpu.memref_slice %arg2[%mul3A_282] : memref<65536xi32, #tpu.memory_space<hbm>> -> memref<8192xi32, #tpu.memory_space<hbm>>
            %dma_start3A_291 = tpu.memref_slice %arg2[%mul3A_282] : memref<65536xi32, #tpu.memory_space<hbm>> -> memref<8192xi32, #tpu.memory_space<hbm>>
            tpu.enqueue_dma source(%dma_start3A_291 : memref<8192xi32, #tpu.memory_space<hbm>>) target(%arg7 : memref<8192xi32, #tpu.memory_space<vmem>>) target_semaphore(%run_scoped3A : memref<!tpu.dma_semaphore, #tpu.memory_space<semaphore_mem>>)
            %dma_wait3A = tpu.memref_slice %arg2[%mul3A_282] : memref<65536xi32, #tpu.memory_space<hbm>> -> memref<8192xi32, #tpu.memory_space<hbm>>
            %dma_wait3A_292 = tpu.memref_slice %arg2[%mul3A_282] : memref<65536xi32, #tpu.memory_space<hbm>> -> memref<8192xi32, #tpu.memory_space<hbm>>
            tpu.wait_dma2 semaphore(%run_scoped3A : memref<!tpu.dma_semaphore, #tpu.memory_space<semaphore_mem>>) src(%dma_wait3A_292 : memref<8192xi32, #tpu.memory_space<hbm>>) dst(%arg7 : memref<8192xi32, #tpu.memory_space<vmem>>)
            tpu.yield
          }) : () -> ()
          %mul3A_283 = arith.constant 8192 : i32
          %mul3A_284 = arith.muli %scan3A_279, %mul3A_283 : i32
          "tpu.region"() ({
            %run_scoped3A = tpu.sem_alloc : memref<!tpu.dma_semaphore, #tpu.memory_space<semaphore_mem>>
            %dma_start3A = tpu.memref_slice %arg3[%mul3A_284] : memref<65536xi32, #tpu.memory_space<hbm>> -> memref<8192xi32, #tpu.memory_space<hbm>>
            %dma_start3A_291 = tpu.memref_slice %arg3[%mul3A_284] : memref<65536xi32, #tpu.memory_space<hbm>> -> memref<8192xi32, #tpu.memory_space<hbm>>
            tpu.enqueue_dma source(%dma_start3A_291 : memref<8192xi32, #tpu.memory_space<hbm>>) target(%arg8 : memref<8192xi32, #tpu.memory_space<vmem>>) target_semaphore(%run_scoped3A : memref<!tpu.dma_semaphore, #tpu.memory_space<semaphore_mem>>)
            %dma_wait3A = tpu.memref_slice %arg3[%mul3A_284] : memref<65536xi32, #tpu.memory_space<hbm>> -> memref<8192xi32, #tpu.memory_space<hbm>>
            %dma_wait3A_292 = tpu.memref_slice %arg3[%mul3A_284] : memref<65536xi32, #tpu.memory_space<hbm>> -> memref<8192xi32, #tpu.memory_space<hbm>>
            tpu.wait_dma2 semaphore(%run_scoped3A : memref<!tpu.dma_semaphore, #tpu.memory_space<semaphore_mem>>) src(%dma_wait3A_292 : memref<8192xi32, #tpu.memory_space<hbm>>) dst(%arg8 : memref<8192xi32, #tpu.memory_space<vmem>>)
            tpu.yield
          }) : () -> ()
          %scan3A_285 = arith.constant 0 : i32
          %scan3A_286 = arith.constant 512 : i32
          %scan3A_287 = arith.addi %scan3A_285, %scan3A_286 : i32
          %scan3A_288 = arith.constant 1 : i32
          %scan3A_289 = scf.for %scan3A_291 = %scan3A_285 to %scan3A_287 step %scan3A_288 iter_args(%scan3A_292 = %scan3A_280) -> (vector<16xi32>)  : i32 {
            %mul3A_293 = arith.constant 16 : i32
            %mul3A_294 = arith.muli %scan3A_291, %mul3A_293 : i32
            %get3A = arith.index_cast %mul3A_294 : i32 to index
            %get3A_295 = tpu.vector_load %arg7[%get3A] {strides = array<i32>} : memref<8192xi32, #tpu.memory_space<vmem>>, vector<16xi32>,
            %get3A_296 = arith.index_cast %mul3A_294 : i32 to index
            %get3A_297 = tpu.vector_load %arg8[%get3A_296] {strides = array<i32>} : memref<8192xi32, #tpu.memory_space<vmem>>, vector<16xi32>,
            %jit3A_298 = arith.constant 256 : i32
            %div3A_299 = vector.broadcast %jit3A_298 : i32 to vector<16xi32>
            %div3A_300 = arith.divsi %get3A_297, %div3A_299 : vector<16xi32>
            %sign3A_301 = arith.constant 0 : i32
            %sign3A_302 = vector.broadcast %sign3A_301 : i32 to vector<16xi32>
            %sign3A_303 = arith.cmpi sgt, %get3A_297, %sign3A_302 : vector<16xi32>
            %sign3A_304 = arith.extui %sign3A_303 : vector<16xi1> to vector<16xi32>
            %sign3A_305 = arith.constant 0 : i32
            %sign3A_306 = vector.broadcast %sign3A_305 : i32 to vector<16xi32>
            %sign3A_307 = arith.cmpi slt, %get3A_297, %sign3A_306 : vector<16xi32>
            %sign3A_308 = arith.extui %sign3A_307 : vector<16xi1> to vector<16xi32>
            %sign3A_309 = arith.subi %sign3A_304, %sign3A_308 : vector<16xi32>
            %sign3A_310 = arith.constant 0 : i32
            %sign3A_311 = arith.cmpi sgt, %jit3A_298, %sign3A_310 : i32
            %sign3A_312 = arith.extui %sign3A_311 : i1 to i32
            %sign3A_313 = arith.constant 0 : i32
            %sign3A_314 = arith.cmpi slt, %jit3A_298, %sign3A_313 : i32
            %sign3A_315 = arith.extui %sign3A_314 : i1 to i32
            %sign3A_316 = arith.subi %sign3A_312, %sign3A_315 : i32
            %ne3A_317 = vector.broadcast %sign3A_316 : i32 to vector<16xi32>
            %ne3A_318 = arith.cmpi ne, %sign3A_309, %ne3A_317 : vector<16xi32>
            %rem3A_319 = vector.broadcast %jit3A_298 : i32 to vector<16xi32>
            %rem3A_320 = arith.remsi %get3A_297, %rem3A_319 : vector<16xi32>
            %ne3A_321 = arith.constant 0 : i32
            %ne3A_322 = vector.broadcast %ne3A_321 : i32 to vector<16xi32>
            %ne3A_323 = arith.cmpi ne, %rem3A_320, %ne3A_322 : vector<16xi32>
            %and3A_324 = arith.andi %ne3A_318, %ne3A_323 : vector<16xi1>
            %sub3A_325 = arith.constant 1 : i32
            %sub3A_326 = vector.broadcast %sub3A_325 : i32 to vector<16xi32>
            %sub3A_327 = arith.subi %div3A_300, %sub3A_326 : vector<16xi32>
            %select_n3A_328 = arith.select %and3A_324, %sub3A_327, %div3A_300 : vector<16xi1>, vector<16xi32>
            %eq3A = vector.broadcast %arg1 : i32 to vector<16xi32>
            %eq3A_329 = arith.cmpi eq, %select_n3A_328, %eq3A : vector<16xi32>
            %convert_element_type3A_330 = arith.extui %eq3A_329 : vector<16xi1> to vector<16xi32>
            %broadcast_in_dim3A_331 = arith.constant true
            %broadcast_in_dim3A_332 = vector.broadcast %broadcast_in_dim3A_331 : i1 to vector<16xi1>
            %masked_cumsum3A = tpu.scan <sum>, %convert_element_type3A_330 masked %broadcast_in_dim3A_332 : vector<16xi32>, vector<16xi1> -> vector<16xi32>
            %add3A_333 = arith.addi %scan3A_292, %masked_cumsum3A : vector<16xi32>
            %sub3A_334 = arith.constant 1 : i32
            %sub3A_335 = vector.broadcast %sub3A_334 : i32 to vector<16xi32>
            %sub3A_336 = arith.subi %add3A_333, %sub3A_335 : vector<16xi32>
            %ge3A = arith.constant 8192 : i32
            %ge3A_337 = vector.broadcast %ge3A : i32 to vector<16xi32>
            %ge3A_338 = arith.cmpi sge, %sub3A_336, %ge3A_337 : vector<16xi32>
            %and3A_339 = arith.andi %eq3A_329, %ge3A_338 : vector<16xi1>
            %gather3A_340 = tpu.vector_load_idx %arg18[%get3A_295] : memref<4096xf32, #tpu.memory_space<vmem>>[vector<16xi32>], vector<16xf32>,
            %gather3A_341 = tpu.vector_load_idx %arg19[%get3A_297] : memref<4096xf32, #tpu.memory_space<vmem>>[vector<16xi32>], vector<16xf32>,
            %add3A_342 = arith.addf %gather3A_340, %gather3A_341 : vector<16xf32>
            %mul3A_343 = arith.constant 2.000000e-01 : f32
            %mul3A_344 = vector.broadcast %mul3A_343 : f32 to vector<16xf32>
            %mul3A_345 = arith.mulf %mul3A_344, %add3A_342 : vector<16xf32>
            %max3A = arith.maximumf %add3A_342, %mul3A_345 : vector<16xf32>
            %gather3A_346 = tpu.vector_load_idx %arg20[%get3A_297] : memref<4096xf32, #tpu.memory_space<vmem>>[vector<16xi32>], vector<16xf32>,
            %sub3A_347 = arith.subf %max3A, %gather3A_346 : vector<16xf32>
            %exp3A = math.exp %sub3A_347 : vector<16xf32>
            %jit3A_348 = arith.constant 0.000000e+00 : f32
            %broadcast_in_dim3A_349 = vector.broadcast %jit3A_348 : f32 to vector<16xf32>
            %select_n3A_350 = arith.select %and3A_339, %exp3A, %broadcast_in_dim3A_349 : vector<16xi1>, vector<16xf32>
            tpu.vector_store_idx %arg21[%get3A_297], %select_n3A_350 masked %and3A_339 {add = true} : memref<4096xf32, #tpu.memory_space<vmem>>[vector<16xi32>], vector<16xf32>, vector<16xi1>
            %gather3A_351 = tpu.vector_load_idx %arg15[%get3A_295] : memref<4096xf32, #tpu.memory_space<vmem>>[vector<16xi32>], vector<16xf32>,
            %gather3A_352 = tpu.vector_load_idx %arg16[%get3A_295] : memref<4096xf32, #tpu.memory_space<vmem>>[vector<16xi32>], vector<16xf32>,
            %gather3A_353 = tpu.vector_load_idx %arg17[%get3A_295] : memref<4096xf32, #tpu.memory_space<vmem>>[vector<16xi32>], vector<16xf32>,
            %mul3A_354 = arith.mulf %select_n3A_350, %gather3A_351 : vector<16xf32>
            tpu.vector_store_idx %arg22[%get3A_297], %mul3A_354 masked %and3A_339 {add = true} : memref<4096xf32, #tpu.memory_space<vmem>>[vector<16xi32>], vector<16xf32>, vector<16xi1>
            %mul3A_355 = arith.mulf %select_n3A_350, %gather3A_352 : vector<16xf32>
            tpu.vector_store_idx %arg23[%get3A_297], %mul3A_355 masked %and3A_339 {add = true} : memref<4096xf32, #tpu.memory_space<vmem>>[vector<16xi32>], vector<16xf32>, vector<16xi1>
            %mul3A_356 = arith.mulf %select_n3A_350, %gather3A_353 : vector<16xf32>
            tpu.vector_store_idx %arg24[%get3A_297], %mul3A_356 masked %and3A_339 {add = true} : memref<4096xf32, #tpu.memory_space<vmem>>[vector<16xi32>], vector<16xf32>, vector<16xi1>
            %all_reduce_population_count3A = tpu.all_reduce %eq3A_329 {dim = 0 : i64, kind = #tpu.reduction_kind<sum>} : vector<16xi1> -> vector<16xi32>
            %add3A_357 = arith.addi %scan3A_292, %all_reduce_population_count3A : vector<16xi32>
            scf.yield %add3A_357 : vector<16xi32>
          }
          %scan3A_290 = arith.constant 512 : i32
          scf.yield %scan3A_289 : vector<16xi32>
        }
        %scan3A_278 = arith.constant 8 : i32
      } else {
      }
      %parallel_loop3A_260 = arith.constant 0 : i32
      %parallel_loop3A_261 = arith.constant 16 : i32
      %parallel_loop3A_262 = arith.constant 1 : i32
      scf.for %parallel_loop3A_268 = %parallel_loop3A_260 to %parallel_loop3A_261 step %parallel_loop3A_262  : i32 {
        %parallel_loop3A_269 = arith.constant 16 : i32
        %parallel_loop3A_270 = arith.muli %parallel_loop3A_268, %parallel_loop3A_269 : i32
        %parallel_loop3A_271 = arith.addi %mul3A_0, %parallel_loop3A_270 : i32
        %parallel_loop3A_272 = arith.index_cast %parallel_loop3A_271 : i32 to index
        %parallel_loop3A_273 = tpu.vector_load %arg21[%parallel_loop3A_272] {strides = array<i32>} : memref<4096xf32, #tpu.memory_space<vmem>>, vector<16xf32>,
        %parallel_loop3A_274 = arith.constant 1.000000e-16 : f32
        %parallel_loop3A_275 = vector.broadcast %parallel_loop3A_274 : f32 to vector<16xf32>
        %parallel_loop3A_276 = arith.addf %parallel_loop3A_273, %parallel_loop3A_275 : vector<16xf32>
        %parallel_loop3A_277 = arith.index_cast %parallel_loop3A_271 : i32 to index
        %parallel_loop3A_278 = tpu.vector_load %arg22[%parallel_loop3A_277] {strides = array<i32>} : memref<4096xf32, #tpu.memory_space<vmem>>, vector<16xf32>,
        %parallel_loop3A_279 = arith.divf %parallel_loop3A_278, %parallel_loop3A_276 : vector<16xf32>
        %parallel_loop3A_280 = arith.addf %parallel_loop3A_279, %gather3A_212 : vector<16xf32>
        %parallel_loop3A_281 = arith.index_cast %parallel_loop3A_271 : i32 to index
        %parallel_loop3A_282 = tpu.vector_load %arg23[%parallel_loop3A_281] {strides = array<i32>} : memref<4096xf32, #tpu.memory_space<vmem>>, vector<16xf32>,
        %parallel_loop3A_283 = arith.divf %parallel_loop3A_282, %parallel_loop3A_276 : vector<16xf32>
        %parallel_loop3A_284 = arith.addf %parallel_loop3A_283, %gather3A_223 : vector<16xf32>
        %parallel_loop3A_285 = arith.index_cast %parallel_loop3A_271 : i32 to index
        %parallel_loop3A_286 = tpu.vector_load %arg24[%parallel_loop3A_285] {strides = array<i32>} : memref<4096xf32, #tpu.memory_space<vmem>>, vector<16xf32>,
        %parallel_loop3A_287 = arith.divf %parallel_loop3A_286, %parallel_loop3A_276 : vector<16xf32>
        %parallel_loop3A_288 = arith.addf %parallel_loop3A_287, %gather3A_234 : vector<16xf32>
        %parallel_loop3A_289 = arith.constant 9 : i32
        %parallel_loop3A_290 = arith.cmpi sge, %scan3A_55, %parallel_loop3A_289 : i32
        %parallel_loop3A_291 = arith.constant 0.000000e+00 : f32
        %parallel_loop3A_292 = vector.broadcast %parallel_loop3A_291 : f32 to vector<16xf32>
        %parallel_loop3A_293 = arith.maximumf %parallel_loop3A_280, %parallel_loop3A_292 : vector<16xf32>
        %parallel_loop3A_294 = arith.select %parallel_loop3A_290, %parallel_loop3A_280, %parallel_loop3A_293 : vector<16xf32>
        %parallel_loop3A_295 = arith.index_cast %parallel_loop3A_271 : i32 to index
        %parallel_loop3A_296 = tpu.vector_load %arg12[%parallel_loop3A_295] {strides = array<i32>} : memref<4096xf32, #tpu.memory_space<vmem>>, vector<16xf32>,
        tpu.vector_store %arg12[%parallel_loop3A_295], %parallel_loop3A_294 {strides = array<i32>} : memref<4096xf32, #tpu.memory_space<vmem>>, vector<16xf32>,
        %parallel_loop3A_297 = arith.constant 0.000000e+00 : f32
        %parallel_loop3A_298 = vector.broadcast %parallel_loop3A_297 : f32 to vector<16xf32>
        %parallel_loop3A_299 = arith.maximumf %parallel_loop3A_284, %parallel_loop3A_298 : vector<16xf32>
        %parallel_loop3A_300 = arith.select %parallel_loop3A_290, %parallel_loop3A_284, %parallel_loop3A_299 : vector<16xf32>
        %parallel_loop3A_301 = arith.index_cast %parallel_loop3A_271 : i32 to index
        %parallel_loop3A_302 = tpu.vector_load %arg13[%parallel_loop3A_301] {strides = array<i32>} : memref<4096xf32, #tpu.memory_space<vmem>>, vector<16xf32>,
        tpu.vector_store %arg13[%parallel_loop3A_301], %parallel_loop3A_300 {strides = array<i32>} : memref<4096xf32, #tpu.memory_space<vmem>>, vector<16xf32>,
        %parallel_loop3A_303 = arith.constant 0.000000e+00 : f32
        %parallel_loop3A_304 = vector.broadcast %parallel_loop3A_303 : f32 to vector<16xf32>
        %parallel_loop3A_305 = arith.maximumf %parallel_loop3A_288, %parallel_loop3A_304 : vector<16xf32>
        %parallel_loop3A_306 = arith.select %parallel_loop3A_290, %parallel_loop3A_288, %parallel_loop3A_305 : vector<16xf32>
        %parallel_loop3A_307 = arith.index_cast %parallel_loop3A_271 : i32 to index
        %parallel_loop3A_308 = tpu.vector_load %arg14[%parallel_loop3A_307] {strides = array<i32>} : memref<4096xf32, #tpu.memory_space<vmem>>, vector<16xf32>,
        tpu.vector_store %arg14[%parallel_loop3A_307], %parallel_loop3A_306 {strides = array<i32>} : memref<4096xf32, #tpu.memory_space<vmem>>, vector<16xf32>,
      } {sc.loop_unroll_factor = 4 : i64, sc.parallel_access}
      "tpu.region"() ({
        %run_scoped3A = tpu.sem_alloc : memref<!tpu.dma_semaphore, #tpu.memory_space<semaphore_mem>>
        %dma_start3A = tpu.memref_slice %arg12[%mul3A_0] : memref<4096xf32, #tpu.memory_space<vmem>> -> memref<256xf32, #tpu.memory_space<vmem>>
        %dma_start3A_268 = tpu.memref_slice %arg6[%mul3A_0] : memref<12288xf32, #tpu.memory_space<hbm>> -> memref<256xf32, #tpu.memory_space<hbm>>
        %dma_start3A_269 = tpu.memref_slice %arg6[%mul3A_0] : memref<12288xf32, #tpu.memory_space<hbm>> -> memref<256xf32, #tpu.memory_space<hbm>>
        %dma_start3A_270 = tpu.memref_slice %arg12[%mul3A_0] : memref<4096xf32, #tpu.memory_space<vmem>> -> memref<256xf32, #tpu.memory_space<vmem>>
        tpu.enqueue_dma source(%dma_start3A_270 : memref<256xf32, #tpu.memory_space<vmem>>) target(%dma_start3A_269 : memref<256xf32, #tpu.memory_space<hbm>>) target_semaphore(%run_scoped3A : memref<!tpu.dma_semaphore, #tpu.memory_space<semaphore_mem>>)
        %dma_wait3A = tpu.memref_slice %arg12[%mul3A_0] : memref<4096xf32, #tpu.memory_space<vmem>> -> memref<256xf32, #tpu.memory_space<vmem>>
        %dma_wait3A_271 = tpu.memref_slice %arg6[%mul3A_0] : memref<12288xf32, #tpu.memory_space<hbm>> -> memref<256xf32, #tpu.memory_space<hbm>>
        %dma_wait3A_272 = tpu.memref_slice %arg6[%mul3A_0] : memref<12288xf32, #tpu.memory_space<hbm>> -> memref<256xf32, #tpu.memory_space<hbm>>
        %dma_wait3A_273 = tpu.memref_slice %arg12[%mul3A_0] : memref<4096xf32, #tpu.memory_space<vmem>> -> memref<256xf32, #tpu.memory_space<vmem>>
        tpu.wait_dma2 semaphore(%run_scoped3A : memref<!tpu.dma_semaphore, #tpu.memory_space<semaphore_mem>>) src(%dma_wait3A_273 : memref<256xf32, #tpu.memory_space<vmem>>) dst(%dma_wait3A_272 : memref<256xf32, #tpu.memory_space<hbm>>)
        tpu.yield
      }) : () -> ()
      %add3A_263 = arith.constant 4096 : i32
      %add3A_264 = arith.addi %add3A_263, %mul3A_0 : i32
      "tpu.region"() ({
        %run_scoped3A = tpu.sem_alloc : memref<!tpu.dma_semaphore, #tpu.memory_space<semaphore_mem>>
        %dma_start3A = tpu.memref_slice %arg13[%mul3A_0] : memref<4096xf32, #tpu.memory_space<vmem>> -> memref<256xf32, #tpu.memory_space<vmem>>
        %dma_start3A_268 = tpu.memref_slice %arg6[%add3A_264] : memref<12288xf32, #tpu.memory_space<hbm>> -> memref<256xf32, #tpu.memory_space<hbm>>
        %dma_start3A_269 = tpu.memref_slice %arg6[%add3A_264] : memref<12288xf32, #tpu.memory_space<hbm>> -> memref<256xf32, #tpu.memory_space<hbm>>
        %dma_start3A_270 = tpu.memref_slice %arg13[%mul3A_0] : memref<4096xf32, #tpu.memory_space<vmem>> -> memref<256xf32, #tpu.memory_space<vmem>>
        tpu.enqueue_dma source(%dma_start3A_270 : memref<256xf32, #tpu.memory_space<vmem>>) target(%dma_start3A_269 : memref<256xf32, #tpu.memory_space<hbm>>) target_semaphore(%run_scoped3A : memref<!tpu.dma_semaphore, #tpu.memory_space<semaphore_mem>>)
        %dma_wait3A = tpu.memref_slice %arg13[%mul3A_0] : memref<4096xf32, #tpu.memory_space<vmem>> -> memref<256xf32, #tpu.memory_space<vmem>>
        %dma_wait3A_271 = tpu.memref_slice %arg6[%add3A_264] : memref<12288xf32, #tpu.memory_space<hbm>> -> memref<256xf32, #tpu.memory_space<hbm>>
        %dma_wait3A_272 = tpu.memref_slice %arg6[%add3A_264] : memref<12288xf32, #tpu.memory_space<hbm>> -> memref<256xf32, #tpu.memory_space<hbm>>
        %dma_wait3A_273 = tpu.memref_slice %arg13[%mul3A_0] : memref<4096xf32, #tpu.memory_space<vmem>> -> memref<256xf32, #tpu.memory_space<vmem>>
        tpu.wait_dma2 semaphore(%run_scoped3A : memref<!tpu.dma_semaphore, #tpu.memory_space<semaphore_mem>>) src(%dma_wait3A_273 : memref<256xf32, #tpu.memory_space<vmem>>) dst(%dma_wait3A_272 : memref<256xf32, #tpu.memory_space<hbm>>)
        tpu.yield
      }) : () -> ()
      %add3A_265 = arith.constant 8192 : i32
      %add3A_266 = arith.addi %add3A_265, %mul3A_0 : i32
      "tpu.region"() ({
        %run_scoped3A = tpu.sem_alloc : memref<!tpu.dma_semaphore, #tpu.memory_space<semaphore_mem>>
        %dma_start3A = tpu.memref_slice %arg14[%mul3A_0] : memref<4096xf32, #tpu.memory_space<vmem>> -> memref<256xf32, #tpu.memory_space<vmem>>
        %dma_start3A_268 = tpu.memref_slice %arg6[%add3A_266] : memref<12288xf32, #tpu.memory_space<hbm>> -> memref<256xf32, #tpu.memory_space<hbm>>
        %dma_start3A_269 = tpu.memref_slice %arg6[%add3A_266] : memref<12288xf32, #tpu.memory_space<hbm>> -> memref<256xf32, #tpu.memory_space<hbm>>
        %dma_start3A_270 = tpu.memref_slice %arg14[%mul3A_0] : memref<4096xf32, #tpu.memory_space<vmem>> -> memref<256xf32, #tpu.memory_space<vmem>>
        tpu.enqueue_dma source(%dma_start3A_270 : memref<256xf32, #tpu.memory_space<vmem>>) target(%dma_start3A_269 : memref<256xf32, #tpu.memory_space<hbm>>) target_semaphore(%run_scoped3A : memref<!tpu.dma_semaphore, #tpu.memory_space<semaphore_mem>>)
        %dma_wait3A = tpu.memref_slice %arg14[%mul3A_0] : memref<4096xf32, #tpu.memory_space<vmem>> -> memref<256xf32, #tpu.memory_space<vmem>>
        %dma_wait3A_271 = tpu.memref_slice %arg6[%add3A_266] : memref<12288xf32, #tpu.memory_space<hbm>> -> memref<256xf32, #tpu.memory_space<hbm>>
        %dma_wait3A_272 = tpu.memref_slice %arg6[%add3A_266] : memref<12288xf32, #tpu.memory_space<hbm>> -> memref<256xf32, #tpu.memory_space<hbm>>
        %dma_wait3A_273 = tpu.memref_slice %arg14[%mul3A_0] : memref<4096xf32, #tpu.memory_space<vmem>> -> memref<256xf32, #tpu.memory_space<vmem>>
        tpu.wait_dma2 semaphore(%run_scoped3A : memref<!tpu.dma_semaphore, #tpu.memory_space<semaphore_mem>>) src(%dma_wait3A_273 : memref<256xf32, #tpu.memory_space<vmem>>) dst(%dma_wait3A_272 : memref<256xf32, #tpu.memory_space<hbm>>)
        tpu.yield
      }) : () -> ()
      %barrier3A = arith.constant 0 : index
      tpu.barrier barrier_id(%barrier3A)
      "tpu.region"() ({
        %run_scoped3A = tpu.sem_alloc : memref<!tpu.dma_semaphore, #tpu.memory_space<semaphore_mem>>
        %dma_start3A = arith.constant 0 : i32
        %dma_start3A_268 = tpu.memref_slice %arg6[%dma_start3A] : memref<12288xf32, #tpu.memory_space<hbm>> -> memref<4096xf32, #tpu.memory_space<hbm>>
        %dma_start3A_269 = arith.constant 0 : i32
        %dma_start3A_270 = tpu.memref_slice %arg6[%dma_start3A_269] : memref<12288xf32, #tpu.memory_space<hbm>> -> memref<4096xf32, #tpu.memory_space<hbm>>
        tpu.enqueue_dma source(%dma_start3A_270 : memref<4096xf32, #tpu.memory_space<hbm>>) target(%arg12 : memref<4096xf32, #tpu.memory_space<vmem>>) target_semaphore(%run_scoped3A : memref<!tpu.dma_semaphore, #tpu.memory_space<semaphore_mem>>)
        %dma_wait3A = arith.constant 0 : i32
        %dma_wait3A_271 = tpu.memref_slice %arg6[%dma_wait3A] : memref<12288xf32, #tpu.memory_space<hbm>> -> memref<4096xf32, #tpu.memory_space<hbm>>
        %dma_wait3A_272 = arith.constant 0 : i32
        %dma_wait3A_273 = tpu.memref_slice %arg6[%dma_wait3A_272] : memref<12288xf32, #tpu.memory_space<hbm>> -> memref<4096xf32, #tpu.memory_space<hbm>>
        tpu.wait_dma2 semaphore(%run_scoped3A : memref<!tpu.dma_semaphore, #tpu.memory_space<semaphore_mem>>) src(%dma_wait3A_273 : memref<4096xf32, #tpu.memory_space<hbm>>) dst(%arg12 : memref<4096xf32, #tpu.memory_space<vmem>>)
        tpu.yield
      }) : () -> ()
      "tpu.region"() ({
        %run_scoped3A = tpu.sem_alloc : memref<!tpu.dma_semaphore, #tpu.memory_space<semaphore_mem>>
        %dma_start3A = arith.constant 4096 : i32
        %dma_start3A_268 = tpu.memref_slice %arg6[%dma_start3A] : memref<12288xf32, #tpu.memory_space<hbm>> -> memref<4096xf32, #tpu.memory_space<hbm>>
        %dma_start3A_269 = arith.constant 4096 : i32
        %dma_start3A_270 = tpu.memref_slice %arg6[%dma_start3A_269] : memref<12288xf32, #tpu.memory_space<hbm>> -> memref<4096xf32, #tpu.memory_space<hbm>>
        tpu.enqueue_dma source(%dma_start3A_270 : memref<4096xf32, #tpu.memory_space<hbm>>) target(%arg13 : memref<4096xf32, #tpu.memory_space<vmem>>) target_semaphore(%run_scoped3A : memref<!tpu.dma_semaphore, #tpu.memory_space<semaphore_mem>>)
        %dma_wait3A = arith.constant 4096 : i32
        %dma_wait3A_271 = tpu.memref_slice %arg6[%dma_wait3A] : memref<12288xf32, #tpu.memory_space<hbm>> -> memref<4096xf32, #tpu.memory_space<hbm>>
        %dma_wait3A_272 = arith.constant 4096 : i32
        %dma_wait3A_273 = tpu.memref_slice %arg6[%dma_wait3A_272] : memref<12288xf32, #tpu.memory_space<hbm>> -> memref<4096xf32, #tpu.memory_space<hbm>>
        tpu.wait_dma2 semaphore(%run_scoped3A : memref<!tpu.dma_semaphore, #tpu.memory_space<semaphore_mem>>) src(%dma_wait3A_273 : memref<4096xf32, #tpu.memory_space<hbm>>) dst(%arg13 : memref<4096xf32, #tpu.memory_space<vmem>>)
        tpu.yield
      }) : () -> ()
      "tpu.region"() ({
        %run_scoped3A = tpu.sem_alloc : memref<!tpu.dma_semaphore, #tpu.memory_space<semaphore_mem>>
        %dma_start3A = arith.constant 8192 : i32
        %dma_start3A_268 = tpu.memref_slice %arg6[%dma_start3A] : memref<12288xf32, #tpu.memory_space<hbm>> -> memref<4096xf32, #tpu.memory_space<hbm>>
        %dma_start3A_269 = arith.constant 8192 : i32
        %dma_start3A_270 = tpu.memref_slice %arg6[%dma_start3A_269] : memref<12288xf32, #tpu.memory_space<hbm>> -> memref<4096xf32, #tpu.memory_space<hbm>>
        tpu.enqueue_dma source(%dma_start3A_270 : memref<4096xf32, #tpu.memory_space<hbm>>) target(%arg14 : memref<4096xf32, #tpu.memory_space<vmem>>) target_semaphore(%run_scoped3A : memref<!tpu.dma_semaphore, #tpu.memory_space<semaphore_mem>>)
        %dma_wait3A = arith.constant 8192 : i32
        %dma_wait3A_271 = tpu.memref_slice %arg6[%dma_wait3A] : memref<12288xf32, #tpu.memory_space<hbm>> -> memref<4096xf32, #tpu.memory_space<hbm>>
        %dma_wait3A_272 = arith.constant 8192 : i32
        %dma_wait3A_273 = tpu.memref_slice %arg6[%dma_wait3A_272] : memref<12288xf32, #tpu.memory_space<hbm>> -> memref<4096xf32, #tpu.memory_space<hbm>>
        tpu.wait_dma2 semaphore(%run_scoped3A : memref<!tpu.dma_semaphore, #tpu.memory_space<semaphore_mem>>) src(%dma_wait3A_273 : memref<4096xf32, #tpu.memory_space<hbm>>) dst(%arg14 : memref<4096xf32, #tpu.memory_space<vmem>>)
        tpu.yield
      }) : () -> ()
      %barrier3A_267 = arith.constant 0 : index
      tpu.barrier barrier_id(%barrier3A_267)
    }
    %scan3A_54 = arith.constant 10 : i32
    return
  }
}

module attributes {stable_mosaic.version = 14 : i64} {
  func.func @_attn_mlp_body(%arg0: i32, %arg1: memref<256x3xf32, #tpu.memory_space<vmem>>, %arg2: memref<3x4096xf32, #tpu.memory_space<vmem>>, %arg3: memref<256x1xi32, #tpu.memory_space<vmem>>, %arg4: memref<3x3xf32, #tpu.memory_space<vmem>>, %arg5: memref<3xf32, #tpu.memory_space<vmem>>, %arg6: memref<3x3xf32, #tpu.memory_space<vmem>>, %arg7: memref<3xf32, #tpu.memory_space<vmem>>, %arg8: memref<3x3xf32, #tpu.memory_space<vmem>>, %arg9: memref<3xf32, #tpu.memory_space<vmem>>, %arg10: memref<3x3xf32, #tpu.memory_space<vmem>>, %arg11: memref<3xf32, #tpu.memory_space<vmem>>, %arg12: memref<3x16xf32, #tpu.memory_space<vmem>>, %arg13: memref<16xf32, #tpu.memory_space<vmem>>, %arg14: memref<16x32xf32, #tpu.memory_space<vmem>>, %arg15: memref<32xf32, #tpu.memory_space<vmem>>, %arg16: memref<32x1xf32, #tpu.memory_space<vmem>>, %arg17: memref<1xf32, #tpu.memory_space<vmem>>, %arg18: memref<256x1xf32, #tpu.memory_space<vmem>>) attributes {dimension_semantics = [#tpu.dimension_semantics<arbitrary>], iteration_bounds = array<i64: 16>, scalar_prefetch = 0 : i64, scratch_operands = 0 : i64, tpu.core_type = #tpu.core_type<tc>, window_params = [{transform_indices = @transform_0, window_bounds = array<i64: 256, 3>}, {pipeline_mode = #tpu.pipeline_mode<synchronous>, transform_indices = @transform_1, window_bounds = array<i64: 3, 4096>}, {transform_indices = @transform_2, window_bounds = array<i64: 256, 1>}, {pipeline_mode = #tpu.pipeline_mode<synchronous>, transform_indices = @transform_3, window_bounds = array<i64: 3, 3>}, {pipeline_mode = #tpu.pipeline_mode<synchronous>, transform_indices = @transform_4, window_bounds = array<i64: 3>}, {pipeline_mode = #tpu.pipeline_mode<synchronous>, transform_indices = @transform_5, window_bounds = array<i64: 3, 3>}, {pipeline_mode = #tpu.pipeline_mode<synchronous>, transform_indices = @transform_6, window_bounds = array<i64: 3>}, {pipeline_mode = #tpu.pipeline_mode<synchronous>, transform_indices = @transform_7, window_bounds = array<i64: 3, 3>}, {pipeline_mode = #tpu.pipeline_mode<synchronous>, transform_indices = @transform_8, window_bounds = array<i64: 3>}, {pipeline_mode = #tpu.pipeline_mode<synchronous>, transform_indices = @transform_9, window_bounds = array<i64: 3, 3>}, {pipeline_mode = #tpu.pipeline_mode<synchronous>, transform_indices = @transform_10, window_bounds = array<i64: 3>}, {pipeline_mode = #tpu.pipeline_mode<synchronous>, transform_indices = @transform_11, window_bounds = array<i64: 3, 16>}, {pipeline_mode = #tpu.pipeline_mode<synchronous>, transform_indices = @transform_12, window_bounds = array<i64: 16>}, {pipeline_mode = #tpu.pipeline_mode<synchronous>, transform_indices = @transform_13, window_bounds = array<i64: 16, 32>}, {pipeline_mode = #tpu.pipeline_mode<synchronous>, transform_indices = @transform_14, window_bounds = array<i64: 32>}, {pipeline_mode = #tpu.pipeline_mode<synchronous>, transform_indices = @transform_15, window_bounds = array<i64: 32, 1>}, {pipeline_mode = #tpu.pipeline_mode<synchronous>, transform_indices = @transform_16, window_bounds = array<i64: 1>}, {transform_indices = @transform_17, window_bounds = array<i64: 256, 1>}]} {
    %get3A = arith.constant 0 : index
    %get3A_0 = arith.constant 0 : index
    %get3A_1 = vector.load %arg1[%get3A, %get3A_0] : memref<256x3xf32, #tpu.memory_space<vmem>>, vector<256x3xf32>
    %get3A_2 = arith.constant 0 : index
    %get3A_3 = arith.constant 0 : index
    %get3A_4 = vector.load %arg2[%get3A_2, %get3A_3] : memref<3x4096xf32, #tpu.memory_space<vmem>>, vector<3x4096xf32>
    %get3A_5 = arith.constant 0 : index
    %get3A_6 = arith.constant 0 : index
    %get3A_7 = vector.load %arg4[%get3A_5, %get3A_6] : memref<3x3xf32, #tpu.memory_space<vmem>>, vector<3x3xf32>
    %dot_general3A = arith.constant dense<0.000000e+00> : vector<256x3xf32>
    %dot_general3A_8 = tpu.matmul %get3A_1, %get3A_7, %dot_general3A {dimension_numbers = #tpu.dot_dimension_numbers<[1], [0], [0], [1], [0, 0, 1, 1], [], []>, transpose_lhs_hint = false} : vector<256x3xf32>, vector<3x3xf32>, vector<256x3xf32> -> vector<256x3xf32>
    %get3A_9 = arith.constant 0 : index
    %get3A_10 = vector.load %arg5[%get3A_9] : memref<3xf32, #tpu.memory_space<vmem>>, vector<3xf32>
    %broadcast_in_dim3A = vector.shape_cast %get3A_10 : vector<3xf32> to vector<1x3xf32>
    %add3A = vector.broadcast %broadcast_in_dim3A : vector<1x3xf32> to vector<256x3xf32>
    %add3A_11 = arith.addf %dot_general3A_8, %add3A : vector<256x3xf32>
    %get3A_12 = arith.constant 0 : index
    %get3A_13 = arith.constant 0 : index
    %get3A_14 = vector.load %arg6[%get3A_12, %get3A_13] : memref<3x3xf32, #tpu.memory_space<vmem>>, vector<3x3xf32>
    %dot_general3A_15 = arith.constant dense<0.000000e+00> : vector<3x4096xf32>
    %dot_general3A_16 = tpu.matmul %get3A_14, %get3A_4, %dot_general3A_15 {dimension_numbers = #tpu.dot_dimension_numbers<[1], [0], [0], [1], [0, 0, 1, 1], [], []>, transpose_lhs_hint = false} : vector<3x3xf32>, vector<3x4096xf32>, vector<3x4096xf32> -> vector<3x4096xf32>
    %get3A_17 = arith.constant 0 : index
    %get3A_18 = vector.load %arg7[%get3A_17] : memref<3xf32, #tpu.memory_space<vmem>>, vector<3xf32>
    %broadcast_in_dim3A_19 = vector.shape_cast %get3A_18 : vector<3xf32> to vector<3x1xf32>
    %add3A_20 = vector.broadcast %broadcast_in_dim3A_19 : vector<3x1xf32> to vector<3x4096xf32>
    %add3A_21 = arith.addf %dot_general3A_16, %add3A_20 : vector<3x4096xf32>
    %get3A_22 = arith.constant 0 : index
    %get3A_23 = arith.constant 0 : index
    %get3A_24 = vector.load %arg8[%get3A_22, %get3A_23] : memref<3x3xf32, #tpu.memory_space<vmem>>, vector<3x3xf32>
    %dot_general3A_25 = arith.constant dense<0.000000e+00> : vector<3x4096xf32>
    %dot_general3A_26 = tpu.matmul %get3A_24, %get3A_4, %dot_general3A_25 {dimension_numbers = #tpu.dot_dimension_numbers<[1], [0], [0], [1], [0, 0, 1, 1], [], []>, transpose_lhs_hint = false} : vector<3x3xf32>, vector<3x4096xf32>, vector<3x4096xf32> -> vector<3x4096xf32>
    %get3A_27 = arith.constant 0 : index
    %get3A_28 = vector.load %arg9[%get3A_27] : memref<3xf32, #tpu.memory_space<vmem>>, vector<3xf32>
    %broadcast_in_dim3A_29 = vector.shape_cast %get3A_28 : vector<3xf32> to vector<3x1xf32>
    %add3A_30 = vector.broadcast %broadcast_in_dim3A_29 : vector<3x1xf32> to vector<3x4096xf32>
    %add3A_31 = arith.addf %dot_general3A_26, %add3A_30 : vector<3x4096xf32>
    %slice3A = vector.extract_strided_slice %add3A_11 {offsets = [0, 0], sizes = [256, 1], strides = [1, 1]} : vector<256x3xf32> to vector<256x1xf32>
    %slice3A_32 = vector.extract_strided_slice %add3A_21 {offsets = [0, 0], sizes = [1, 4096], strides = [1, 1]} : vector<3x4096xf32> to vector<1x4096xf32>
    %slice3A_33 = vector.extract_strided_slice %add3A_31 {offsets = [0, 0], sizes = [1, 4096], strides = [1, 1]} : vector<3x4096xf32> to vector<1x4096xf32>
    %reduce_max3A = arith.constant dense<0xFF800000> : vector<1xf32>
    %reduce_max3A_34 = vector.multi_reduction <maximumf>, %slice3A_32, %reduce_max3A [1] : vector<1x4096xf32> to vector<1xf32>
    %broadcast_in_dim3A_35 = vector.shape_cast %reduce_max3A_34 : vector<1xf32> to vector<1x1xf32>
    %reduce_min3A = arith.constant dense<0x7F800000> : vector<1xf32>
    %reduce_min3A_36 = vector.multi_reduction <minimumf>, %slice3A_32, %reduce_min3A [1] : vector<1x4096xf32> to vector<1xf32>
    %broadcast_in_dim3A_37 = vector.shape_cast %reduce_min3A_36 : vector<1xf32> to vector<1x1xf32>
    %ge3A = arith.constant 0.000000e+00 : f32
    %ge3A_38 = vector.broadcast %ge3A : f32 to vector<256x1xf32>
    %ge3A_39 = arith.cmpf oge, %slice3A, %ge3A_38 : vector<256x1xf32>
    %mul3A = vector.broadcast %broadcast_in_dim3A_35 : vector<1x1xf32> to vector<256x1xf32>
    %mul3A_40 = arith.mulf %slice3A, %mul3A : vector<256x1xf32>
    %mul3A_41 = vector.broadcast %broadcast_in_dim3A_37 : vector<1x1xf32> to vector<256x1xf32>
    %mul3A_42 = arith.mulf %slice3A, %mul3A_41 : vector<256x1xf32>
    %select_n3A = arith.select %ge3A_39, %mul3A_40, %mul3A_42 : vector<256x1xi1>, vector<256x1xf32>
    %mul3A_43 = vector.broadcast %slice3A : vector<256x1xf32> to vector<256x4096xf32>
    %mul3A_44 = vector.broadcast %slice3A_32 : vector<1x4096xf32> to vector<256x4096xf32>
    %mul3A_45 = arith.mulf %mul3A_43, %mul3A_44 : vector<256x4096xf32>
    %sub3A = vector.broadcast %select_n3A : vector<256x1xf32> to vector<256x4096xf32>
    %sub3A_46 = arith.subf %mul3A_45, %sub3A : vector<256x4096xf32>
    %exp3A = math.exp %sub3A_46 : vector<256x4096xf32>
    %reduce_sum3A = arith.constant dense<0.000000e+00> : vector<256xf32>
    %reduce_sum3A_47 = vector.multi_reduction <add>, %exp3A, %reduce_sum3A [1] : vector<256x4096xf32> to vector<256xf32>
    %broadcast_in_dim3A_48 = vector.shape_cast %reduce_sum3A_47 : vector<256xf32> to vector<256x1xf32>
    %mul3A_49 = vector.broadcast %slice3A_33 : vector<1x4096xf32> to vector<256x4096xf32>
    %mul3A_50 = arith.mulf %exp3A, %mul3A_49 : vector<256x4096xf32>
    %reduce_sum3A_51 = arith.constant dense<0.000000e+00> : vector<256xf32>
    %reduce_sum3A_52 = vector.multi_reduction <add>, %mul3A_50, %reduce_sum3A_51 [1] : vector<256x4096xf32> to vector<256xf32>
    %broadcast_in_dim3A_53 = vector.shape_cast %reduce_sum3A_52 : vector<256xf32> to vector<256x1xf32>
    %div3A = arith.divf %broadcast_in_dim3A_53, %broadcast_in_dim3A_48 : vector<256x1xf32>
    %slice3A_54 = vector.extract_strided_slice %add3A_11 {offsets = [0, 1], sizes = [256, 1], strides = [1, 1]} : vector<256x3xf32> to vector<256x1xf32>
    %slice3A_55 = vector.extract_strided_slice %add3A_21 {offsets = [1, 0], sizes = [1, 4096], strides = [1, 1]} : vector<3x4096xf32> to vector<1x4096xf32>
    %slice3A_56 = vector.extract_strided_slice %add3A_31 {offsets = [1, 0], sizes = [1, 4096], strides = [1, 1]} : vector<3x4096xf32> to vector<1x4096xf32>
    %reduce_max3A_57 = arith.constant dense<0xFF800000> : vector<1xf32>
    %reduce_max3A_58 = vector.multi_reduction <maximumf>, %slice3A_55, %reduce_max3A_57 [1] : vector<1x4096xf32> to vector<1xf32>
    %broadcast_in_dim3A_59 = vector.shape_cast %reduce_max3A_58 : vector<1xf32> to vector<1x1xf32>
    %reduce_min3A_60 = arith.constant dense<0x7F800000> : vector<1xf32>
    %reduce_min3A_61 = vector.multi_reduction <minimumf>, %slice3A_55, %reduce_min3A_60 [1] : vector<1x4096xf32> to vector<1xf32>
    %broadcast_in_dim3A_62 = vector.shape_cast %reduce_min3A_61 : vector<1xf32> to vector<1x1xf32>
    %ge3A_63 = arith.constant 0.000000e+00 : f32
    %ge3A_64 = vector.broadcast %ge3A_63 : f32 to vector<256x1xf32>
    %ge3A_65 = arith.cmpf oge, %slice3A_54, %ge3A_64 : vector<256x1xf32>
    %mul3A_66 = vector.broadcast %broadcast_in_dim3A_59 : vector<1x1xf32> to vector<256x1xf32>
    %mul3A_67 = arith.mulf %slice3A_54, %mul3A_66 : vector<256x1xf32>
    %mul3A_68 = vector.broadcast %broadcast_in_dim3A_62 : vector<1x1xf32> to vector<256x1xf32>
    %mul3A_69 = arith.mulf %slice3A_54, %mul3A_68 : vector<256x1xf32>
    %select_n3A_70 = arith.select %ge3A_65, %mul3A_67, %mul3A_69 : vector<256x1xi1>, vector<256x1xf32>
    %mul3A_71 = vector.broadcast %slice3A_54 : vector<256x1xf32> to vector<256x4096xf32>
    %mul3A_72 = vector.broadcast %slice3A_55 : vector<1x4096xf32> to vector<256x4096xf32>
    %mul3A_73 = arith.mulf %mul3A_71, %mul3A_72 : vector<256x4096xf32>
    %sub3A_74 = vector.broadcast %select_n3A_70 : vector<256x1xf32> to vector<256x4096xf32>
    %sub3A_75 = arith.subf %mul3A_73, %sub3A_74 : vector<256x4096xf32>
    %exp3A_76 = math.exp %sub3A_75 : vector<256x4096xf32>
    %reduce_sum3A_77 = arith.constant dense<0.000000e+00> : vector<256xf32>
    %reduce_sum3A_78 = vector.multi_reduction <add>, %exp3A_76, %reduce_sum3A_77 [1] : vector<256x4096xf32> to vector<256xf32>
    %broadcast_in_dim3A_79 = vector.shape_cast %reduce_sum3A_78 : vector<256xf32> to vector<256x1xf32>
    %mul3A_80 = vector.broadcast %slice3A_56 : vector<1x4096xf32> to vector<256x4096xf32>
    %mul3A_81 = arith.mulf %exp3A_76, %mul3A_80 : vector<256x4096xf32>
    %reduce_sum3A_82 = arith.constant dense<0.000000e+00> : vector<256xf32>
    %reduce_sum3A_83 = vector.multi_reduction <add>, %mul3A_81, %reduce_sum3A_82 [1] : vector<256x4096xf32> to vector<256xf32>
    %broadcast_in_dim3A_84 = vector.shape_cast %reduce_sum3A_83 : vector<256xf32> to vector<256x1xf32>
    %div3A_85 = arith.divf %broadcast_in_dim3A_84, %broadcast_in_dim3A_79 : vector<256x1xf32>
    %slice3A_86 = vector.extract_strided_slice %add3A_11 {offsets = [0, 2], sizes = [256, 1], strides = [1, 1]} : vector<256x3xf32> to vector<256x1xf32>
    %slice3A_87 = vector.extract_strided_slice %add3A_21 {offsets = [2, 0], sizes = [1, 4096], strides = [1, 1]} : vector<3x4096xf32> to vector<1x4096xf32>
    %slice3A_88 = vector.extract_strided_slice %add3A_31 {offsets = [2, 0], sizes = [1, 4096], strides = [1, 1]} : vector<3x4096xf32> to vector<1x4096xf32>
    %reduce_max3A_89 = arith.constant dense<0xFF800000> : vector<1xf32>
    %reduce_max3A_90 = vector.multi_reduction <maximumf>, %slice3A_87, %reduce_max3A_89 [1] : vector<1x4096xf32> to vector<1xf32>
    %broadcast_in_dim3A_91 = vector.shape_cast %reduce_max3A_90 : vector<1xf32> to vector<1x1xf32>
    %reduce_min3A_92 = arith.constant dense<0x7F800000> : vector<1xf32>
    %reduce_min3A_93 = vector.multi_reduction <minimumf>, %slice3A_87, %reduce_min3A_92 [1] : vector<1x4096xf32> to vector<1xf32>
    %broadcast_in_dim3A_94 = vector.shape_cast %reduce_min3A_93 : vector<1xf32> to vector<1x1xf32>
    %ge3A_95 = arith.constant 0.000000e+00 : f32
    %ge3A_96 = vector.broadcast %ge3A_95 : f32 to vector<256x1xf32>
    %ge3A_97 = arith.cmpf oge, %slice3A_86, %ge3A_96 : vector<256x1xf32>
    %mul3A_98 = vector.broadcast %broadcast_in_dim3A_91 : vector<1x1xf32> to vector<256x1xf32>
    %mul3A_99 = arith.mulf %slice3A_86, %mul3A_98 : vector<256x1xf32>
    %mul3A_100 = vector.broadcast %broadcast_in_dim3A_94 : vector<1x1xf32> to vector<256x1xf32>
    %mul3A_101 = arith.mulf %slice3A_86, %mul3A_100 : vector<256x1xf32>
    %select_n3A_102 = arith.select %ge3A_97, %mul3A_99, %mul3A_101 : vector<256x1xi1>, vector<256x1xf32>
    %mul3A_103 = vector.broadcast %slice3A_86 : vector<256x1xf32> to vector<256x4096xf32>
    %mul3A_104 = vector.broadcast %slice3A_87 : vector<1x4096xf32> to vector<256x4096xf32>
    %mul3A_105 = arith.mulf %mul3A_103, %mul3A_104 : vector<256x4096xf32>
    %sub3A_106 = vector.broadcast %select_n3A_102 : vector<256x1xf32> to vector<256x4096xf32>
    %sub3A_107 = arith.subf %mul3A_105, %sub3A_106 : vector<256x4096xf32>
    %exp3A_108 = math.exp %sub3A_107 : vector<256x4096xf32>
    %reduce_sum3A_109 = arith.constant dense<0.000000e+00> : vector<256xf32>
    %reduce_sum3A_110 = vector.multi_reduction <add>, %exp3A_108, %reduce_sum3A_109 [1] : vector<256x4096xf32> to vector<256xf32>
    %broadcast_in_dim3A_111 = vector.shape_cast %reduce_sum3A_110 : vector<256xf32> to vector<256x1xf32>
    %mul3A_112 = vector.broadcast %slice3A_88 : vector<1x4096xf32> to vector<256x4096xf32>
    %mul3A_113 = arith.mulf %exp3A_108, %mul3A_112 : vector<256x4096xf32>
    %reduce_sum3A_114 = arith.constant dense<0.000000e+00> : vector<256xf32>
    %reduce_sum3A_115 = vector.multi_reduction <add>, %mul3A_113, %reduce_sum3A_114 [1] : vector<256x4096xf32> to vector<256xf32>
    %broadcast_in_dim3A_116 = vector.shape_cast %reduce_sum3A_115 : vector<256xf32> to vector<256x1xf32>
    %div3A_117 = arith.divf %broadcast_in_dim3A_116, %broadcast_in_dim3A_111 : vector<256x1xf32>
    %concatenate3A = tpu.concatenate %div3A, %div3A_85, %div3A_117 in 1 : vector<256x1xf32>, vector<256x1xf32>, vector<256x1xf32> -> vector<256x3xf32>
    %get3A_118 = arith.constant 0 : index
    %get3A_119 = arith.constant 0 : index
    %get3A_120 = vector.load %arg10[%get3A_118, %get3A_119] : memref<3x3xf32, #tpu.memory_space<vmem>>, vector<3x3xf32>
    %dot_general3A_121 = arith.constant dense<0.000000e+00> : vector<256x3xf32>
    %dot_general3A_122 = tpu.matmul %concatenate3A, %get3A_120, %dot_general3A_121 {dimension_numbers = #tpu.dot_dimension_numbers<[1], [0], [0], [1], [0, 0, 1, 1], [], []>, transpose_lhs_hint = false} : vector<256x3xf32>, vector<3x3xf32>, vector<256x3xf32> -> vector<256x3xf32>
    %get3A_123 = arith.constant 0 : index
    %get3A_124 = vector.load %arg11[%get3A_123] : memref<3xf32, #tpu.memory_space<vmem>>, vector<3xf32>
    %broadcast_in_dim3A_125 = vector.shape_cast %get3A_124 : vector<3xf32> to vector<1x3xf32>
    %add3A_126 = vector.broadcast %broadcast_in_dim3A_125 : vector<1x3xf32> to vector<256x3xf32>
    %add3A_127 = arith.addf %dot_general3A_122, %add3A_126 : vector<256x3xf32>
    %get3A_128 = arith.constant 0 : index
    %get3A_129 = arith.constant 0 : index
    %get3A_130 = vector.load %arg12[%get3A_128, %get3A_129] : memref<3x16xf32, #tpu.memory_space<vmem>>, vector<3x16xf32>
    %dot_general3A_131 = arith.constant dense<0.000000e+00> : vector<256x16xf32>
    %dot_general3A_132 = tpu.matmul %add3A_127, %get3A_130, %dot_general3A_131 {dimension_numbers = #tpu.dot_dimension_numbers<[1], [0], [0], [1], [0, 0, 1, 1], [], []>, transpose_lhs_hint = false} : vector<256x3xf32>, vector<3x16xf32>, vector<256x16xf32> -> vector<256x16xf32>
    %get3A_133 = arith.constant 0 : index
    %get3A_134 = vector.load %arg13[%get3A_133] : memref<16xf32, #tpu.memory_space<vmem>>, vector<16xf32>
    %broadcast_in_dim3A_135 = vector.shape_cast %get3A_134 : vector<16xf32> to vector<1x16xf32>
    %add3A_136 = vector.broadcast %broadcast_in_dim3A_135 : vector<1x16xf32> to vector<256x16xf32>
    %add3A_137 = arith.addf %dot_general3A_132, %add3A_136 : vector<256x16xf32>
    %max3A = arith.constant 0.000000e+00 : f32
    %max3A_138 = vector.broadcast %max3A : f32 to vector<256x16xf32>
    %max3A_139 = arith.maximumf %add3A_137, %max3A_138 : vector<256x16xf32>
    %get3A_140 = arith.constant 0 : index
    %get3A_141 = arith.constant 0 : index
    %get3A_142 = vector.load %arg14[%get3A_140, %get3A_141] : memref<16x32xf32, #tpu.memory_space<vmem>>, vector<16x32xf32>
    %dot_general3A_143 = arith.constant dense<0.000000e+00> : vector<256x32xf32>
    %dot_general3A_144 = tpu.matmul %max3A_139, %get3A_142, %dot_general3A_143 {dimension_numbers = #tpu.dot_dimension_numbers<[1], [0], [0], [1], [0, 0, 1, 1], [], []>, transpose_lhs_hint = false} : vector<256x16xf32>, vector<16x32xf32>, vector<256x32xf32> -> vector<256x32xf32>
    %get3A_145 = arith.constant 0 : index
    %get3A_146 = vector.load %arg15[%get3A_145] : memref<32xf32, #tpu.memory_space<vmem>>, vector<32xf32>
    %broadcast_in_dim3A_147 = vector.shape_cast %get3A_146 : vector<32xf32> to vector<1x32xf32>
    %add3A_148 = vector.broadcast %broadcast_in_dim3A_147 : vector<1x32xf32> to vector<256x32xf32>
    %add3A_149 = arith.addf %dot_general3A_144, %add3A_148 : vector<256x32xf32>
    %max3A_150 = arith.constant 0.000000e+00 : f32
    %max3A_151 = vector.broadcast %max3A_150 : f32 to vector<256x32xf32>
    %max3A_152 = arith.maximumf %add3A_149, %max3A_151 : vector<256x32xf32>
    %get3A_153 = arith.constant 0 : index
    %get3A_154 = arith.constant 0 : index
    %get3A_155 = vector.load %arg16[%get3A_153, %get3A_154] : memref<32x1xf32, #tpu.memory_space<vmem>>, vector<32x1xf32>
    %dot_general3A_156 = arith.constant dense<0.000000e+00> : vector<256x1xf32>
    %dot_general3A_157 = tpu.matmul %max3A_152, %get3A_155, %dot_general3A_156 {dimension_numbers = #tpu.dot_dimension_numbers<[1], [0], [0], [1], [0, 0, 1, 1], [], []>, transpose_lhs_hint = false} : vector<256x32xf32>, vector<32x1xf32>, vector<256x1xf32> -> vector<256x1xf32>
    %get3A_158 = arith.constant 0 : index
    %get3A_159 = vector.load %arg17[%get3A_158] : memref<1xf32, #tpu.memory_space<vmem>>, vector<1xf32>
    %broadcast_in_dim3A_160 = vector.shape_cast %get3A_159 : vector<1xf32> to vector<1x1xf32>
    %add3A_161 = vector.broadcast %broadcast_in_dim3A_160 : vector<1x1xf32> to vector<256x1xf32>
    %add3A_162 = arith.addf %dot_general3A_157, %add3A_161 : vector<256x1xf32>
    %get3A_163 = arith.constant 0 : index
    %get3A_164 = arith.constant 0 : index
    %get3A_165 = vector.load %arg3[%get3A_163, %get3A_164] : memref<256x1xi32, #tpu.memory_space<vmem>>, vector<256x1xi32>
    %eq3A = arith.constant 1 : i32
    %eq3A_166 = vector.broadcast %eq3A : i32 to vector<256x1xi32>
    %eq3A_167 = arith.cmpi eq, %get3A_165, %eq3A_166 : vector<256x1xi32>
    %jit3A = arith.constant 0.000000e+00 : f32
    %broadcast_in_dim3A_168 = vector.broadcast %jit3A : f32 to vector<256x1xf32>
    %select_n3A_169 = arith.select %eq3A_167, %add3A_162, %broadcast_in_dim3A_168 : vector<256x1xi1>, vector<256x1xf32>
    %swap3A = arith.constant 0 : index
    %swap3A_170 = arith.constant 0 : index
    %swap3A_171 = vector.load %arg18[%swap3A, %swap3A_170] : memref<256x1xf32, #tpu.memory_space<vmem>>, vector<256x1xf32>
    tpu.vector_store %arg18[%swap3A, %swap3A_170], %select_n3A_169 {strides = array<i32>} : memref<256x1xf32, #tpu.memory_space<vmem>>, vector<256x1xf32>,
    return
  }
  func.func @transform_0(%arg0: i32) -> (i32, i32) {
    %c0_i32 = arith.constant 0 : i32
    %c0_i32_0 = arith.constant 0 : i32
    return %arg0, %c0_i32 : i32, i32
  }
  func.func @transform_1(%arg0: i32) -> (i32, i32) {
    %c0_i32 = arith.constant 0 : i32
    %c0_i32_0 = arith.constant 0 : i32
    %c0_i32_1 = arith.constant 0 : i32
    return %c0_i32, %c0_i32_0 : i32, i32
  }
  func.func @transform_2(%arg0: i32) -> (i32, i32) {
    %c0_i32 = arith.constant 0 : i32
    %c0_i32_0 = arith.constant 0 : i32
    return %arg0, %c0_i32 : i32, i32
  }
  func.func @transform_3(%arg0: i32) -> (i32, i32) {
    %c0_i32 = arith.constant 0 : i32
    %c0_i32_0 = arith.constant 0 : i32
    %c0_i32_1 = arith.constant 0 : i32
    return %c0_i32, %c0_i32_0 : i32, i32
  }
  func.func @transform_4(%arg0: i32) -> i32 {
    %c0_i32 = arith.constant 0 : i32
    %c0_i32_0 = arith.constant 0 : i32
    return %c0_i32 : i32
  }
  func.func @transform_5(%arg0: i32) -> (i32, i32) {
    %c0_i32 = arith.constant 0 : i32
    %c0_i32_0 = arith.constant 0 : i32
    %c0_i32_1 = arith.constant 0 : i32
    return %c0_i32, %c0_i32_0 : i32, i32
  }
  func.func @transform_6(%arg0: i32) -> i32 {
    %c0_i32 = arith.constant 0 : i32
    %c0_i32_0 = arith.constant 0 : i32
    return %c0_i32 : i32
  }
  func.func @transform_7(%arg0: i32) -> (i32, i32) {
    %c0_i32 = arith.constant 0 : i32
    %c0_i32_0 = arith.constant 0 : i32
    %c0_i32_1 = arith.constant 0 : i32
    return %c0_i32, %c0_i32_0 : i32, i32
  }
  func.func @transform_8(%arg0: i32) -> i32 {
    %c0_i32 = arith.constant 0 : i32
    %c0_i32_0 = arith.constant 0 : i32
    return %c0_i32 : i32
  }
  func.func @transform_9(%arg0: i32) -> (i32, i32) {
    %c0_i32 = arith.constant 0 : i32
    %c0_i32_0 = arith.constant 0 : i32
    %c0_i32_1 = arith.constant 0 : i32
    return %c0_i32, %c0_i32_0 : i32, i32
  }
  func.func @transform_10(%arg0: i32) -> i32 {
    %c0_i32 = arith.constant 0 : i32
    %c0_i32_0 = arith.constant 0 : i32
    return %c0_i32 : i32
  }
  func.func @transform_11(%arg0: i32) -> (i32, i32) {
    %c0_i32 = arith.constant 0 : i32
    %c0_i32_0 = arith.constant 0 : i32
    %c0_i32_1 = arith.constant 0 : i32
    return %c0_i32, %c0_i32_0 : i32, i32
  }
  func.func @transform_12(%arg0: i32) -> i32 {
    %c0_i32 = arith.constant 0 : i32
    %c0_i32_0 = arith.constant 0 : i32
    return %c0_i32 : i32
  }
  func.func @transform_13(%arg0: i32) -> (i32, i32) {
    %c0_i32 = arith.constant 0 : i32
    %c0_i32_0 = arith.constant 0 : i32
    %c0_i32_1 = arith.constant 0 : i32
    return %c0_i32, %c0_i32_0 : i32, i32
  }
  func.func @transform_14(%arg0: i32) -> i32 {
    %c0_i32 = arith.constant 0 : i32
    %c0_i32_0 = arith.constant 0 : i32
    return %c0_i32 : i32
  }
  func.func @transform_15(%arg0: i32) -> (i32, i32) {
    %c0_i32 = arith.constant 0 : i32
    %c0_i32_0 = arith.constant 0 : i32
    %c0_i32_1 = arith.constant 0 : i32
    return %c0_i32, %c0_i32_0 : i32, i32
  }
  func.func @transform_16(%arg0: i32) -> i32 {
    %c0_i32 = arith.constant 0 : i32
    %c0_i32_0 = arith.constant 0 : i32
    return %c0_i32 : i32
  }
  func.func @transform_17(%arg0: i32) -> (i32, i32) {
    %c0_i32 = arith.constant 0 : i32
    %c0_i32_0 = arith.constant 0 : i32
    return %arg0, %c0_i32 : i32, i32
  }
}

</mosaic_0001>

<sc_bundles>
// kernel: kernel.4.cloned.1.call-start
scs
__scs_entry_jumppad:
0x0: {  	(pc) =	sbr.rel $0x88, $3  }
0x1: {  	(tag) =	ssettag $0x0;
	lr =	simm.s32 $0x1  }
0x2: {  	[smem:$0x3F8C] =	sst lr;
	_ =	strace $0xD0000000  }
0x3: {  	_ = 	snop  }
0x4: {  	_ = 	snop  }
0x5: {  	_ = 	snop  }
0x6: {  	_ = 	snop  }
0x7: {  	_ = 	snop  }
__scs_overlays_trampoline_lowered:
0x8: {  	[smem:$0x3F9B] =	sst s0  }
0x9: {  	[smem:$0x3F9C] =	sst s1  }
0xa: {  	[smem:$0x3F9D] =	sst s2  }
0xb: {  	[smem:$0x3F9E] =	sst s3  }
0xc: {  	[smem:$0x3F9F] =	sst s4  }
0xd: {  	[smem:$0x3FA0] =	sst s5  }
0xe: {  	[smem:$0x3FA1] =	sst s6  }
0xf: {  	[smem:$0x3FA2] =	sst s7  }
0x10: {  	[smem:$0x3FA3] =	sst s8  }
0x11: {  	[smem:$0x3FA4] =	sst s9;
	s0 =	simm.s32 @!p0 $0x0  }
0x12: {  	s1 =	sld [smem:$0x3F8A];
	s0 =	simm.s32 @p0 $0x1  }
0x13: {  	[smem:$0x3FA5] =	sst s0;
	s0 =	simm.s32 @!p1 $0x0  }
0x14: {  	s2 =	sld [smem:$0x3F89];
	s0 =	simm.s32 @p1 $0x1  }
0x15: {  	[smem:$0x3FA6] =	sst s0;
	s0 =	simm.s32 @!p2 $0x0  }
0x16: {  	s3 =	sld [smem:$0x3FDB];
	s0 =	simm.s32 @p2 $0x1  }
0x17: {  	s4 =	simm.s32 $0x1BF5;
	[smem:$0x3FA8] =	sst s0  }
0x18: {  	s0 =	sld [smem:$0x3F8B];
	_ =	swait.ge [sflag:s4], $0x0  }
0x19: {  	s7 =	sld [smem:$0x3F8C]  }
0x1a: {  	s8 =	sadd.s32 $0xFFFFE003, lr  }
0x1b: {  	s9 =	sadd.s32 $0xFFFFFEF7, lr;
	s5 =	simm.s32 $0xFFFFFFFF;
	p2 =	slt.u32 s8, $0xFFFFF086  }
0x1c: {  	p1 =	slt.u32 s9, $0xF7A;
	s5 =	simm.s32 @!p2 $0x0  }
0x1d: {  	s5 =	simm.s32 @p1 $0x1;
	p0 =	seq.s32 s7, s2  }
0x1e: {  	s7 =	smul.u32 @!p0 $0xF7A, s2;
	p2 =	seq.s32 @!p0 s5, $0x0  }
0x1f: {  	s9 =	smul.u32 $0xF7A, s1;
	s8 =	simm.s32 @!p0 $0x1BF5;
	p2 =	por !p2, p0  }
0x20: {  	[sflag:s8] =	ssyncset.s32 @!p0 $0xFFFFF086;
	s6 =	sadd.s32 @!p0 s3, s7;
	s7 =	simm.s32 @!p0 $0x108  }
0x21: {  	s3 =	sadd.s32 s3, s9;
	s6 =	sadd.s32 @!p0 $0x88, s6;
	s7 =	simm.s32 @p2 $0x1082  }
0x22: {  	[simem:s7], [sflag:s8] =	dma.local @!p0 [hbm:s6], $0xF7A  }
0x23: {  	s9 =	sor.u32 $0xD0000000, s2;
	s6 =	simm.s32 $0x108;
	_ =	swait.ge @!p0 [sflag:s8], $0x0  }
0x24: {  	s3 =	sadd.s32 $0x88, s3;
	s6 =	simm.s32 @!p1 $0x1082;
	[sflag:s4] =	ssyncset.s32 $0xFFFFF086  }
0x25: {  	[simem:s6], [sflag:s4] =	dma.local [hbm:s3], $0xF7A  }
0x26: {  	[smem:$0x3F8C] =	sst s1;
	(tag) =	ssettag s2;
	_ =	strace s9  }
0x27: {  	s1 =	sld [smem:$0x3F9C]  }
0x28: {  	s2 =	sld [smem:$0x3F9D]  }
0x29: {  	s4 =	sld [smem:$0x3F9F]  }
0x2a: {  	p0 =	seq.s32 s5, $0x0;
	s5 =	sld [smem:$0x3FA0]  }
0x2b: {  	s6 =	sld [smem:$0x3FA1]  }
0x2c: {  	s7 =	sld [smem:$0x3FA2]  }
0x2d: {  	s3 =	simm.s32 $0x108;
	s8 =	sld [smem:$0x3FA3]  }
0x2e: {  	s3 =	simm.s32 @!p0 $0x1082;
	s9 =	sld [smem:$0x3FA4]  }
0x2f: {  	lr =	sadd.s32 s0, s3;
	s0 =	sld [smem:$0x3F9B]  }
0x30: {  	s3 =	sld [smem:$0x3F9E]  }
0x31: {  	[smem:$0x3FA7] =	sst s10  }
0x32: {  	s10 =	sld [smem:$0x3FA5];
	_ =	sdelay $0x3  }
0x33: {  	p0 =	seq.s32 s10, $0x1;
	s10 =	sld [smem:$0x3FA7];
	_ =	sdelay $0x3  }
0x34: {  	[smem:$0x3FA7] =	sst s10  }
0x35: {  	s10 =	sld [smem:$0x3FA6];
	_ =	sdelay $0x3  }
0x36: {  	p1 =	seq.s32 s10, $0x1;
	s10 =	sld [smem:$0x3FA7];
	_ =	sdelay $0x3  }
0x37: {  	[smem:$0x3FA7] =	sst s10  }
0x38: {  	s10 =	sld [smem:$0x3FA8]  }
0x39: {  	_ = 	snop;
	(pc) =	sbr.ind lr, $3  }
0x3a: {  	_ = 	snop  }
0x3b: {  	_ = 	snop  }
0x3c: {  	p2 =	seq.s32 s10, $0x1;
	s10 =	sld [smem:$0x3FA7]  }
0x3d: {  	_ =	shalt  }
0x3e: {  	_ =	shalt  }
0x3f: {  	_ =	shalt  }
0x40: {  	_ =	shalt  }
0x41: {  	_ =	shalt  }
0x42: {  	_ =	shalt  }
0x43: {  	_ =	shalt  }
0x44: {  	_ =	shalt  }
0x45: {  	_ =	shalt  }
0x46: {  	_ =	shalt  }
0x47: {  	_ =	shalt  }
0x48: {  	_ =	shalt  }
0x49: {  	_ =	shalt  }
0x4a: {  	_ =	shalt  }
0x4b: {  	_ =	shalt  }
0x4c: {  	_ =	shalt  }
0x4d: {  	_ =	shalt  }
0x4e: {  	_ =	shalt  }
0x4f: {  	_ =	shalt  }
0x50: {  	_ =	shalt  }
0x51: {  	_ =	shalt  }
0x52: {  	_ =	shalt  }
0x53: {  	_ =	shalt  }
0x54: {  	_ =	shalt  }
0x55: {  	_ =	shalt  }
0x56: {  	_ =	shalt  }
0x57: {  	_ =	shalt  }
0x58: {  	_ =	shalt  }
0x59: {  	_ =	shalt  }
0x5a: {  	_ =	shalt  }
0x5b: {  	_ =	shalt  }
0x5c: {  	_ =	shalt  }
0x5d: {  	_ =	shalt  }
0x5e: {  	_ =	shalt  }
0x5f: {  	_ =	shalt  }
0x60: {  	_ =	shalt  }
0x61: {  	_ =	shalt  }
0x62: {  	_ =	shalt  }
0x63: {  	_ =	shalt  }
0x64: {  	_ =	shalt  }
0x65: {  	_ =	shalt  }
0x66: {  	_ =	shalt  }
0x67: {  	_ =	shalt  }
0x68: {  	_ =	shalt  }
0x69: {  	_ =	shalt  }
0x6a: {  	_ =	shalt  }
0x6b: {  	_ =	shalt  }
0x6c: {  	_ =	shalt  }
0x6d: {  	_ =	shalt  }
0x6e: {  	_ =	shalt  }
0x6f: {  	_ =	shalt  }
0x70: {  	_ =	shalt  }
0x71: {  	_ =	shalt  }
0x72: {  	_ =	shalt  }
0x73: {  	_ =	shalt  }
0x74: {  	_ =	shalt  }
0x75: {  	_ =	shalt  }
0x76: {  	_ =	shalt  }
0x77: {  	_ =	shalt  }
0x78: {  	_ =	shalt  }
0x79: {  	_ =	shalt  }
0x7a: {  	_ =	shalt  }
0x7b: {  	_ =	shalt  }
0x7c: {  	_ =	shalt  }
0x7d: {  	_ =	shalt  }
0x7e: {  	_ =	shalt  }
0x7f: {  	_ =	shalt  }
0x80: {  	_ =	shalt  }
0x81: {  	_ =	shalt  }
0x82: {  	_ =	shalt  }
0x83: {  	_ =	shalt  }
0x84: {  	_ =	shalt  }
0x85: {  	_ =	shalt  }
0x86: {  	_ =	shalt  }
0x87: {  	_ =	shalt  }
.Lfunc_end0:
.L_simem_size_0:
called_computation_lowered:
.L_overlay_start_0:
0x88: {  	s0 =	sld [smem:$0x3FD9]  }
0x89: {  	s1 =	sld [smem:$0x3FFE];
	_ =	sdelay $0x3  }
0x8a: {  	s0 =	sadd.s32 s1, s0  }
0x8b: {  	[smem:$0x3FB3] =	sst s0  }
0x8c: {  	_ = 	snop  }
0x8d: {  	s0 =	sld [smem:$0x3FD0];
	(tm) =	ssettm $0x1  }
0x8e: {  	s16 =	sld [smem:$0x3FFB];
	_ =	sdelay $0x3  }
0x8f: {  	_ =	strace s16  }
0x90: {  	s1 =	sld [smem:$0x3FFC];
	_ =	sdelay $0x3  }
0x91: {  	_ =	strace s1  }
0x92: {  	s1 =	sld [smem:$0x3FFD];
	_ =	sdelay $0x3  }
0x93: {  	_ =	strace s1  }
0x94: {  	_ =	strace $0x8FFFFFFF  }
0x95: {  	s17 =	sld [smem:$0x3FDB];
	_ =	sdelay $0x1  }
0x96: {  	s2 =	simm.s32 $_scs_section_size  }
0x97: {  	s3 =	simm.s32 $_size__tile_overlayer_lowered;
	s4 =	simm.s32 $_tile_overlayer_lowered  }
0x98: {  	s20 =	simm.s32 $0x1BFF;
	s19 =	sshll.u32 s4, $0x1;
	s1 =	sadd.s32 s2, s17  }
0x99: {  	s5 =	simm.s32 $0x0;
	s18 =	sshll.u32 s3, $0x1;
	s3 =	sadd.s32 s19, s1  }
0x9a: {  	[timem:s5], [sflag:s20] =	dma.local [hbm:s3], s18  }
0x9b: {  	_ =	swait.ge [sflag:s20], s18  }
0x9c: {  	s2 =	ssub.s32 $0x0, s18;
	[sflag:s20] =	ssyncset.done $0x0  }
0x9d: {  	[sflag:s20] =	ssyncadd.s32 s2;
	_ =	sdelay $0x1  }
0x9e: {  	s21 =	simm.s32 $0x1B8B  }
0x9f: {  	_ =	swait.ge [sflag:s21], $0x1  }
0xa0: {  	[sflag:s21] =	ssyncset.done $0x0  }
0xa1: {  	s23 =	simm.s32 $0x1B8E;
	s22 =	sld [smem:$0x3FFE];
	[sflag:s21] =	ssyncadd.s32 $0xFFFFFFFF  }
0xa2: {  	s24 =	simm.s32 $execute0_lowered;
	[smem:$0x3FD2] =	sst s23  }
0xa3: {  	s3 =	sshll.u32 s24, $0x1;
	_ =	strace $0x80000046;
	[dreg:$0x1] =	wrdreg $0xFFFFFFFF  }
0xa4: {  	s25 =	simm.s32 $_size_execute0_lowered;
	s1 =	sadd.s32 s1, s3;
	[dreg:$0x0] =	wrdreg $0x0  }
0xa5: {  	s3 =	sshll.u32 s25, $0x1;
	[dreg:$0x2] =	wrdreg s1  }
0xa6: {  	[dreg:$0x3] =	wrdreg s3  }
0xa7: {  	[dreg:$0x4] =	wrdreg $0xC0  }
0xa8: {  	_ =	task [dreg:s5], $0x5FFFF  }
0xa9: {  	[dreg:$0x1] =	wrdreg $0xFFFFFFFF  }
0xaa: {  	[dreg:$0x0] =	wrdreg $0x60  }
0xab: {  	[dreg:$0x2] =	wrdreg s22  }
0xac: {  	[dreg:$0x3] =	wrdreg s0  }
0xad: {  	[dreg:$0x4] =	wrdreg $0x9  }
0xae: {  	_ =	task.clear_ibuf [dreg:s5], $0x5FFFF;
	_ =	strace $0x90000046  }
0xaf: {  	s26 =	simm.s32 $0x9;
	_ =	strace $0x80000048  }
0xb0: {  	_ =	swait.ge [sflag:s26], $0x1  }
0xb1: {  	[sflag:s26] =	ssyncadd.s32 $0xFFFFFFFF  }
0xb2: {  	_ =	strace $0x90000048  }
0xb3: {  	_ =	sfence  }
0xb4: {  	s28 =	sld [smem:$0x0];
	_ =	sdelay $0x1  }
0xb5: {  	s29 =	srdreg.scid  }
0xb6: {  	s30 =	sshll.u32 s29, $0xD;
	s31 =	sshrl.u32 s29, $0x2  }
0xb7: {  	s2 =	sand.u32 $0x4000, s30;
	s1 =	sand.u32 $0x1, s29;
	s0 =	sadd.s32 s31, s28  }
0xb8: {  	s1 =	sor.u32 s2, s1;
	s0 =	sshll.u32 s0, $0x11  }
0xb9: {  	s0 =	sor.u32 s0, s1  }
0xba: {  	s0 =	sadd.s32 $0x8F2B, s0  }
0xbb: {  	[sflag:s0] =	ssyncadd.remote.s32 $0x1  }
0xbc: {  	_ =	sfence.sel $0xFFFF  }
0xbd: {  	[dreg:$0x0] =	wrdreg $0xFFFFFFFF;
	(pc) =	sbr.abs _section_cstart, $3  }
0xbe: {  	[dreg:$0x1] =	wrdreg $0xFFFFFFFF  }
0xbf: {  	_ =	task.clear_ibuf [dreg:s5], $0x2FFFF;
	_ =	strace $0x9FFFFFFF  }
0xc0: {  	(tm) =	ssettm $0x7FFFFFFF  }
0xc1: {  	_ =	shalt  }
tec
execute0_lowered:
.L_overlay_start_1:
0x0: {  	(tag) =	ssettag $0x1  }
0x1: {  	s0 =	rddreg [dreg:$0x0]  }
0x2: {  	s1 =	rddreg [dreg:$0x1];
	s2 =	simm.s32 $0x0  }
0x3: {  	[smem:$0x7FF] =	sst s2  }
0x4: {  	s3 =	simm.s32 $0x8000;
	s25 =	simm.s32 $0x1;
	_ =	strace $0x80000047  }
0x5: {  	[tilespmem:s3], [sflag:$0x1] =	stream.linear.gather [hbm4b:s1+s2], $0x100, $0x38;
	[tilespmem:$0x15100] =	vst v63  }
0x6: {  	_ =	swait.ge [sflag:s25], $0x100  }
0x7: {  	[sflag:s25] =	ssyncset.done $0x0  }
0x8: {  	s4 =	simm.s32 $0x8100;
	s26 =	sadd.s32 $0x1C00, s0;
	[sflag:s25] =	ssyncadd.s32 $0xFFFFFF00  }
0x9: {  	[tilespmem:s4], [sflag:$0x1] =	stream.linear.gather [hbm4b:s26+s2], $0x1000, $0x38;
	[tilespmem:$0x15100] =	vst v63  }
0xa: {  	_ =	swait.ge [sflag:s25], $0x1000  }
0xb: {  	[sflag:s25] =	ssyncset.done $0x0  }
0xc: {  	s29 =	simm.s32 $0x9100;
	s28 =	sadd.s32 $0x1E00, s0;
	[sflag:s25] =	ssyncadd.s32 $0xFFFFF000  }
0xd: {  	[tilespmem:s29], [sflag:$0x1] =	stream.linear.gather [hbm4b:s28+s2], $0x1000, $0x38;
	[tilespmem:$0x15100] =	vst v63  }
0xe: {  	_ =	swait.ge [sflag:s25], $0x1000  }
0xf: {  	s31 =	simm.s32 $0xA100;
	[sflag:s25] =	ssyncset.done $0x0  }
0x10: {  	s13 =	stileid.u32;
	s30 =	sadd.s32 $0x2000, s0;
	[sflag:s25] =	ssyncadd.s32 $0xFFFFF000  }
0x11: {  	[tilespmem:s31], [sflag:$0x1] =	stream.linear.gather [hbm4b:s30+s2], $0x1000, $0x38;
	[tilespmem:$0x15100] =	vst v63  }
0x12: {  	s3 =	sadd.s32 $0x2200, s0;
	s1 =	simm.s32 $0x0;
	_ =	swait.ge [sflag:s25], $0x1000  }
0x13: {  	s2 =	sadd.s32 $0x4200, s0;
	s0 =	sadd.s32 $0x6200, s0;
	[sflag:s25] =	ssyncset.done $0x0  }
0x14: {  	v1 =	vimm.s32 $0x0;
	[dreg:$0x3] =	wrdreg s0;
	s0 =	simm.s32 $0x40;
	[sflag:s25] =	ssyncadd.s32 $0xFFFFF000  }
.LBB2_1:
0x15: {  	p0 =	sne.s32 s0, $0x7FC0;
	[tilespmem:s1+$0x4000] =	vst v1;
	s4 =	smov.u32 s0;
	s0 =	sadd.s32 $0x40, s0  }
.Ltmp0:
0x16: {  	[tilespmem:s1+$0x6000] =	vst v1;
	(pc) =	sbr.rel @p0 .LBB2_1-.Ltmp0, $2  }
0x17: {  	_ =	sdelay $0x2  }
0x18: {  	s1 =	sshra.s32 s4, $0x2  }
0x19: {  	[tilespmem:s1+$0x4000] =	vst v1;
	s0 =	sshll.u32 s13, $0x8;
	v0 =	vlaneseq.u32  }
0x1a: {  	[tilespmem:s1+$0x6000] =	vst v1;
	s1 =	simm.s32 $0x40;
	s6 =	simm.s32 $0x0;
	v1 =	vor.u32 s0, v0;
	s4 =	smov.u32 s0  }
.LBB2_3:
0x1b: {  	p0 =	sne.s32 s1, $0x3C0  }
0x1c: {  	[tilespmem:s6+$0x4000] =	vst v1;
	s4 =	sadd.s32 $0x10, s4;
	s5 =	smov.u32 s1;
	s1 =	sadd.s32 $0x40, s1  }
.Ltmp1:
0x1d: {  	[tilespmem:s6+$0x6000] =	vst v1;
	(pc) =	sbr.rel @p0 .LBB2_3-.Ltmp1, $2  }
0x1e: {  	_ =	sdelay $0x2  }
0x1f: {  	v1 =	vor.u32 s4, v0;
	s6 =	sshra.s32 s5, $0x2  }
0x20: {  	[tilespmem:s6+$0x4000] =	vst v1;
	s1 =	simm.s32 $0x0;
	s4 =	simm.s32 $0x1;
	s5 =	simm.s32 $0x2000  }
0x21: {  	[tilespmem:s6+$0x6000] =	vst v1;
	v0 =	vmov s13;
	v8 =	vimm.s32 $0x100;
	v1 =	vimm.s32 $0x0;
	s6 =	simm.s32 $0x4000;
	s7 =	simm.s32 $0x6000;
	s8 =	simm.s32 $0x0  }
.LBB2_5:
0x22: {  	s9 =	sshll.u32 s8, $0xA  }
0x23: {  	s10 =	sadd.s32 s2, s9  }
0x24: {  	[tilespmem:s1], [sflag:$0x1] =	stream.linear.gather [hbm4b:s10+s1], $0x2000, $0x38;
	[tilespmem:$0x15100] =	vst v63  }
0x25: {  	_ =	swait.ge [sflag:s4], $0x2000  }
0x26: {  	[sflag:s4] =	ssyncset.done $0x0  }
0x27: {  	s9 =	sadd.s32 s3, s9;
	[sflag:s4] =	ssyncadd.s32 $0xFFFFE000  }
0x28: {  	[tilespmem:s5], [sflag:$0x1] =	stream.linear.gather [hbm4b:s9+s1], $0x2000, $0x38;
	[tilespmem:$0x15100] =	vst v63  }
0x29: {  	_ =	swait.ge [sflag:s4], $0x2000  }
0x2a: {  	[sflag:s4] =	ssyncset.done $0x0  }
0x2b: {  	s29 =	simm.s32 $0x2020;
	[sflag:s4] =	ssyncadd.s32 $0xFFFFE000  }
0x2c: {  	v15 =	vld [tilespmem:s29+$0xFFFFFFE0]  }
0x2d: {  	v2 =	vld [tilespmem:s29+$0x10]  }
0x2e: {  	v4 =	vld [tilespmem:s29+$0x0];
	_ =	sdelay $0x2  }
0x2f: {  	v5 =	vshra.s32 v15, $0x1F  }
0x30: {  	v6 =	vand.u32 $0xFF, v15;
	vm0 =	vlt.s32 v2, $0x1;
	v7 =	vshra.s32 v2, $0x1F  }
0x31: {  	v9 =	vand.u32 $0xFF, v2;
	vm2 =	vlt.s32 v15, $0x1;
	v10 =	vshra.s32 v4, $0x1F  }
0x32: {  	v3 =	vld [tilespmem:s29+$0xFFFFFFF0];
	vm4 =	vlt.s32 v4, $0x1;
	v5 =	vshrl.u32 v5, $0x18;
	vm1 =	vne.s32 v6, $0x0  }
0x33: {  	v6 =	vshrl.u32 v7, $0x18;
	v10 =	vshrl.u32 v10, $0x18;
	v5 =	vadd.s32 v5, v15  }
0x34: {  	vm1 =	vmand vm2, vm1;
	v6 =	vadd.s32 v6, v2;
	vm2 =	vne.s32 v9, $0x0  }
0x35: {  	v9 =	vand.u32 $0xFF, v4;
	v10 =	vadd.s32 v10, v4;
	v5 =	vshra.s32 v5, $0x8  }
0x36: {  	v7 =	vsel vm1, $0xFFFFFFFF, v1;
	v6 =	vshra.s32 v6, $0x8;
	vm3 =	vne.s32 v9, $0x0  }
0x37: {  	vm0 =	vmand vm0, vm2;
	vm2 =	vlt.s32 v3, $0x1;
	v5 =	vadd.s32 v7, v5  }
0x38: {  	v7 =	vshra.s32 v3, $0x1F;
	vm3 =	vmand vm4, vm3;
	vm1 =	veq.s32 v5, v0  }
0x39: {  	v5 =	vand.u32 $0xFF, v3;
	v7 =	vshrl.u32 v7, $0x18;
	v9 =	vsel vm1, $0x1, v1  }
0x3a: {  	vm5 =	vne.s32 v5, $0x0;
	v5 =	vadd.s32 v7, v3;
	v7 =	vmpcnt.ones.xlane vm1;
	(xrf0) =	vadd.scan.msk.s32 $0xffff, v9  }
0x3b: {  	v11 =	vsel vm3, $0xFFFFFFFF, v1;
	vm2 =	vmand vm2, vm5;
	v5 =	vshra.s32 v5, $0x8  }
0x3c: {  	s30 =	simm.s32 $0x2060;
	v9 =	vsel vm2, $0xFFFFFFFF, v1;
	v12 =	vadd.s32 v8, v7;
	v7 =	vsel vm0, $0xFFFFFFFF, v1  }
0x3d: {  	v6 =	vadd.s32 v7, v6;
	v7 =	vshra.s32 v10, $0x8;
	v9 =	vadd.s32 v9, v5;
	v5 =	vld [tilespmem:s30+$0xFFFFFFE0]  }
0x3e: {  	v7 =	vadd.s32 v11, v7  }
0x3f: {  	vm2 =	veq.s32 v6, v0;
	vm3 =	veq.s32 v9, v0;
	v6 =	vld [tilespmem:s30+$0x10];
	vm0 =	veq.s32 v7, v0  }
0x40: {  	v9 =	vsel vm2, $0x1, v1;
	v7 =	vsel vm3, $0x1, v1;
	v18 =	vsel vm0, $0x1, v1;
	v10, _, _ =	vpop (xrf0)  }
0x41: {  	(xrf0) =	vadd.scan.msk.s32 $0xffff, v9;
	v9 =	vmpcnt.ones.xlane vm0;
	v8 =	vadd.s32 v10, v8;
	v10 =	vmpcnt.ones.xlane vm2  }
0x42: {  	v11 =	vshra.s32 v5, $0x1F;
	v13 =	vand.u32 $0xFF, v5;
	vm7 =	vlt.s32 v5, $0x1  }
0x43: {  	v16 =	vadd.s32 $0xFFFFFFFF, v8;
	v8 =	vmpcnt.ones.xlane vm3;
	v11 =	vshrl.u32 v11, $0x18  }
0x44: {  	(xrf0) =	vadd.scan.msk.s32 $0xffff, v7;
	v7 =	vld [tilespmem:s30+$0x0];
	v14 =	vshra.s32 v6, $0x1F;
	v17 =	vand.u32 $0xFF, v6;
	vm5 =	vne.s32 v13, $0x0  }
0x45: {  	vm4 =	vlt.s32 v16, $0x2000;
	v13 =	vshrl.u32 v14, $0x18;
	vm6 =	vne.s32 v17, $0x0  }
0x46: {  	v11 =	vadd.s32 v11, v5;
	vm5 =	vmand vm7, vm5;
	vm4 =	vmand vm1, vm4  }
0x47: {  	v19 =	vadd.s32 v12, v8;
	v8 =	vld [tilespmem:s30+$0xFFFFFFF0];
	vm1 =	vlt.s32 v6, $0x1;
	v13 =	vadd.s32 v13, v6  }
0x48: {  	v11 =	vshra.s32 v11, $0x8;
	v9 =	vadd.s32 v19, v9;
	v17 =	vshra.s32 v13, $0x8  }
0x49: {  	vm6 =	vmand vm1, vm6;
	v10 =	vadd.s32 v9, v10;
	v14, _, _ =	vpop (xrf0);
	v21 =	vand.u32 $0xFF, v7  }
0x4a: {  	v62 =	vshra.s32 v7, $0x1F;
	v9 =	vadd.s32 v14, v9;
	v13, _, _ =	vpop (xrf0);
	vm7 =	vne.s32 v21, $0x0  }
0x4b: {  	(xrf0) =	vadd.scan.msk.s32 $0xffff, v18;
	v12 =	vadd.s32 v13, v12;
	v13 =	vsel vm5, $0xFFFFFFFF, v1;
	vm5 =	vlt.s32 v7, $0x1  }
0x4c: {  	s31 =	simm.s32 $0x20;
	v14 =	vshra.s32 v8, $0x1F;
	v20 =	vand.u32 $0xFF, v8;
	v12 =	vadd.s32 $0xFFFFFFFF, v12  }
0x4d: {  	v18 =	vld [tilespmem:s31+$0xFFFFFFE0];
	v11 =	vadd.s32 v13, v11;
	vm1 =	vlt.s32 v8, $0x1;
	v13 =	vadd.s32 $0xFFFFFFFF, v9  }
0x4e: {  	vm5 =	vmand vm5, vm7;
	v9 =	vshrl.u32 v62, $0x18;
	vm8 =	vne.s32 v20, $0x0  }
0x4f: {  	vm9 =	vlt.s32 v12, $0x2000;
	vm8 =	vmand vm1, vm8;
	vm1 =	veq.s32 v11, v0  }
0x50: {  	v63 =	vsel vm5, $0xFFFFFFFF, v1;
	v24 =	vadd.s32 v9, v7;
	v20 =	vsel vm1, $0x1, v1  }
0x51: {  	vm7 =	vlt.s32 v13, $0x2000;
	v11 =	vshrl.u32 v14, $0x18;
	vm5 =	vmand vm3, vm9;
	v25, _, _ =	vpop (xrf0);
	(xrf0) =	vadd.scan.msk.s32 $0xffff, v20  }
0x52: {  	v24 =	vshra.s32 v24, $0x8;
	vm2 =	vmand vm2, vm7;
	[tilespmem:v16+s6+$0x0] =	vst.idx.msk vm4, v18;
	v18 =	vsel vm6, $0xFFFFFFFF, v1  }
0x53: {  	v9 =	vld [tilespmem:s31+$0x10];
	vm6 =	vmmov vm0;
	v22 =	vadd.s32 v11, v8;
	v11 =	vmpcnt.ones.xlane vm1  }
0x54: {  	v23 =	vsel vm8, $0xFFFFFFFF, v1;
	v21 =	vadd.s32 v63, v24;
	v18 =	vadd.s32 v18, v17;
	v17 =	vld [tilespmem:s31+$0xFFFFFFF0]  }
0x55: {  	s10 =	simm.s32 $0x60;
	[tilespmem:v16+s7+$0x0] =	vst.idx.msk vm4, v15;
	v16 =	vld [tilespmem:s31+$0x0];
	v22 =	vshra.s32 v22, $0x8;
	v15 =	vadd.s32 v25, v19;
	vm0 =	veq.s32 v21, v0  }
0x56: {  	s11 =	simm.s32 $0x4;
	s12 =	simm.s32 $0x20A0;
	s9 =	simm.s32 $0x60;
	v14 =	vadd.s32 v10, v11;
	v11 =	vld [tilespmem:s10+$0x10];
	v19 =	vadd.s32 v23, v22;
	v15 =	vadd.s32 $0xFFFFFFFF, v15  }
.LBB2_6:
0x57: {  	v20 =	vld [tilespmem:s12+$0xFFFFFFE0];
	s11 =	sadd.s32 $0x4, s11;
	vm3 =	veq.s32 v19, v0;
	vm4 =	veq.s32 v18, v0;
	v18, _, _ =	vpop (xrf0);
	vm7 =	vlt.s32 v15, $0x2000  }
0x58: {  	v19 =	vld [tilespmem:s12+$0x10];
	p0 =	slt.u32 s11, $0x1FC;
	v10 =	vadd.s32 v18, v10;
	v18 =	vsel vm4, $0x1, v1;
	vm6 =	vmand vm6, vm7  }
0x59: {  	s10 =	sadd.s32 $0x40, s10;
	v23 =	vmpcnt.ones.xlane vm3;
	v21 =	vld [tilespmem:s12+$0xFFFFFFF0];
	v22 =	vadd.s32 $0xFFFFFFFF, v10;
	v10 =	vsel vm3, $0x1, v1;
	(xrf0) =	vadd.scan.msk.s32 $0xffff, v18  }
0x5a: {  	v24 =	vmpcnt.ones.xlane vm0;
	v18 =	vld [tilespmem:s10+$0x10];
	vm7 =	vlt.s32 v22, $0x2000;
	(xrf0) =	vadd.scan.msk.s32 $0xffff, v10;
	[tilespmem:v12+s6+$0x0] =	vst.idx.msk vm5, v17  }
0x5b: {  	v23 =	vadd.s32 v14, v23;
	v10 =	vmpcnt.ones.xlane vm4;
	v17 =	vld [tilespmem:s12+$0x0];
	vm1 =	vmand vm1, vm7;
	[tilespmem:v12+s7+$0x0] =	vst.idx.msk vm5, v3;
	v3 =	vmovc v8  }
0x5c: {  	v24 =	vadd.s32 v23, v24;
	v28 =	vshra.s32 v20, $0x1F;
	v12 =	vand.u32 $0xFF, v20;
	v25 =	vld [tilespmem:s9+$0xFFFFFFE0];
	[tilespmem:v13+s6+$0x0] =	vst.idx.msk vm2, v9;
	v9 =	vmovc v11  }
0x5d: {  	v10 =	vadd.s32 v24, v10;
	v11 =	vshrl.u32 v28, $0x18;
	vm5 =	vlt.s32 v19, $0x1;
	[tilespmem:v13+s7+$0x0] =	vst.idx.msk vm2, v2;
	v2 =	vmovc v6  }
0x5e: {  	v27 =	vsel vm0, $0x1, v1;
	v28 =	vshra.s32 v19, $0x1F;
	v26 =	vand.u32 $0xFF, v19;
	v6 =	vmovc v19;
	[tilespmem:v15+s6+$0x0] =	vst.idx.msk vm6, v16;
	v8 =	vmovc v21  }
0x5f: {  	vm7 =	vne.s32 v12, $0x0;
	v16 =	vshrl.u32 v28, $0x18;
	(xrf0) =	vadd.scan.msk.s32 $0xffff, v27;
	v13, _, _ =	vpop (xrf0);
	[tilespmem:v15+s7+$0x0] =	vst.idx.msk vm6, v4  }
0x60: {  	vm2 =	vne.s32 v26, $0x0;
	v27 =	vadd.s32 v16, v6;
	v13 =	vadd.s32 v13, v24;
	v12, _, _ =	vpop (xrf0)  }
0x61: {  	v15 =	vadd.s32 v11, v20;
	vm6 =	vlt.s32 v20, $0x1;
	v16 =	vshra.s32 v27, $0x8;
	v11 =	vmovc v18;
	[tilespmem:v22+s6+$0x0] =	vst.idx.msk vm1, v25  }
0x62: {  	v19 =	vand.u32 $0xFF, v8;
	v4 =	vmovc v7;
	v18 =	vshra.s32 v8, $0x1F;
	v21 =	vand.u32 $0xFF, v17;
	[tilespmem:v22+s7+$0x0] =	vst.idx.msk vm1, v5;
	v5 =	vmovc v20  }
0x63: {  	v7 =	vmovc v17;
	v12 =	vadd.s32 v12, v14;
	vm1 =	vmand vm6, vm7;
	vm6 =	vne.s32 v21, $0x0  }
0x64: {  	v14 =	vshra.s32 v7, $0x1F;
	vm7 =	vlt.s32 v7, $0x1;
	v12 =	vadd.s32 $0xFFFFFFFF, v12  }
0x65: {  	v15 =	vshra.s32 v15, $0x8;
	v17 =	vsel vm1, $0xFFFFFFFF, v1;
	vm8 =	vlt.s32 v12, $0x2000;
	v20, _, _ =	vpop (xrf0)  }
0x66: {  	v13 =	vadd.s32 $0xFFFFFFFF, v13;
	v15 =	vadd.s32 v17, v15;
	v17 =	vshrl.u32 v18, $0x18  }
0x67: {  	vm10 =	vmand vm5, vm2;
	vm9 =	vne.s32 v19, $0x0;
	vm1 =	veq.s32 v15, v0  }
0x68: {  	vm2 =	vlt.s32 v8, $0x1;
	v17 =	vadd.s32 v17, v8;
	v15 =	vsel vm1, $0x1, v1  }
0x69: {  	vm2 =	vmand vm2, vm9;
	vm5 =	vmand vm7, vm6;
	v18 =	vmpcnt.ones.xlane vm1  }
0x6a: {  	v19 =	vsel vm2, $0xFFFFFFFF, v1;
	v21 =	vshrl.u32 v14, $0x18;
	v22 =	vsel vm5, $0xFFFFFFFF, v1;
	(xrf0) =	vadd.scan.msk.s32 $0xffff, v15  }
.Ltmp2:
0x6b: {  	vm2 =	vlt.s32 v13, $0x2000;
	v14 =	vadd.s32 v10, v18;
	v15 =	vadd.s32 v21, v7;
	(pc) =	sbr.rel @p0 .LBB2_6-.Ltmp2, $4  }
0x6c: {  	vm2 =	vmand vm4, vm2;
	vm5 =	vmand vm3, vm8;
	v15 =	vshra.s32 v15, $0x8  }
0x6d: {  	v21 =	vshra.s32 v17, $0x8;
	v17 =	vsel vm10, $0xFFFFFFFF, v1;
	v15 =	vadd.s32 v22, v15  }
0x6e: {  	vm6 =	vmmov vm0;
	v20 =	vadd.s32 v20, v23;
	v18 =	vadd.s32 v17, v16;
	v17 =	vld [tilespmem:s9+$0xFFFFFFF0]  }
0x6f: {  	s12 =	sadd.s32 $0x40, s12;
	v19 =	vadd.s32 v19, v21;
	vm0 =	veq.s32 v15, v0;
	v15 =	vadd.s32 $0xFFFFFFFF, v20;
	v16 =	vld [tilespmem:s9+$0x0];
	s9 =	smov.u32 s10  }
0x70: {  	vm3 =	veq.s32 v18, v0  }
0x71: {  	vm4 =	veq.s32 v19, v0;
	v18 =	vsel vm3, $0x1, v1  }
0x72: {  	v19 =	vsel vm4, $0x1, v1;
	(xrf0) =	vadd.scan.msk.s32 $0xffff, v18  }
0x73: {  	(xrf0) =	vadd.scan.msk.s32 $0xffff, v19;
	_ =	sdelay $0x1  }
0x74: {  	v57 =	vsel vm0, $0x1, v1;
	v59 =	vmpcnt.ones.xlane vm4  }
0x75: {  	v58, _, _ =	vpop (xrf0);
	v20 =	vmpcnt.ones.xlane vm0;
	(xrf0) =	vadd.scan.msk.s32 $0xffff, v57  }
0x76: {  	vm7 =	vlt.s32 v15, $0x2000;
	v10 =	vadd.s32 v58, v10;
	v18 =	vadd.s32 v14, v59  }
0x77: {  	vm6 =	vmand vm6, vm7;
	v10 =	vadd.s32 $0xFFFFFFFF, v10;
	v62 =	vadd.s32 v18, v20;
	v60, _, _ =	vpop (xrf0)  }
0x78: {  	vm11 =	vlt.s32 v10, $0x2000;
	[tilespmem:v12+s6+$0x0] =	vst.idx.msk vm5, v17;
	v21, _, _ =	vpop (xrf0);
	v63 =	vadd.s32 v60, v62  }
0x79: {  	vm1 =	vmand vm1, vm11;
	[tilespmem:v12+s7+$0x0] =	vst.idx.msk vm5, v3;
	v61 =	vadd.s32 v21, v14;
	v12 =	vadd.s32 $0xFFFFFFFF, v63  }
0x7a: {  	[tilespmem:v13+s6+$0x0] =	vst.idx.msk vm2, v9;
	v3 =	vld [tilespmem:s9+$0xFFFFFFE0];
	v14 =	vadd.s32 $0xFFFFFFFF, v61;
	vm13 =	vlt.s32 v12, $0x2000  }
0x7b: {  	[tilespmem:v13+s7+$0x0] =	vst.idx.msk vm2, v2;
	v9, _, _ =	vpop (xrf0);
	vm12 =	vlt.s32 v14, $0x2000;
	vm2 =	vmand vm3, vm13  }
0x7c: {  	v9 =	vadd.s32 v9, v18;
	vm4 =	vmand vm4, vm12  }
0x7d: {  	v2 =	vld [tilespmem:s9+$0xFFFFFFF0];
	[tilespmem:v15+s6+$0x0] =	vst.idx.msk vm6, v16;
	v9 =	vadd.s32 $0xFFFFFFFF, v9  }
0x7e: {  	vm14 =	vmmov vm0;
	[tilespmem:v15+s7+$0x0] =	vst.idx.msk vm6, v4;
	vm15 =	vlt.s32 v9, $0x2000  }
0x7f: {  	[tilespmem:v10+s6+$0x0] =	vst.idx.msk vm1, v3;
	vm0 =	vmand vm14, vm15  }
0x80: {  	s8 =	sadd.s32 $0x1, s8;
	v3 =	vld [tilespmem:s9+$0x0];
	[tilespmem:v10+s7+$0x0] =	vst.idx.msk vm1, v5  }
0x81: {  	p0 =	sne.s32 s8, $0x8;
	[tilespmem:v12+s6+$0x0] =	vst.idx.msk vm2, v11  }
.Ltmp3:
0x82: {  	[tilespmem:v14+s6+$0x0] =	vst.idx.msk vm4, v2;
	(pc) =	sbr.rel @p0 .LBB2_5-.Ltmp3, $4  }
0x83: {  	[tilespmem:v12+s7+$0x0] =	vst.idx.msk vm2, v6  }
0x84: {  	v2 =	vmpcnt.ones.xlane vm3;
	[tilespmem:v14+s7+$0x0] =	vst.idx.msk vm4, v8  }
0x85: {  	[tilespmem:v9+s6+$0x0] =	vst.idx.msk vm0, v3  }
0x86: {  	v8 =	vadd.s32 v62, v2;
	[tilespmem:v9+s7+$0x0] =	vst.idx.msk vm0, v7  }
0x87: {  	v1 =	vxor.u32 $0x80000000, v8  }
0x88: {  	(xrf0) =	vmax.scan.msk.u32 $0xffff, v1;
	_ =	sdelay $0x5  }
0x89: {  	v1, _, _ =	vpop (xrf0)  }
0x8a: {  	(v2sf) =	vpush v1, $0xF;
	_ =	sdelay $0x7  }
0x8b: {  	s8 =	sshll.u32 s13, $0x5;
	s9 =	rddreg [dreg:$0x3];
	s15 =	sadd.s32 $0x8100, s0  }
0x8c: {  	s18 =	sadd.s32 $0x9100, s0;
	s20 =	sadd.s32 $0xA100, s0;
	s21 =	sadd.s32 $0x10120, s0  }
0x8d: {  	s25 =	sadd.s32 $0x8120, s0;
	s26 =	sadd.s32 $0x9120, s0;
	s28 =	sadd.s32 $0xA120, s0  }
0x8e: {  	s29 =	simm.s32 $0x8000;
	s30 =	simm.s32 $0xE100;
	[dreg:$0x6] =	wrdreg s15  }
0x8f: {  	s31 =	simm.s32 $0xF100;
	s13 =	simm.s32 $0x14100;
	[dreg:$0x8] =	wrdreg s18  }
0x90: {  	s14 =	sadd.s32 s9, s8;
	s10 =	sadd.s32 $0x200, s9;
	[dreg:$0xb] =	wrdreg s20  }
0x91: {  	s19 =	sadd.s32 $0x400, s9;
	s15 =	simm.s32 $0x1;
	[dreg:$0xc] =	wrdreg s21  }
0x92: {  	s18 =	sadd.s32 $0x12120, s0;
	[dreg:$0x10] =	wrdreg s25;
	s1 =	spop (v2sf)  }
0x93: {  	s20 =	sadd.s32 $0x14120, s0;
	[dreg:$0x11] =	wrdreg s26;
	s1 =	sxor.u32 $0x80000000, s1  }
0x94: {  	[dreg:$0x12] =	wrdreg s28;
	p0 =	slt.s32 s1, $0x2000;
	s6 =	smov.u32 s1  }
0x95: {  	s9 =	simm.s32 $0xD100;
	[dreg:$0x4] =	wrdreg s14;
	s6 =	simm.s32 @!p0 $0x2000  }
0x96: {  	s21 =	simm.s32 $0x0;
	[dreg:$0x5] =	wrdreg s10;
	s4 =	sadd.s32 $0xF, s6  }
0x97: {  	s16 =	sadd.s32 s8, s10;
	[dreg:$0x9] =	wrdreg s19;
	s5 =	sand.u32 $0xF, s4  }
0x98: {  	p6 =	slt.s32 s1, $0xFFFFFFF2;
	s7 =	sshra.s32 s4, $0x1F;
	p1 =	sne.s32 s5, $0x0  }
0x99: {  	s10 =	simm.s32 $0x12100;
	s12 =	sshrl.u32 s7, $0x1C;
	p0 =	por !p6, !p1  }
0x9a: {  	s5 =	simm.s32 $0x1;
	s4 =	sadd.s32 s12, s4;
	p0 =	por !p0, !p0  }
0x9b: {  	[dreg:$0x7] =	wrdreg s16;
	s4 =	sshra.s32 s4, $0x4;
	s5 =	simm.s32 @!p0 $0x0  }
0x9c: {  	s12 =	simm.s32 $0x13100;
	p0 =	slt.s32 s1, $0x2001;
	s7 =	ssub.s32 s4, s5  }
0x9d: {  	s1 =	simm.s32 $0x2000;
	s5 =	sadd.s32 s8, s19;
	s17 =	sshrl.u32 s7, $0x1E  }
0x9e: {  	s19 =	sadd.s32 $0x13120, s0;
	s8 =	simm.s32 $0xC100;
	s4 =	sadd.s32 s17, s7  }
0x9f: {  	[dreg:$0xa] =	wrdreg s5;
	p1 =	sgt.s32 s7, $0x0;
	s14 =	sand.u32 $0xFFFFFFFC, s4  }
0xa0: {  	s17 =	sadd.s32 $0x11120, s0;
	s0 =	simm.s32 $0x10100;
	s22 =	sshll.u32 s14, $0x6  }
0xa1: {  	s4 =	ssub.s32 s7, s14;
	s24 =	sshll.u32 s14, $0x4;
	s5 =	sshra.s32 s22, $0x2  }
0xa2: {  	p3 =	slt.s32 s14, $0x1;
	[dreg:$0xf] =	wrdreg s24;
	s23 =	sadd.s32 $0x4000, s5  }
0xa3: {  	v2 =	vimm.f32 $-Inf;
	v3 =	vimm.f32 $0.0e+00;
	p2 =	slt.s32 s4, $0x1;
	s5 =	sadd.s32 $0x6000, s5;
	[dreg:$0xd] =	wrdreg s23  }
0xa4: {  	v4 =	vlaneseq.u32;
	v5 =	vimm.s32 $0x0;
	v1 =	vmov s6;
	s4 =	simm.s32 $0x11100;
	[dreg:$0xe] =	wrdreg s5;
	s5 =	simm.s32 $0xB100  }
.LBB2_9:
0xa5: {  	s6 =	smul.u32 $0x9, s21;
	_ =	sdelay $0x1  }
0xa6: {  	s11 =	sadd.s32 $0x1, s6;
	s23 =	sadd.s32 $0x2, s6  }
0xa7: {  	v6 =	vmov s6;
	s24 =	sadd.s32 $0x3, s6;
	s25 =	sadd.s32 $0x4, s6;
	s26 =	sadd.s32 $0x5, s6  }
0xa8: {  	s16 =	sadd.s32 $0x6, s6;
	s22 =	sadd.s32 $0x7, s6;
	s6 =	sadd.s32 $0x8, s6;
	v7 =	vmov s11  }
0xa9: {  	v8 =	vmov s23;
	v17 =	vmov s6;
	s6 =	simm.s32 $0xA120  }
0xaa: {  	v12 =	vmov s24;
	v24 =	vld [tilespmem:s6+$0x10]  }
0xab: {  	v13 =	vmov s25;
	v40 =	vld [tilespmem:s6+$0xFFFFFFE0]  }
0xac: {  	v9 =	vld.idx.msk [tilespmem:v6+s29+$0x0], $0xffff  }
0xad: {  	v10 =	vld.idx.msk [tilespmem:v7+s29+$0x0], $0xffff  }
0xae: {  	v11 =	vld.idx.msk [tilespmem:v8+s29+$0x0], $0xffff  }
0xaf: {  	v6 =	vmov s26;
	v12 =	vld.idx.msk [tilespmem:v12+s29+$0x0], $0xffff  }
0xb0: {  	v7 =	vmov s16;
	v13 =	vld.idx.msk [tilespmem:v13+s29+$0x0], $0xffff  }
0xb1: {  	v8 =	vmov s22;
	v18 =	vld.idx.msk [tilespmem:v17+s29+$0x0], $0xffff;
	s22 =	simm.s32 $0x8120  }
0xb2: {  	v21 =	vld [tilespmem:s22+$0x10]  }
0xb3: {  	s11 =	smul.u32 $0x3, s21;
	v30 =	vld [tilespmem:s22+$0xFFFFFFE0]  }
0xb4: {  	v14 =	vld.idx.msk [tilespmem:v6+s29+$0x0], $0xffff  }
0xb5: {  	s23 =	sadd.s32 $0x5A, s11;
	v15 =	vld.idx.msk [tilespmem:v7+s29+$0x0], $0xffff  }
0xb6: {  	s24 =	sadd.s32 $0x5B, s11;
	v6 =	vmov s23;
	s23 =	simm.s32 $0x9120;
	v16 =	vld.idx.msk [tilespmem:v8+s29+$0x0], $0xffff  }
0xb7: {  	s16 =	sadd.s32 $0x5C, s11;
	v7 =	vmov s24;
	v25 =	vld [tilespmem:s23+$0x10]  }
0xb8: {  	v8 =	vmov s16;
	v26 =	vld [tilespmem:s23+$0xFFFFFFE0]  }
0xb9: {  	v61 =	vld [tilespmem:s23+$0xFFFFFFF0]  }
0xba: {  	s25 =	sadd.s32 $0x78, s11;
	v37 =	vld [tilespmem:s23+$0x0];
	v59 =	vmul.f32 v40, v18  }
0xbb: {  	v22 =	vmov s25;
	s26 =	sadd.s32 $0x79, s11;
	v27 =	vmul.f32 v21, v9;
	v31 =	vmul.f32 v21, v10;
	v19 =	vld.idx.msk [tilespmem:v6+s29+$0x0], $0xffff  }
0xbc: {  	s24 =	sadd.s32 $0x7A, s11;
	v33 =	vmul.f32 v21, v11;
	v36 =	vmul.f32 v30, v10;
	v6 =	vmov s26;
	v20 =	vld.idx.msk [tilespmem:v7+s29+$0x0], $0xffff  }
0xbd: {  	v17 =	vld.idx.msk [tilespmem:v8+s29+$0x0], $0xffff;
	v7 =	vmov s24;
	v8 =	vmul.f32 v24, v15;
	v28 =	vmul.f32 v25, v12  }
0xbe: {  	v32 =	vmul.f32 v25, v13;
	v25 =	vmul.f32 v25, v14  }
0xbf: {  	v60 =	vmul.f32 v26, v12;
	v34 =	vmul.f32 v26, v13  }
0xc0: {  	s25 =	sadd.s32 $0x96, s11;
	v22 =	vld.idx.msk [tilespmem:v22+s29+$0x0], $0xffff;
	v44 =	vmul.f32 v61, v13;
	v46 =	vmul.f32 v37, v12  }
0xc1: {  	v29 =	vmov s25;
	v50 =	vmul.f32 v37, v13;
	v53 =	vmul.f32 v40, v15;
	v23 =	vld.idx.msk [tilespmem:v6+s29+$0x0], $0xffff  }
0xc2: {  	v26 =	vmul.f32 v26, v14;
	v56 =	vmul.f32 v61, v14;
	v21 =	vld.idx.msk [tilespmem:v7+s29+$0x0], $0xffff;
	v7 =	vadd.f32 v28, v27  }
0xc3: {  	s26 =	sadd.s32 $0x97, s11;
	v25 =	vadd.f32 v25, v33;
	v27 =	vadd.f32 v32, v31;
	v28 =	vmul.f32 v24, v16;
	v31 =	vld [tilespmem:s22+$0xFFFFFFF0]  }
0xc4: {  	s11 =	sadd.s32 $0x98, s11;
	v6 =	vmov s26;
	v35 =	vadd.f32 v8, v7;
	v7 =	vmul.f32 v24, v18  }
0xc5: {  	v58 =	vmul.f32 v37, v14;
	v27 =	vadd.f32 v28, v27;
	v8 =	vmov s11  }
0xc6: {  	v48 =	vld [tilespmem:s6+$0xFFFFFFF0];
	v28 =	vmul.f32 v30, v9;
	v25 =	vadd.f32 v7, v25;
	v7 =	vmul.f32 v35, v19  }
0xc7: {  	v51 =	vld [tilespmem:s6+$0x0];
	v34 =	vadd.f32 v34, v36;
	v38 =	vmul.f32 v27, v20;
	v62 =	vmul.f32 v35, v22  }
0xc8: {  	v24 =	vld [tilespmem:s22+$0x0];
	v28 =	vadd.f32 v60, v28;
	v39 =	vmul.f32 v27, v23;
	v41 =	vmul.f32 v31, v9  }
0xc9: {  	v6 =	vld.idx.msk [tilespmem:v6+s29+$0x0], $0xffff;
	v43 =	vmul.f32 v31, v10;
	v31 =	vmul.f32 v31, v11;
	v38 =	vadd.f32 v38, v7  }
0xca: {  	s25 =	simm.s32 $0xB120;
	v42 =	vmul.f32 v25, v17;
	v7 =	vld.idx.msk [tilespmem:v29+s29+$0x0], $0xffff;
	v29 =	vmul.f32 v61, v12;
	v32 =	vadd.f32 v39, v62  }
0xcb: {  	s24 =	simm.s32 $0xC120;
	v63 =	vmul.f32 v25, v21;
	v55 =	vadd.f32 v53, v28;
	v8 =	vld.idx.msk [tilespmem:v8+s29+$0x0], $0xffff;
	[tilespmem:s25+$0x10] =	vst v35  }
0xcc: {  	v28 =	vmul.f32 v48, v16;
	v38 =	vadd.f32 v38, v42;
	[tilespmem:s24+$0x10] =	vst v27;
	v27 =	vmul.f32 v40, v16  }
0xcd: {  	s28 =	simm.s32 $0xD120;
	v45 =	vmul.f32 v24, v9;
	v32 =	vadd.f32 v32, v63;
	v29 =	vadd.f32 v29, v41;
	[tilespmem:s25+$0xFFFFFFE0] =	vst v55  }
0xce: {  	s6 =	simm.s32 $0xE120;
	[tilespmem:s28+$0x10] =	vst v25;
	v25 =	vmul.f32 v30, v11;
	v30 =	vadd.f32 v27, v34;
	v27 =	vmul.f32 v48, v15  }
0xcf: {  	s11 =	simm.s32 $0xF120;
	v49 =	vmul.f32 v24, v10;
	v52 =	vadd.f32 v44, v43;
	v54 =	vadd.f32 v46, v45;
	[tilespmem:s6+$0x10] =	vst v38  }
0xd0: {  	[tilespmem:s11+$0x10] =	vst v32;
	v26 =	vadd.f32 v26, v25;
	v25 =	vmul.f32 v51, v15;
	v57 =	vadd.f32 v27, v29  }
0xd1: {  	v36 =	vadd.f32 v50, v49;
	v29 =	vmul.f32 v51, v16;
	[tilespmem:s24+$0xFFFFFFE0] =	vst v30;
	v27 =	vadd.f32 v28, v52  }
0xd2: {  	v60 =	vmul.f32 v48, v18;
	v28 =	vmul.f32 v24, v11;
	v25 =	vadd.f32 v25, v54;
	[tilespmem:s25+$0xFFFFFFF0] =	vst v57  }
0xd3: {  	v62 =	vmul.f32 v55, v19;
	v24 =	vadd.f32 v29, v36;
	v29 =	vadd.f32 v56, v31;
	[tilespmem:s24+$0xFFFFFFF0] =	vst v27  }
0xd4: {  	v61 =	vadd.f32 v58, v28;
	v28 =	vadd.f32 v59, v26;
	v26 =	vmul.f32 v51, v18;
	[tilespmem:s25+$0x0] =	vst v25  }
0xd5: {  	v63 =	vmul.f32 v30, v20;
	v34 =	vmul.f32 v30, v23;
	v29 =	vadd.f32 v60, v29;
	[tilespmem:s24+$0x0] =	vst v24  }
0xd6: {  	v31 =	vmul.f32 v55, v22;
	v32 =	vmul.f32 v57, v19;
	[tilespmem:s28+$0xFFFFFFE0] =	vst v28;
	v26 =	vadd.f32 v26, v61  }
0xd7: {  	s16 =	simm.s32 $0xA160;
	s26 =	simm.s32 $0x0;
	v30 =	vadd.f32 v63, v62;
	v35 =	vmul.f32 v27, v20;
	v33 =	vmul.f32 v57, v22;
	[tilespmem:s28+$0xFFFFFFF0] =	vst v29  }
.LBB2_10:
0xd8: {  	v36 =	vld [tilespmem:s16+$0x10];
	v31 =	vadd.f32 v34, v31;
	v27 =	vmul.f32 v27, v23;
	[tilespmem:s28+$0x0] =	vst v26;
	v34 =	vmul.f32 v25, v19;
	s22 =	sadd.s32 $0x40, s22  }
0xd9: {  	v25 =	vmul.f32 v25, v22;
	s23 =	sadd.s32 $0x40, s23;
	v37 =	vld [tilespmem:s22+$0x10];
	v32 =	vadd.f32 v35, v32;
	v35 =	vmul.f32 v24, v20  }
0xda: {  	v39 =	vmul.f32 v28, v17;
	v24 =	vmul.f32 v24, v23;
	v38 =	vld [tilespmem:s23+$0x10];
	v27 =	vadd.f32 v27, v33  }
0xdb: {  	v28 =	vmul.f32 v28, v21;
	v40 =	vmul.f32 v29, v17;
	v33 =	vld [tilespmem:s23+$0xFFFFFFE0];
	v34 =	vadd.f32 v35, v34  }
0xdc: {  	s26 =	sadd.s32 $0x4, s26;
	v29 =	vmul.f32 v29, v21;
	v41 =	vmul.f32 v26, v17;
	v24 =	vadd.f32 v24, v25;
	v35 =	vld [tilespmem:s22+$0xFFFFFFF0]  }
0xdd: {  	v26 =	vmul.f32 v26, v21;
	p4 =	slt.u32 s26, $0xFC;
	v30 =	vadd.f32 v30, v39;
	v28 =	vadd.f32 v31, v28;
	v25 =	vld [tilespmem:s23+$0xFFFFFFF0]  }
0xde: {  	v32 =	vadd.f32 v32, v40;
	v27 =	vadd.f32 v27, v29;
	v39 =	vmul.f32 v36, v15;
	v31 =	vld [tilespmem:s22+$0x0]  }
0xdf: {  	v40 =	vmul.f32 v37, v9;
	v29 =	vld [tilespmem:s23+$0x0];
	v42 =	vmul.f32 v38, v12;
	[tilespmem:s6+$0xFFFFFFE0] =	vst v30;
	v30 =	vadd.f32 v34, v41  }
0xe0: {  	v24 =	vadd.f32 v24, v26;
	v41 =	vmul.f32 v37, v10;
	v43 =	vmul.f32 v38, v13;
	v34 =	vld [tilespmem:s22+$0xFFFFFFE0];
	[tilespmem:s11+$0xFFFFFFE0] =	vst v28  }
0xe1: {  	v28 =	vmul.f32 v37, v11;
	v37 =	vmul.f32 v38, v14;
	v26 =	vld [tilespmem:s16+$0xFFFFFFE0];
	[tilespmem:s6+$0xFFFFFFF0] =	vst v32  }
0xe2: {  	v38 =	vadd.f32 v42, v40;
	v40 =	vadd.f32 v43, v41;
	v41 =	vmul.f32 v36, v16;
	v32 =	vld [tilespmem:s16+$0xFFFFFFF0];
	[tilespmem:s11+$0xFFFFFFF0] =	vst v27  }
0xe3: {  	v42 =	vmul.f32 v33, v13;
	v27 =	vmul.f32 v33, v12;
	v28 =	vadd.f32 v37, v28;
	v43 =	vld [tilespmem:s16+$0x0];
	[tilespmem:s6+$0x0] =	vst v30  }
0xe4: {  	v36 =	vmul.f32 v36, v18;
	v30 =	vadd.f32 v39, v38;
	v37 =	vadd.f32 v41, v40;
	[tilespmem:s11+$0x0] =	vst v24  }
0xe5: {  	v24 =	vmul.f32 v34, v9;
	v38 =	vmul.f32 v34, v10  }
0xe6: {  	v28 =	vadd.f32 v36, v28;
	v36 =	vmul.f32 v30, v19;
	v39 =	vmul.f32 v37, v20  }
0xe7: {  	v40 =	vmul.f32 v37, v23;
	v24 =	vadd.f32 v27, v24;
	v27 =	vmul.f32 v30, v22  }
0xe8: {  	s25 =	sadd.s32 $0x40, s25;
	v41 =	vmul.f32 v35, v9;
	v36 =	vadd.f32 v39, v36;
	v39 =	vmul.f32 v28, v17  }
0xe9: {  	s24 =	sadd.s32 $0x40, s24;
	v44 =	vmul.f32 v25, v12;
	[tilespmem:s25+$0x10] =	vst v30;
	v27 =	vadd.f32 v40, v27;
	v30 =	vmul.f32 v28, v21  }
0xea: {  	s28 =	sadd.s32 $0x40, s28;
	v45 =	vmul.f32 v25, v13;
	v40 =	vmul.f32 v35, v10;
	v36 =	vadd.f32 v36, v39;
	[tilespmem:s24+$0x10] =	vst v37  }
0xeb: {  	s6 =	sadd.s32 $0x40, s6;
	v39 =	vmul.f32 v29, v12;
	v37 =	vmul.f32 v31, v9;
	[tilespmem:s28+$0x10] =	vst v28;
	v27 =	vadd.f32 v27, v30  }
0xec: {  	s11 =	sadd.s32 $0x40, s11;
	v28 =	vadd.f32 v42, v38;
	v30 =	vmul.f32 v31, v10;
	v38 =	vmul.f32 v29, v13;
	[tilespmem:s6+$0x10] =	vst v36  }
0xed: {  	v41 =	vadd.f32 v44, v41;
	v40 =	vadd.f32 v45, v40;
	v36 =	vmul.f32 v26, v15;
	[tilespmem:s11+$0x10] =	vst v27  }
0xee: {  	v37 =	vadd.f32 v39, v37;
	v27 =	vmul.f32 v26, v16;
	v30 =	vadd.f32 v38, v30  }
0xef: {  	v33 =	vmul.f32 v33, v14;
	v36 =	vadd.f32 v36, v24;
	v24 =	vmul.f32 v34, v11  }
0xf0: {  	v34 =	vadd.f32 v27, v28;
	v27 =	vmul.f32 v32, v15;
	v28 =	vmul.f32 v32, v16  }
0xf1: {  	v35 =	vmul.f32 v35, v11;
	v38 =	vmul.f32 v25, v14;
	v33 =	vadd.f32 v33, v24;
	[tilespmem:s25+$0xFFFFFFE0] =	vst v36  }
0xf2: {  	v24 =	vmul.f32 v43, v15;
	v39 =	vadd.f32 v27, v41;
	v41 =	vmul.f32 v43, v16;
	[tilespmem:s24+$0xFFFFFFE0] =	vst v34  }
0xf3: {  	v29 =	vmul.f32 v29, v14;
	v27 =	vadd.f32 v28, v40;
	v28 =	vmul.f32 v31, v11  }
0xf4: {  	v26 =	vmul.f32 v26, v18;
	v25 =	vadd.f32 v24, v37;
	v24 =	vadd.f32 v41, v30;
	[tilespmem:s25+$0xFFFFFFF0] =	vst v39  }
.Ltmp4:
0xf5: {  	v32 =	vmul.f32 v32, v18;
	v30 =	vadd.f32 v38, v35;
	v35 =	vadd.f32 v29, v28;
	[tilespmem:s24+$0xFFFFFFF0] =	vst v27;
	(pc) =	sbr.rel @p4 .LBB2_10-.Ltmp4, $4  }
0xf6: {  	v28 =	vadd.f32 v26, v33;
	v33 =	vmul.f32 v36, v19;
	v26 =	vmul.f32 v43, v18;
	[tilespmem:s25+$0x0] =	vst v25  }
0xf7: {  	v31 =	vmul.f32 v36, v22;
	v37 =	vmul.f32 v34, v20;
	v29 =	vadd.f32 v32, v30;
	[tilespmem:s24+$0x0] =	vst v24  }
0xf8: {  	v34 =	vmul.f32 v34, v23;
	v32 =	vmul.f32 v39, v19;
	v26 =	vadd.f32 v26, v35;
	[tilespmem:s28+$0xFFFFFFE0] =	vst v28  }
0xf9: {  	s16 =	sadd.s32 $0x40, s16;
	v30 =	vadd.f32 v37, v33;
	v35 =	vmul.f32 v27, v20;
	v33 =	vmul.f32 v39, v22;
	[tilespmem:s28+$0xFFFFFFF0] =	vst v29  }
0xfa: {  	v9 =	vmul.f32 v27, v23  }
0xfb: {  	v10 =	vmul.f32 v25, v19;
	v12 =	vmul.f32 v24, v20  }
0xfc: {  	v13 =	vmul.f32 v28, v17;
	v15 =	vmul.f32 v25, v22  }
0xfd: {  	v11 =	vadd.f32 v34, v31;
	v16 =	vmul.f32 v28, v21;
	v18 =	vmul.f32 v29, v17  }
0xfe: {  	v59 =	vmul.f32 v24, v23;
	v14 =	vadd.f32 v35, v32;
	v13 =	vadd.f32 v30, v13  }
0xff: {  	[tilespmem:s28+$0x0] =	vst v26;
	v60 =	vmul.f32 v29, v21;
	v9 =	vadd.f32 v9, v33;
	v11 =	vadd.f32 v11, v16  }
0x100: {  	v61 =	vmul.f32 v26, v17;
	v10 =	vadd.f32 v12, v10;
	v14 =	vadd.f32 v14, v18;
	[tilespmem:s6+$0xFFFFFFE0] =	vst v13  }
0x101: {  	v63 =	vmul.f32 v26, v21;
	v62 =	vadd.f32 v59, v15;
	v9 =	vadd.f32 v9, v60;
	[tilespmem:s11+$0xFFFFFFE0] =	vst v11  }
0x102: {  	v10 =	vadd.f32 v10, v61;
	[tilespmem:s6+$0xFFFFFFF0] =	vst v14  }
0x103: {  	v11 =	vadd.f32 v62, v63;
	[tilespmem:s11+$0xFFFFFFF0] =	vst v9  }
0x104: {  	[tilespmem:s6+$0x0] =	vst v10  }
0x105: {  	[tilespmem:s11+$0x0] =	vst v11  }
0x106: {  	s28 =	rddreg [dreg:$0xc]  }
0x107: {  	[tilespmem:s28+$0x0] =	vst v2  }
0x108: {  	[tilespmem:s28+$0xFFFFFFE0] =	vst v2  }
0x109: {  	[tilespmem:s28+$0xFFFFFFF0] =	vst v2  }
0x10a: {  	[tilespmem:s28+$0x10] =	vst v2  }
0x10b: {  	[tilespmem:s17+$0x10] =	vst v3  }
0x10c: {  	[tilespmem:s17+$0xFFFFFFF0] =	vst v3  }
0x10d: {  	[tilespmem:s17+$0xFFFFFFE0] =	vst v3  }
0x10e: {  	[tilespmem:s18+$0x10] =	vst v3  }
0x10f: {  	[tilespmem:s18+$0xFFFFFFF0] =	vst v3  }
0x110: {  	[tilespmem:s18+$0xFFFFFFE0] =	vst v3  }
0x111: {  	[tilespmem:s19+$0x10] =	vst v3  }
0x112: {  	[tilespmem:s19+$0xFFFFFFE0] =	vst v3  }
0x113: {  	s16 =	sadd.s32 $0x40, s19;
	s23 =	sadd.s32 $0x40, s20;
	[tilespmem:s19+$0xFFFFFFF0] =	vst v3  }
0x114: {  	s22 =	smov.u32 s17;
	s25 =	smov.u32 s18;
	s26 =	smov.u32 s19;
	[tilespmem:s20+$0x10] =	vst v3  }
0x115: {  	s24 =	smov.u32 s20;
	s6 =	simm.s32 $0x0;
	s11 =	sadd.s32 $0x40, s18;
	[tilespmem:s20+$0xFFFFFFF0] =	vst v3  }
.LBB2_12:
0x116: {  	s6 =	sadd.s32 $0x4, s6;
	[tilespmem:s22+$0x0] =	vst v3;
	s28 =	sadd.s32 $0x40, s28;
	s22 =	sadd.s32 $0x40, s22  }
0x117: {  	p4 =	slt.u32 s6, $0xC;
	[tilespmem:s25+$0x0] =	vst v3;
	s25 =	smov.u32 s11  }
0x118: {  	[tilespmem:s26+$0x0] =	vst v3;
	s26 =	smov.u32 s16  }
0x119: {  	[tilespmem:s24+$0xFFFFFFE0] =	vst v3  }
0x11a: {  	[tilespmem:s24+$0x0] =	vst v3;
	s24 =	smov.u32 s23  }
0x11b: {  	[tilespmem:s28+$0x0] =	vst v2  }
0x11c: {  	[tilespmem:s28+$0xFFFFFFE0] =	vst v2  }
0x11d: {  	[tilespmem:s28+$0xFFFFFFF0] =	vst v2  }
0x11e: {  	[tilespmem:s28+$0x10] =	vst v2  }
0x11f: {  	[tilespmem:s22+$0x10] =	vst v3  }
0x120: {  	[tilespmem:s11+$0x10] =	vst v3  }
0x121: {  	[tilespmem:s16+$0x10] =	vst v3  }
0x122: {  	[tilespmem:s23+$0x10] =	vst v3  }
0x123: {  	[tilespmem:s22+$0xFFFFFFF0] =	vst v3  }
0x124: {  	[tilespmem:s11+$0xFFFFFFF0] =	vst v3  }
.Ltmp5:
0x125: {  	[tilespmem:s22+$0xFFFFFFE0] =	vst v3;
	(pc) =	sbr.rel @p4 .LBB2_12-.Ltmp5, $4  }
0x126: {  	[tilespmem:s11+$0xFFFFFFE0] =	vst v3  }
0x127: {  	[tilespmem:s16+$0xFFFFFFE0] =	vst v3  }
0x128: {  	[tilespmem:s16+$0xFFFFFFF0] =	vst v3  }
0x129: {  	s23 =	sadd.s32 $0x40, s23;
	s11 =	sadd.s32 $0x40, s11;
	s16 =	sadd.s32 $0x40, s16;
	[tilespmem:s24+$0xFFFFFFF0] =	vst v3  }
.Ltmp6:
0x12a: {  	[tilespmem:s22+$0x0] =	vst v3;
	(pc) =	sbr.rel @p1 .LBB2_14-.Ltmp6, $4  }
0x12b: {  	[tilespmem:s24+$0xFFFFFFE0] =	vst v3  }
0x12c: {  	[tilespmem:s25+$0x0] =	vst v3  }
0x12d: {  	[tilespmem:s26+$0x0] =	vst v3  }
0x12e: {  	s6 =	simm.s32 $0x0;
	[tilespmem:s24+$0x0] =	vst v3  }
.LBB2_18:
.Ltmp7:
0x12f: {  	(pc) =	sbr.rel @!p0 .LBB2_19-.Ltmp7, $2  }
0x130: {  	_ =	sdelay $0x2  }
0x131: {  	s6 =	simm.s32 $0x0;
	v9 =	vimm.s32 $0x100;
	s11 =	simm.s32 $0x0  }
.LBB2_25:
.Ltmp8:
0x132: {  	(pc) =	sbr.rel @p3 .LBB2_33-.Ltmp8, $1  }
0x133: {  	_ =	sdelay $0x3  }
0x134: {  	s11 =	simm.s32 $0x4020  }
0x135: {  	s16 =	simm.s32 $0x6020;
	v12 =	vld [tilespmem:s11+$0x10]  }
0x136: {  	v13 =	vld [tilespmem:s16+$0x10]  }
0x137: {  	v25 =	vld [tilespmem:s16+$0xFFFFFFE0]  }
0x138: {  	v28 =	vld [tilespmem:s11+$0xFFFFFFF0]  }
0x139: {  	v10 =	vld [tilespmem:s16+$0xFFFFFFF0]  }
0x13a: {  	v27 =	vld [tilespmem:s11+$0x0]  }
0x13b: {  	v9 =	vld [tilespmem:s16+$0x0]  }
0x13c: {  	v29 =	vld [tilespmem:s11+$0xFFFFFFE0]  }
0x13d: {  	v11 =	vld.idx.msk [tilespmem:v12+s30+$0x0], $0xffff  }
0x13e: {  	v14 =	vld.idx.msk [tilespmem:v13+s31+$0x0], $0xffff  }
0x13f: {  	v15 =	vld.idx.msk [tilespmem:v25+s31+$0x0], $0xffff  }
0x140: {  	v16 =	vld.idx.msk [tilespmem:v28+s30+$0x0], $0xffff  }
0x141: {  	v17 =	vld.idx.msk [tilespmem:v10+s31+$0x0], $0xffff  }
0x142: {  	v18 =	vld.idx.msk [tilespmem:v27+s30+$0x0], $0xffff  }
0x143: {  	v19 =	vld.idx.msk [tilespmem:v13+s0+$0x0], $0xffff;
	v11 =	vadd.f32 v14, v11  }
0x144: {  	v14 =	vld.idx.msk [tilespmem:v29+s30+$0x0], $0xffff  }
0x145: {  	v20 =	vld.idx.msk [tilespmem:v9+s31+$0x0], $0xffff;
	v21 =	vmul.f32 $2.000000030e-01, v11;
	_ =	sdelay $0x1  }
0x146: {  	v16 =	vadd.f32 v17, v16;
	v17 =	vld.idx.msk [tilespmem:v10+s0+$0x0], $0xffff;
	v11 =	vmax.f32 v11, v21  }
0x147: {  	v11 =	vsub.f32 v11, v19  }
0x148: {  	v63 =	vmul.f32 $2.000000030e-01, v16;
	v19 =	vld.idx.msk [tilespmem:v25+s0+$0x0], $0xffff;
	v14 =	vadd.f32 v15, v14  }
0x149: {  	v18 =	vadd.f32 v20, v18;
	v15 =	vld.idx.msk [tilespmem:v9+s0+$0x0], $0xffff;
	v11 =	vmul.f32 $1.442695020e+00, v11  }
0x14a: {  	v16 =	vmax.f32 v16, v63;
	v20 =	vmul.f32 $2.000000030e-01, v14  }
0x14b: {  	v16 =	vsub.f32 v16, v17;
	v17 =	vmul.f32 $2.000000030e-01, v18;
	(erf) = vpow2.f32 v11  }
0x14c: {  	v11 =	vmax.f32 v14, v20  }
0x14d: {  	v14 =	vmul.f32 $1.442695020e+00, v16;
	v16 =	vmax.f32 v18, v17;
	v11 =	vsub.f32 v11, v19  }
0x14e: {  	s25 =	simm.s32 $0x30;
	v15 =	vsub.f32 v16, v15  }
0x14f: {  	v16 =	vor.u32 s25, v4;
	(erf) = vpow2.f32 v14;
	v11 =	vmul.f32 $1.442695020e+00, v11  }
0x150: {  	s26 =	simm.s32 $0x10;
	vm3 =	vlt.s32 v16, v1;
	v14 =	vmul.f32 $1.442695020e+00, v15  }
0x151: {  	(erf) = vpow2.f32 v11;
	v11 =	vor.u32 s26, v4  }
0x152: {  	(erf) = vpow2.f32 v14;
	_ =	sdelay $0x1  }
0x153: {  	s6 =	simm.s32 $0x0;
	s28 =	simm.s32 $0x20;
	vm4 =	vlt.s32 v11, v1;
	v11 =	vpop (erf)  }
0x154: {  	v15 =	vor.u32 s28, v4;
	v14 =	vor.u32 s6, v4;
	v16 =	vnsel vm3, $0x0, v11  }
0x155: {  	vm0 =	vlt.s32 v15, v1;
	vm2 =	vlt.s32 v14, v1;
	[tilespmem:v13+s4+$0x0] =	vst.idx.add.f32.msk vm3, v16  }
0x156: {  	vm1 =	vmmov vm0;
	v14 =	vld.idx.msk [tilespmem:v12+s5+$0x0], $0xffff  }
0x157: {  	vm0 =	vmmov vm4;
	v11 =	vpop (erf);
	v15 =	vld.idx.msk [tilespmem:v12+s8+$0x0], $0xffff  }
0x158: {  	v11 =	vnsel vm0, $0x0, v11;
	v17 =	vld.idx.msk [tilespmem:v12+s9+$0x0], $0xffff  }
0x159: {  	[tilespmem:v10+s4+$0x0] =	vst.idx.add.f32.msk vm4, v11;
	v12 =	vpop (erf)  }
0x15a: {  	v18 =	vld.idx.msk [tilespmem:v28+s5+$0x0], $0xffff;
	v19 =	vnsel vm2, $0x0, v12;
	v12 =	vpop (erf)  }
0x15b: {  	[tilespmem:v25+s4+$0x0] =	vst.idx.add.f32.msk vm2, v19;
	v12 =	vnsel vm1, $0x0, v12  }
0x15c: {  	p5 =	sgt.s32 s14, $0x4;
	[tilespmem:v9+s4+$0x0] =	vst.idx.add.f32.msk vm1, v12  }
.Ltmp9:
0x15d: {  	v14 =	vmul.f32 v16, v14;
	v30 =	vld.idx.msk [tilespmem:v29+s5+$0x0], $0xffff;
	(pc) =	sbr.rel @!p5 .LBB2_27-.Ltmp9, $4  }
0x15e: {  	v15 =	vmul.f32 v16, v15;
	v31 =	vld.idx.msk [tilespmem:v29+s8+$0x0], $0xffff  }
0x15f: {  	[tilespmem:v13+s10+$0x0] =	vst.idx.add.f32.msk vm3, v14;
	v14 =	vmul.f32 v16, v17  }
0x160: {  	[tilespmem:v13+s12+$0x0] =	vst.idx.add.f32.msk vm3, v15  }
0x161: {  	p4 =	por $0x0, $0x0;
	s6 =	simm.s32 $0x4060;
	v24 =	vmul.f32 v11, v18;
	[tilespmem:v13+s13+$0x0] =	vst.idx.add.f32.msk vm3, v14  }
0x162: {  	v21 =	vld [tilespmem:s6+$0x10];
	s22 =	simm.s32 $0x6060  }
0x163: {  	v26 =	vld [tilespmem:s22+$0x10]  }
0x164: {  	v15 =	vld [tilespmem:s6+$0xFFFFFFF0]  }
0x165: {  	v16 =	vld [tilespmem:s6+$0x0]  }
0x166: {  	v14 =	vld [tilespmem:s22+$0xFFFFFFE0]  }
0x167: {  	v13 =	vld [tilespmem:s22+$0xFFFFFFF0]  }
0x168: {  	v18 =	vld [tilespmem:s6+$0xFFFFFFE0]  }
0x169: {  	v17 =	vld [tilespmem:s22+$0x0]  }
0x16a: {  	v20 =	vld.idx.msk [tilespmem:v21+s30+$0x0], $0xffff  }
0x16b: {  	v22 =	vld.idx.msk [tilespmem:v26+s31+$0x0], $0xffff  }
0x16c: {  	v32 =	vld.idx.msk [tilespmem:v15+s30+$0x0], $0xffff  }
0x16d: {  	v34 =	vld.idx.msk [tilespmem:v16+s30+$0x0], $0xffff  }
0x16e: {  	v23 =	vld.idx.msk [tilespmem:v14+s31+$0x0], $0xffff  }
0x16f: {  	v33 =	vld.idx.msk [tilespmem:v13+s31+$0x0], $0xffff  }
0x170: {  	v35 =	vld.idx.msk [tilespmem:v26+s0+$0x0], $0xffff;
	v20 =	vadd.f32 v22, v20  }
0x171: {  	v22 =	vld.idx.msk [tilespmem:v18+s30+$0x0], $0xffff  }
0x172: {  	v36 =	vld.idx.msk [tilespmem:v17+s31+$0x0], $0xffff;
	v37 =	vmul.f32 $2.000000030e-01, v20;
	_ =	sdelay $0x1  }
0x173: {  	v56 =	vld.idx.msk [tilespmem:v13+s0+$0x0], $0xffff;
	v32 =	vadd.f32 v33, v32;
	v20 =	vmax.f32 v20, v37  }
0x174: {  	v20 =	vsub.f32 v20, v35  }
0x175: {  	v57 =	vld.idx.msk [tilespmem:v14+s0+$0x0], $0xffff;
	v58 =	vmul.f32 $2.000000030e-01, v32;
	v22 =	vadd.f32 v23, v22  }
0x176: {  	v34 =	vadd.f32 v36, v34;
	v23 =	vld.idx.msk [tilespmem:v17+s0+$0x0], $0xffff;
	v20 =	vmul.f32 $1.442695020e+00, v20  }
0x177: {  	v32 =	vmax.f32 v32, v58;
	v59 =	vmul.f32 $2.000000030e-01, v22  }
0x178: {  	v29 =	vld.idx.msk [tilespmem:v29+s9+$0x0], $0xffff;
	v60 =	vmul.f32 $2.000000030e-01, v34;
	v32 =	vsub.f32 v32, v56;
	(erf) = vpow2.f32 v20  }
0x179: {  	v61 =	vld.idx.msk [tilespmem:v27+s5+$0x0], $0xffff;
	v22 =	vmax.f32 v22, v59  }
0x17a: {  	v62 =	vld.idx.msk [tilespmem:v27+s8+$0x0], $0xffff;
	v33 =	vmax.f32 v34, v60;
	v32 =	vmul.f32 $1.442695020e+00, v32;
	v22 =	vsub.f32 v22, v57  }
0x17b: {  	v30 =	vmul.f32 v19, v30;
	s26 =	simm.s32 $0x70;
	v31 =	vmul.f32 v19, v31;
	v20 =	vld.idx.msk [tilespmem:v28+s8+$0x0], $0xffff;
	v23 =	vsub.f32 v33, v23  }
0x17c: {  	v27 =	vld.idx.msk [tilespmem:v27+s9+$0x0], $0xffff;
	v63 =	vor.u32 s26, v4;
	(erf) = vpow2.f32 v32;
	v22 =	vmul.f32 $1.442695020e+00, v22  }
0x17d: {  	vm5 =	vlt.s32 v63, v1;
	[tilespmem:v25+s10+$0x0] =	vst.idx.add.f32.msk vm2, v30;
	v19 =	vmul.f32 v19, v29;
	v23 =	vmul.f32 $1.442695020e+00, v23  }
0x17e: {  	[tilespmem:v25+s12+$0x0] =	vst.idx.add.f32.msk vm2, v31;
	(erf) = vpow2.f32 v22  }
0x17f: {  	s28 =	simm.s32 $0x50;
	[tilespmem:v25+s13+$0x0] =	vst.idx.add.f32.msk vm2, v19;
	(erf) = vpow2.f32 v23  }
0x180: {  	v28 =	vld.idx.msk [tilespmem:v28+s9+$0x0], $0xffff;
	v22 =	vor.u32 s28, v4;
	v20 =	vmul.f32 v11, v20  }
0x181: {  	s6 =	simm.s32 $0x40;
	[tilespmem:v10+s10+$0x0] =	vst.idx.add.f32.msk vm0, v24;
	vm6 =	vlt.s32 v22, v1;
	v19 =	vpop (erf)  }
0x182: {  	s11 =	simm.s32 $0x60;
	v22 =	vor.u32 s6, v4;
	[tilespmem:v10+s12+$0x0] =	vst.idx.add.f32.msk vm0, v20;
	v24 =	vnsel vm5, $0x0, v19  }
0x183: {  	v23 =	vor.u32 s11, v4;
	vm2 =	vlt.s32 v22, v1;
	[tilespmem:v26+s4+$0x0] =	vst.idx.add.f32.msk vm5, v24  }
0x184: {  	vm7 =	vlt.s32 v23, v1;
	v25 =	vld.idx.msk [tilespmem:v21+s5+$0x0], $0xffff  }
0x185: {  	vm4 =	vmmov vm0;
	v20 =	vmul.f32 v11, v28;
	vm0 =	vmmov vm6;
	v11 =	vpop (erf);
	v28 =	vld.idx.msk [tilespmem:v21+s8+$0x0], $0xffff  }
0x186: {  	v11 =	vnsel vm0, $0x0, v11;
	v29 =	vld.idx.msk [tilespmem:v21+s9+$0x0], $0xffff  }
0x187: {  	vm3 =	vmmov vm1;
	v22 =	vmul.f32 v12, v62;
	v23 =	vmul.f32 v12, v27;
	[tilespmem:v13+s4+$0x0] =	vst.idx.add.f32.msk vm6, v11;
	v19 =	vpop (erf)  }
0x188: {  	vm1 =	vmmov vm7;
	v21 =	vmul.f32 v12, v61;
	v27 =	vld.idx.msk [tilespmem:v15+s5+$0x0], $0xffff;
	v19 =	vnsel vm2, $0x0, v19;
	v12 =	vpop (erf)  }
0x189: {  	[tilespmem:v14+s4+$0x0] =	vst.idx.add.f32.msk vm2, v19;
	v12 =	vnsel vm1, $0x0, v12  }
0x18a: {  	p5 =	sgt.s32 s14, $0x8;
	[tilespmem:v17+s4+$0x0] =	vst.idx.add.f32.msk vm7, v12  }
.Ltmp10:
0x18b: {  	v25 =	vmul.f32 v24, v25;
	v30 =	vld.idx.msk [tilespmem:v18+s5+$0x0], $0xffff;
	(pc) =	sbr.rel @!p5 .LBB2_29-.Ltmp10, $4  }
0x18c: {  	v28 =	vmul.f32 v24, v28;
	v31 =	vld.idx.msk [tilespmem:v18+s8+$0x0], $0xffff  }
0x18d: {  	v24 =	vmul.f32 v24, v29;
	[tilespmem:v26+s10+$0x0] =	vst.idx.add.f32.msk vm5, v25  }
0x18e: {  	[tilespmem:v26+s12+$0x0] =	vst.idx.add.f32.msk vm5, v28  }
0x18f: {  	s16 =	simm.s32 $0x40A0;
	p4 =	por $0x1, $0x1;
	s11 =	simm.s32 $0x8;
	[tilespmem:v26+s13+$0x0] =	vst.idx.add.f32.msk vm5, v24;
	v24 =	vmul.f32 v11, v27;
	v26 =	vmov v13  }
.LBB2_30:
0x190: {  	v27 =	vld [tilespmem:s16+$0x10];
	s22 =	sadd.s32 $0x40, s22  }
0x191: {  	v28 =	vmul.f32 v19, v30;
	v25 =	vld [tilespmem:s22+$0x10]  }
0x192: {  	v29 =	vld [tilespmem:s22+$0xFFFFFFE0]  }
0x193: {  	s11 =	sadd.s32 $0x4, s11;
	v30 =	vld [tilespmem:s16+$0xFFFFFFF0]  }
0x194: {  	p5 =	slt.s32 s11, s14;
	v32 =	vld [tilespmem:s22+$0xFFFFFFF0]  }
0x195: {  	v31 =	vmul.f32 v19, v31;
	v33 =	vld [tilespmem:s16+$0x0]  }
0x196: {  	v34 =	vld [tilespmem:s22+$0x0]  }
0x197: {  	v35 =	vld [tilespmem:s16+$0xFFFFFFE0]  }
0x198: {  	v36 =	vld.idx.msk [tilespmem:v27+s30+$0x0], $0xffff  }
0x199: {  	v37 =	vld.idx.msk [tilespmem:v25+s31+$0x0], $0xffff  }
0x19a: {  	v38 =	vld.idx.msk [tilespmem:v29+s31+$0x0], $0xffff  }
0x19b: {  	v39 =	vld.idx.msk [tilespmem:v30+s30+$0x0], $0xffff  }
0x19c: {  	v40 =	vld.idx.msk [tilespmem:v32+s31+$0x0], $0xffff  }
0x19d: {  	v41 =	vld.idx.msk [tilespmem:v33+s30+$0x0], $0xffff  }
0x19e: {  	v42 =	vld.idx.msk [tilespmem:v25+s0+$0x0], $0xffff  }
0x19f: {  	v36 =	vadd.f32 v37, v36;
	v43 =	vld.idx.msk [tilespmem:v35+s30+$0x0], $0xffff  }
0x1a0: {  	v37 =	vld.idx.msk [tilespmem:v34+s31+$0x0], $0xffff  }
0x1a1: {  	v45 =	vmul.f32 $2.000000030e-01, v36;
	v44 =	vld.idx.msk [tilespmem:v29+s0+$0x0], $0xffff  }
0x1a2: {  	v39 =	vadd.f32 v40, v39;
	v40 =	vld.idx.msk [tilespmem:v32+s0+$0x0], $0xffff  }
0x1a3: {  	v36 =	vmax.f32 v36, v45;
	v46 =	vld.idx.msk [tilespmem:v34+s0+$0x0], $0xffff  }
0x1a4: {  	v45 =	vmul.f32 $2.000000030e-01, v39;
	v36 =	vsub.f32 v36, v42;
	v42 =	vld.idx.msk [tilespmem:v18+s9+$0x0], $0xffff;
	v18 =	vmov v35  }
0x1a5: {  	v35 =	vadd.f32 v38, v43;
	v38 =	vld.idx.msk [tilespmem:v15+s8+$0x0], $0xffff  }
0x1a6: {  	v39 =	vmax.f32 v39, v45;
	v37 =	vadd.f32 v37, v41;
	v36 =	vmul.f32 $1.442695020e+00, v36;
	v41 =	vld.idx.msk [tilespmem:v15+s9+$0x0], $0xffff;
	v15 =	vmovc v30  }
0x1a7: {  	v30 =	vmul.f32 $2.000000030e-01, v35;
	v43 =	vld.idx.msk [tilespmem:v16+s5+$0x0], $0xffff  }
0x1a8: {  	v39 =	vsub.f32 v39, v40;
	v40 =	vmul.f32 $2.000000030e-01, v37;
	(erf) = vpow2.f32 v36;
	v36 =	vld.idx.msk [tilespmem:v16+s8+$0x0], $0xffff  }
0x1a9: {  	v30 =	vmax.f32 v35, v30;
	v35 =	vld.idx.msk [tilespmem:v16+s9+$0x0], $0xffff;
	v16 =	vmov v33  }
0x1aa: {  	s6 =	sadd.s32 $0x40, s6;
	v30 =	vsub.f32 v30, v44;
	v33 =	vmul.f32 $1.442695020e+00, v39;
	v37 =	vmax.f32 v37, v40;
	[tilespmem:v14+s10+$0x0] =	vst.idx.add.f32.msk vm2, v28  }
0x1ab: {  	s23 =	sadd.s32 $0x10, s6;
	s24 =	sadd.s32 $0x20, s6;
	s25 =	sadd.s32 $0x30, s6;
	v19 =	vmul.f32 v19, v42;
	v28 =	vor.u32 s6, v4;
	v37 =	vsub.f32 v37, v46;
	[tilespmem:v14+s12+$0x0] =	vst.idx.add.f32.msk vm2, v31  }
0x1ac: {  	v30 =	vmul.f32 $1.442695020e+00, v30;
	v31 =	vor.u32 s25, v4;
	(erf) = vpow2.f32 v33;
	[tilespmem:v13+s10+$0x0] =	vst.idx.add.f32.msk vm0, v24  }
0x1ad: {  	v24 =	vor.u32 s23, v4;
	v33 =	vmul.f32 $1.442695020e+00, v37;
	vm5 =	vlt.s32 v31, v1;
	[tilespmem:v14+s13+$0x0] =	vst.idx.add.f32.msk vm2, v19;
	v14 =	vmovc v29  }
0x1ae: {  	vm6 =	vlt.s32 v24, v1;
	v19 =	vor.u32 s24, v4;
	(erf) = vpow2.f32 v30;
	[tilespmem:v10+s13+$0x0] =	vst.idx.add.f32.msk vm4, v20;
	v10 =	vmovc v13  }
0x1af: {  	vm2 =	vlt.s32 v28, v1;
	vm7 =	vlt.s32 v19, v1;
	(erf) = vpow2.f32 v33;
	[tilespmem:v9+s10+$0x0] =	vst.idx.add.f32.msk vm3, v21  }
0x1b0: {  	v19 =	vmul.f32 v11, v38;
	v20 =	vmul.f32 v11, v41;
	v13 =	vmov v32;
	[tilespmem:v9+s12+$0x0] =	vst.idx.add.f32.msk vm3, v22  }
0x1b1: {  	v21 =	vmul.f32 v12, v43;
	v22 =	vmul.f32 v12, v36;
	v11 =	vpop (erf);
	[tilespmem:v9+s13+$0x0] =	vst.idx.add.f32.msk vm3, v23;
	v9 =	vmov v17  }
0x1b2: {  	v23 =	vmul.f32 v12, v35;
	v17 =	vmovc v34;
	v24 =	vnsel vm5, $0x0, v11;
	[tilespmem:v26+s12+$0x0] =	vst.idx.add.f32.msk vm0, v19;
	v26 =	vmov v32  }
0x1b3: {  	vm4 =	vmmov vm0;
	vm3 =	vmmov vm1;
	vm0 =	vmmov vm6;
	[tilespmem:v25+s4+$0x0] =	vst.idx.add.f32.msk vm5, v24  }
0x1b4: {  	vm1 =	vmmov vm7;
	v28 =	vld.idx.msk [tilespmem:v27+s5+$0x0], $0xffff  }
0x1b5: {  	v29 =	vld.idx.msk [tilespmem:v27+s8+$0x0], $0xffff;
	v11 =	vpop (erf)  }
0x1b6: {  	v11 =	vnsel vm0, $0x0, v11;
	v27 =	vld.idx.msk [tilespmem:v27+s9+$0x0], $0xffff  }
0x1b7: {  	[tilespmem:v32+s4+$0x0] =	vst.idx.add.f32.msk vm6, v11;
	v12 =	vpop (erf)  }
0x1b8: {  	v19 =	vnsel vm2, $0x0, v12;
	v31 =	vld.idx.msk [tilespmem:v15+s5+$0x0], $0xffff;
	v12 =	vpop (erf)  }
0x1b9: {  	[tilespmem:v14+s4+$0x0] =	vst.idx.add.f32.msk vm2, v19;
	v12 =	vnsel vm1, $0x0, v12  }
0x1ba: {  	v28 =	vmul.f32 v24, v28;
	[tilespmem:v34+s4+$0x0] =	vst.idx.add.f32.msk vm7, v12  }
.Ltmp11:
0x1bb: {  	v29 =	vmul.f32 v24, v29;
	v30 =	vld.idx.msk [tilespmem:v18+s5+$0x0], $0xffff;
	(pc) =	sbr.rel @p5 .LBB2_30-.Ltmp11, $4  }
0x1bc: {  	v27 =	vmul.f32 v24, v27;
	[tilespmem:v25+s10+$0x0] =	vst.idx.add.f32.msk vm5, v28  }
0x1bd: {  	[tilespmem:v25+s12+$0x0] =	vst.idx.add.f32.msk vm5, v29  }
0x1be: {  	v24 =	vmul.f32 v11, v31;
	[tilespmem:v25+s13+$0x0] =	vst.idx.add.f32.msk vm5, v27  }
0x1bf: {  	s16 =	sadd.s32 $0x40, s16;
	v31 =	vld.idx.msk [tilespmem:v18+s8+$0x0], $0xffff  }
0x1c0: {  	v33 =	vmov v10;
	v32 =	vmov v9;
	v29 =	vmov v18  }
0x1c1: {  	v28 =	vmovc v15;
	v27 =	vmovc v16;
	v25 =	vmov v14;
	v9 =	vmov v17;
	v10 =	vmov v26  }
.LBB2_32:
0x1c2: {  	_ =	sdelay $0x3  }
0x1c3: {  	v14 =	vld.idx.msk [tilespmem:v29+s9+$0x0], $0xffff  }
0x1c4: {  	v15 =	vld.idx.msk [tilespmem:v28+s8+$0x0], $0xffff  }
0x1c5: {  	v16 =	vld.idx.msk [tilespmem:v28+s9+$0x0], $0xffff  }
0x1c6: {  	v17 =	vld.idx.msk [tilespmem:v27+s5+$0x0], $0xffff  }
0x1c7: {  	v26 =	vld.idx.msk [tilespmem:v27+s8+$0x0], $0xffff  }
0x1c8: {  	v61 =	vld.idx.msk [tilespmem:v27+s9+$0x0], $0xffff  }
0x1c9: {  	[tilespmem:v13+s10+$0x0] =	vst.idx.add.f32.msk vm0, v24  }
0x1ca: {  	[tilespmem:v33+s13+$0x0] =	vst.idx.add.f32.msk @p4 vm4, v20  }
0x1cb: {  	v18 =	vmul.f32 v19, v30;
	[tilespmem:v32+s10+$0x0] =	vst.idx.add.f32.msk @p4 vm3, v21  }
0x1cc: {  	vm1 =	vmmov vm1;
	[tilespmem:v32+s12+$0x0] =	vst.idx.add.f32.msk @p4 vm3, v22  }
0x1cd: {  	v60 =	vmul.f32 v19, v31;
	[tilespmem:v25+s10+$0x0] =	vst.idx.add.f32.msk vm2, v18  }
0x1ce: {  	[tilespmem:v32+s13+$0x0] =	vst.idx.add.f32.msk @p4 vm3, v23;
	v14 =	vmul.f32 v19, v14  }
0x1cf: {  	[tilespmem:v25+s12+$0x0] =	vst.idx.add.f32.msk vm2, v60;
	v62 =	vmul.f32 v11, v15  }
0x1d0: {  	v63 =	vmul.f32 v12, v17;
	[tilespmem:v25+s13+$0x0] =	vst.idx.add.f32.msk vm2, v14  }
0x1d1: {  	v11 =	vmul.f32 v11, v16;
	[tilespmem:v10+s12+$0x0] =	vst.idx.add.f32.msk vm0, v62  }
0x1d2: {  	v10 =	vmul.f32 v12, v26;
	[tilespmem:v9+s10+$0x0] =	vst.idx.add.f32.msk vm1, v63  }
0x1d3: {  	[tilespmem:v13+s13+$0x0] =	vst.idx.add.f32.msk vm0, v11;
	v11 =	vmul.f32 v12, v61  }
0x1d4: {  	[tilespmem:v9+s12+$0x0] =	vst.idx.add.f32.msk vm1, v10  }
0x1d5: {  	vm15 =	vmmov vm0;
	[tilespmem:v9+s13+$0x0] =	vst.idx.add.f32.msk vm1, v11  }
.LBB2_33:
.Ltmp12:
0x1d6: {  	(pc) =	sbr.rel @p2 .LBB2_35-.Ltmp12, $4  }
0x1d7: {  	_ = 	snop  }
0x1d8: {  	s6 =	rddreg [dreg:$0xf]  }
0x1d9: {  	s11 =	rddreg [dreg:$0xe]  }
0x1da: {  	s16 =	rddreg [dreg:$0xd];
	s22 =	smov.u32 s14  }
.LBB2_34:
0x1db: {  	v9 =	vld [tilespmem:s16+$0x0]  }
0x1dc: {  	v10 =	vld [tilespmem:s11+$0x0];
	_ =	sdelay $0x6  }
0x1dd: {  	v11 =	vld.idx.msk [tilespmem:v9+s30+$0x0], $0xffff  }
0x1de: {  	v12 =	vld.idx.msk [tilespmem:v10+s31+$0x0], $0xffff;
	_ =	sdelay $0x4  }
0x1df: {  	v61 =	vld.idx.msk [tilespmem:v10+s0+$0x0], $0xffff;
	v11 =	vadd.f32 v12, v11;
	_ =	sdelay $0x1  }
0x1e0: {  	v13 =	vmul.f32 $2.000000030e-01, v11;
	_ =	sdelay $0x1  }
0x1e1: {  	v11 =	vmax.f32 v11, v13  }
0x1e2: {  	v11 =	vsub.f32 v11, v61;
	_ =	sdelay $0x1  }
0x1e3: {  	v11 =	vmul.f32 $1.442695020e+00, v11;
	_ =	sdelay $0x1  }
0x1e4: {  	(erf) = vpow2.f32 v11;
	_ =	sdelay $0x3  }
0x1e5: {  	v11 =	vor.u32 s6, v4  }
0x1e6: {  	vm0 =	vlt.s32 v11, v1;
	_ =	sdelay $0x3  }
0x1e7: {  	v11 =	vpop (erf)  }
0x1e8: {  	v11 =	vnsel vm0, $0x0, v11  }
0x1e9: {  	[tilespmem:v10+s4+$0x0] =	vst.idx.add.f32.msk vm0, v11  }
0x1ea: {  	v62 =	vld.idx.msk [tilespmem:v9+s5+$0x0], $0xffff  }
0x1eb: {  	v63 =	vld.idx.msk [tilespmem:v9+s8+$0x0], $0xffff  }
0x1ec: {  	v9 =	vld.idx.msk [tilespmem:v9+s9+$0x0], $0xffff  }
0x1ed: {  	s22 =	sadd.s32 $0x1, s22  }
0x1ee: {  	p4 =	slt.s32 s22, s7  }
.Ltmp13:
0x1ef: {  	v12 =	vmul.f32 v11, v62;
	(pc) =	sbr.rel @p4 .LBB2_34-.Ltmp13, $4  }
0x1f0: {  	v13 =	vmul.f32 v11, v63  }
0x1f1: {  	v9 =	vmul.f32 v11, v9;
	[tilespmem:v10+s10+$0x0] =	vst.idx.add.f32.msk vm0, v12  }
0x1f2: {  	[tilespmem:v10+s12+$0x0] =	vst.idx.add.f32.msk vm0, v13  }
0x1f3: {  	s16 =	sadd.s32 $0x10, s16;
	s11 =	sadd.s32 $0x10, s11;
	s6 =	sadd.s32 $0x10, s6;
	[tilespmem:v10+s13+$0x0] =	vst.idx.add.f32.msk vm0, v9  }
.LBB2_35:
.Ltmp14:
0x1f4: {  	(pc) =	sbr.rel @p0 .LBB2_39-.Ltmp14, $2  }
0x1f5: {  	_ =	sdelay $0x2  }
0x1f6: {  	s6 =	simm.s32 $0x0;
	v9 =	vimm.s32 $0x100;
	s11 =	simm.s32 $0x0  }
.LBB2_36:
0x1f7: {  	s16 =	sshll.u32 s11, $0xA  }
0x1f8: {  	s22 =	sadd.s32 s2, s16  }
0x1f9: {  	[tilespmem:s6], [sflag:$0x1] =	stream.linear.gather [hbm4b:s22+s6], $0x2000, $0x38;
	[tilespmem:$0x15100] =	vst v63  }
0x1fa: {  	_ =	swait.ge [sflag:s15], $0x2000  }
0x1fb: {  	[sflag:s15] =	ssyncset.done $0x0  }
0x1fc: {  	s16 =	sadd.s32 s3, s16;
	[sflag:s15] =	ssyncadd.s32 $0xFFFFE000  }
0x1fd: {  	[tilespmem:s1], [sflag:$0x1] =	stream.linear.gather [hbm4b:s16+s6], $0x2000, $0x38;
	[tilespmem:$0x15100] =	vst v63  }
0x1fe: {  	_ =	swait.ge [sflag:s15], $0x2000  }
0x1ff: {  	[sflag:s15] =	ssyncset.done $0x0  }
0x200: {  	s28 =	simm.s32 $0x0;
	[sflag:s15] =	ssyncadd.s32 $0xFFFFE000  }
0x201: {  	v12 =	vld [tilespmem:s28+$0x0]  }
0x202: {  	v10 =	vld [tilespmem:s28+$0x2000]  }
0x203: {  	v11 =	vmov v9;
	s16 =	simm.s32 $0x40  }
.LBB2_37:
0x204: {  	p4 =	sne.s32 s16, $0x7FC0;
	_ =	sdelay $0x4  }
0x205: {  	v13 =	vld.idx.msk [tilespmem:v12+s30+$0x0], $0xffff  }
0x206: {  	v14 =	vld.idx.msk [tilespmem:v10+s31+$0x0], $0xffff;
	_ =	sdelay $0x2  }
0x207: {  	v15 =	vshra.s32 v10, $0x1F;
	v16 =	vand.u32 $0xFF, v10  }
0x208: {  	vm0 =	vlt.s32 v10, $0x1;
	v15 =	vshrl.u32 v15, $0x18;
	vm1 =	vne.s32 v16, $0x0  }
0x209: {  	v15 =	vadd.s32 v15, v10;
	vm0 =	vmand vm0, vm1;
	v16 =	vld.idx.msk [tilespmem:v10+s0+$0x0], $0xffff  }
0x20a: {  	v15 =	vshra.s32 v15, $0x8;
	v17 =	vsel vm0, $0xFFFFFFFF, v5;
	v13 =	vadd.f32 v14, v13  }
0x20b: {  	v14 =	vadd.s32 v17, v15  }
0x20c: {  	vm0 =	veq.s32 v14, v0;
	v14 =	vmul.f32 $2.000000030e-01, v13  }
0x20d: {  	v15 =	vsel vm0, $0x1, v5;
	v17 =	vmpcnt.ones.xlane vm0  }
0x20e: {  	v13 =	vmax.f32 v13, v14;
	(xrf0) =	vadd.scan.msk.s32 $0xffff, v15  }
0x20f: {  	v9 =	vadd.s32 v9, v17;
	v13 =	vsub.f32 v13, v16;
	_ =	sdelay $0x1  }
0x210: {  	v14 =	vmul.f32 $1.442695020e+00, v13;
	_ =	sdelay $0x1  }
0x211: {  	(erf) = vpow2.f32 v14  }
0x212: {  	v13, _, _ =	vpop (xrf0)  }
0x213: {  	v13 =	vadd.s32 v13, v11;
	v11 =	vmov v9  }
0x214: {  	v13 =	vadd.s32 $0xFFFFFFFF, v13  }
0x215: {  	vm1 =	vgt.s32 v13, $0x1FFF  }
0x216: {  	vm0 =	vmand vm0, vm1;
	_ =	sdelay $0x3  }
0x217: {  	v13 =	vpop (erf)  }
0x218: {  	v13 =	vnsel vm0, $0x0, v13  }
0x219: {  	[tilespmem:v10+s4+$0x0] =	vst.idx.add.f32.msk vm0, v13  }
0x21a: {  	v14 =	vld.idx.msk [tilespmem:v12+s5+$0x0], $0xffff  }
0x21b: {  	v15 =	vld.idx.msk [tilespmem:v12+s8+$0x0], $0xffff  }
0x21c: {  	v12 =	vld.idx.msk [tilespmem:v12+s9+$0x0], $0xffff;
	_ =	sdelay $0x3  }
0x21d: {  	v14 =	vmul.f32 v13, v14  }
0x21e: {  	v15 =	vmul.f32 v13, v15  }
0x21f: {  	v12 =	vmul.f32 v13, v12;
	[tilespmem:v10+s10+$0x0] =	vst.idx.add.f32.msk vm0, v14  }
0x220: {  	[tilespmem:v10+s12+$0x0] =	vst.idx.add.f32.msk vm0, v15  }
.Ltmp15:
0x221: {  	s22 =	sshra.s32 s16, $0x2;
	[tilespmem:v10+s13+$0x0] =	vst.idx.add.f32.msk vm0, v12;
	(pc) =	sbr.rel @p4 .LBB2_37-.Ltmp15, $3  }
0x222: {  	v10 =	vld [tilespmem:s22+$0x2000]  }
0x223: {  	v12 =	vld [tilespmem:s22+$0x0];
	_ =	sdelay $0x1  }
0x224: {  	s16 =	sadd.s32 $0x40, s16  }
0x225: {  	_ =	sdelay $0x4  }
0x226: {  	v14 =	vld.idx.msk [tilespmem:v10+s31+$0x0], $0xffff  }
0x227: {  	v13 =	vld.idx.msk [tilespmem:v12+s30+$0x0], $0xffff;
	_ =	sdelay $0x1  }
0x228: {  	v15 =	vshra.s32 v10, $0x1F;
	v16 =	vand.u32 $0xFF, v10  }
0x229: {  	vm0 =	vlt.s32 v10, $0x1;
	v15 =	vshrl.u32 v15, $0x18;
	vm1 =	vne.s32 v16, $0x0  }
0x22a: {  	v15 =	vadd.s32 v15, v10;
	vm0 =	vmand vm0, vm1  }
0x22b: {  	v55 =	vld.idx.msk [tilespmem:v10+s0+$0x0], $0xffff;
	v15 =	vshra.s32 v15, $0x8;
	v17 =	vsel vm0, $0xFFFFFFFF, v5;
	v13 =	vadd.f32 v14, v13  }
0x22c: {  	v56 =	vadd.s32 v17, v15  }
0x22d: {  	vm14 =	veq.s32 v56, v0;
	v57 =	vmul.f32 $2.000000030e-01, v13  }
0x22e: {  	v58 =	vsel vm14, $0x1, v5  }
0x22f: {  	(xrf0) =	vadd.scan.msk.s32 $0xffff, v58;
	v13 =	vmax.f32 v13, v57  }
0x230: {  	v13 =	vsub.f32 v13, v55;
	_ =	sdelay $0x1  }
0x231: {  	v13 =	vmul.f32 $1.442695020e+00, v13;
	_ =	sdelay $0x1  }
0x232: {  	(erf) = vpow2.f32 v13  }
0x233: {  	v59, _, _ =	vpop (xrf0)  }
0x234: {  	v11 =	vadd.s32 v59, v11  }
0x235: {  	v11 =	vadd.s32 $0xFFFFFFFF, v11  }
0x236: {  	vm15 =	vgt.s32 v11, $0x1FFF  }
0x237: {  	vm1 =	vmand vm14, vm15;
	_ =	sdelay $0x3  }
0x238: {  	v11 =	vpop (erf)  }
0x239: {  	v11 =	vnsel vm1, $0x0, v11  }
0x23a: {  	[tilespmem:v10+s4+$0x0] =	vst.idx.add.f32.msk vm1, v11  }
0x23b: {  	v60 =	vld.idx.msk [tilespmem:v12+s5+$0x0], $0xffff  }
0x23c: {  	v61 =	vld.idx.msk [tilespmem:v12+s8+$0x0], $0xffff  }
0x23d: {  	v62 =	vld.idx.msk [tilespmem:v12+s9+$0x0], $0xffff  }
0x23e: {  	s11 =	sadd.s32 $0x1, s11  }
0x23f: {  	p4 =	sne.s32 s11, $0x8  }
.Ltmp16:
0x240: {  	v13 =	vmul.f32 v11, v60;
	(pc) =	sbr.rel @p4 .LBB2_36-.Ltmp16, $4  }
0x241: {  	v14 =	vmul.f32 v11, v61  }
0x242: {  	v63 =	vmpcnt.ones.xlane vm14;
	v11 =	vmul.f32 v11, v62;
	[tilespmem:v10+s10+$0x0] =	vst.idx.add.f32.msk vm1, v13  }
0x243: {  	[tilespmem:v10+s12+$0x0] =	vst.idx.add.f32.msk vm1, v14  }
0x244: {  	v9 =	vadd.s32 v9, v63;
	[tilespmem:v10+s13+$0x0] =	vst.idx.add.f32.msk vm1, v11  }
.LBB2_39:
0x245: {  	v9 =	vld [tilespmem:s17+$0x10];
	_ =	sdelay $0x1  }
0x246: {  	v10 =	vld [tilespmem:s17+$0xFFFFFFF0]  }
0x247: {  	v11 =	vld [tilespmem:s17+$0x0]  }
0x248: {  	v12 =	vld [tilespmem:s17+$0xFFFFFFE0]  }
0x249: {  	v9 =	vadd.f32 $1.000000020e-16, v9;
	_ =	sdelay $0x1  }
0x24a: {  	v10 =	vadd.f32 $1.000000020e-16, v10;
	(erf) = vrcp.f32 v9  }
0x24b: {  	s23 =	sadd.s32 $0x40, s17;
	v11 =	vadd.f32 $1.000000020e-16, v11  }
0x24c: {  	v19 =	vld [tilespmem:s23+$0x10];
	v9 =	vadd.f32 $1.000000020e-16, v12;
	(erf) = vrcp.f32 v10  }
0x24d: {  	v21 =	vld [tilespmem:s23+$0x0];
	(erf) = vrcp.f32 v11  }
0x24e: {  	v10 =	vld [tilespmem:s19+$0x10];
	(erf) = vrcp.f32 v9  }
0x24f: {  	v9 =	vld [tilespmem:s18+$0x10]  }
0x250: {  	v11 =	vld [tilespmem:s20+$0x10]  }
0x251: {  	v23 =	vld [tilespmem:s23+$0xFFFFFFE0]  }
0x252: {  	v13 =	vld [tilespmem:s19+$0xFFFFFFE0]  }
0x253: {  	v12 =	vld [tilespmem:s18+$0xFFFFFFE0];
	v14 =	vpop (erf)  }
0x254: {  	v15 =	vld [tilespmem:s20+$0xFFFFFFE0];
	v19 =	vadd.f32 $1.000000020e-16, v19;
	v9 =	vmul.f32 v14, v9  }
0x255: {  	v17 =	vld [tilespmem:s18+$0xFFFFFFF0];
	v21 =	vadd.f32 $1.000000020e-16, v21;
	v16 =	vpop (erf);
	v10 =	vmul.f32 v14, v10;
	v11 =	vmul.f32 v11, v14  }
0x256: {  	v20 =	vld [tilespmem:s23+$0xFFFFFFF0];
	v23 =	vadd.f32 $1.000000020e-16, v23;
	v18 =	vpop (erf);
	v9 =	vadd.f32 v9, v7  }
0x257: {  	v14 =	vpop (erf);
	v10 =	vadd.f32 v10, v6;
	v11 =	vadd.f32 v11, v8  }
0x258: {  	p4 =	seq.s32 s21, $0x9;
	v12 =	vmul.f32 v14, v12;
	v13 =	vmul.f32 v14, v13;
	v22 =	vmax.f32 v9, $0.0e+00  }
0x259: {  	v14 =	vmul.f32 v15, v14;
	v15 =	vmax.f32 v10, $0.0e+00;
	v9 =	vpsel p4, v9, v22;
	v22 =	vld [tilespmem:s19+$0xFFFFFFF0]  }
0x25a: {  	v24 =	vld [tilespmem:s20+$0xFFFFFFF0];
	(erf) = vrcp.f32 v19;
	v10 =	vpsel p4, v10, v15;
	v15 =	vmax.f32 v11, $0.0e+00  }
0x25b: {  	v17 =	vmul.f32 v16, v17;
	v11 =	vpsel p4, v11, v15;
	v15 =	vadd.f32 $1.000000020e-16, v20;
	v20 =	vld [tilespmem:s18+$0x0]  }
0x25c: {  	v12 =	vadd.f32 v12, v7;
	v19 =	vadd.f32 v14, v8;
	v14 =	vld [tilespmem:s19+$0x0]  }
0x25d: {  	s25 =	rddreg [dreg:$0x10];
	v17 =	vadd.f32 v17, v7;
	v13 =	vadd.f32 v13, v6;
	(erf) = vrcp.f32 v15;
	v15 =	vld [tilespmem:s20+$0x0]  }
0x25e: {  	s6 =	sadd.s32 $0x40, s19;
	[tilespmem:s25+$0x10] =	vst v9;
	(erf) = vrcp.f32 v21;
	v21 =	vmax.f32 v12, $0.0e+00;
	v22 =	vmul.f32 v16, v22  }
0x25f: {  	s22 =	sadd.s32 $0x40, s18;
	v27 =	vld [tilespmem:s6+$0x10];
	s24 =	rddreg [dreg:$0x11];
	(erf) = vrcp.f32 v23;
	v23 =	vmax.f32 v13, $0.0e+00;
	v16 =	vmul.f32 v24, v16  }
0x260: {  	v9 =	vld [tilespmem:s22+$0x10];
	[tilespmem:s24+$0x10] =	vst v10;
	v24 =	vmax.f32 v19, $0.0e+00;
	v12 =	vpsel p4, v12, v21;
	v20 =	vmul.f32 v18, v20  }
0x261: {  	s16 =	rddreg [dreg:$0x12];
	v25 =	vadd.f32 v22, v6;
	v26 =	vadd.f32 v16, v8;
	v16 =	vmax.f32 v17, $0.0e+00  }
0x262: {  	s11 =	sadd.s32 $0x40, s20;
	[tilespmem:s16+$0x10] =	vst v11;
	v22 =	vmul.f32 v18, v14;
	v29 =	vadd.f32 v20, v7;
	v10 =	vmul.f32 v15, v18  }
0x263: {  	[tilespmem:s25+$0xFFFFFFE0] =	vst v12;
	v14 =	vld [tilespmem:s11+$0x10];
	v20 =	vpsel p4, v13, v23;
	v31 =	vpsel p4, v17, v16;
	v28 =	vmax.f32 v25, $0.0e+00  }
0x264: {  	v11 =	vld [tilespmem:s22+$0xFFFFFFE0];
	v18 =	vpop (erf);
	v21 =	vmax.f32 v26, $0.0e+00;
	v15 =	vadd.f32 v22, v6;
	[tilespmem:s24+$0xFFFFFFE0] =	vst v20;
	v20 =	vpsel p4, v19, v24  }
0x265: {  	v13 =	vld [tilespmem:s6+$0xFFFFFFE0];
	v22 =	vmul.f32 v18, v9;
	v24 =	vmul.f32 v18, v27;
	v12 =	vadd.f32 v10, v8  }
0x266: {  	v16 =	vld [tilespmem:s11+$0xFFFFFFE0];
	[tilespmem:s25+$0xFFFFFFF0] =	vst v31;
	v30 =	vmax.f32 v29, $0.0e+00;
	v23 =	vpsel p4, v25, v28;
	v25 =	vpsel p4, v26, v21;
	v10 =	vpop (erf)  }
0x267: {  	s26 =	simm.s32 $0x4;
	s28 =	sadd.s32 $0x40, s23;
	s23 =	smov.u32 s16;
	v17 =	vld [tilespmem:s22+$0xFFFFFFF0];
	[tilespmem:s16+$0xFFFFFFE0] =	vst v20;
	v19 =	vmax.f32 v15, $0.0e+00;
	v21 =	vpsel p4, v29, v30;
	v20 =	vmax.f32 v12, $0.0e+00;
	v9 =	vpop (erf)  }
.LBB2_40:
0x268: {  	v26 =	vld [tilespmem:s28+$0x10];
	v22 =	vadd.f32 v22, v7;
	v14 =	vmul.f32 v14, v18;
	v18 =	vpop (erf);
	[tilespmem:s24+$0xFFFFFFF0] =	vst v23;
	v15 =	vpsel p4, v15, v19  }
0x269: {  	v12 =	vpsel p4, v12, v20;
	v19 =	vld [tilespmem:s28+$0xFFFFFFF0];
	v11 =	vmul.f32 v18, v11;
	v23 =	vadd.f32 v24, v6;
	[tilespmem:s23+$0xFFFFFFF0] =	vst v25  }
0x26a: {  	s26 =	sadd.s32 $0x4, s26;
	v20 =	vld [tilespmem:s28+$0x0];
	v13 =	vmul.f32 v18, v13;
	v14 =	vadd.f32 v14, v8;
	v24 =	vmax.f32 v22, $0.0e+00;
	[tilespmem:s25+$0x0] =	vst v21  }
0x26b: {  	p5 =	slt.u32 s26, $0xC;
	s25 =	sadd.s32 $0x40, s25;
	v21 =	vld [tilespmem:s28+$0xFFFFFFE0];
	v16 =	vmul.f32 v16, v18;
	v18 =	vpsel p4, v22, v24;
	v22 =	vmax.f32 v23, $0.0e+00;
	[tilespmem:s24+$0x0] =	vst v15  }
0x26c: {  	s24 =	sadd.s32 $0x40, s24;
	v15 =	vmul.f32 v10, v17;
	v17 =	vld [tilespmem:s6+$0xFFFFFFF0];
	[tilespmem:s25+$0x10] =	vst v18;
	v18 =	vpsel p4, v23, v22;
	v22 =	vmax.f32 v14, $0.0e+00  }
0x26d: {  	s23 =	sadd.s32 $0x40, s23;
	v11 =	vadd.f32 v11, v7;
	v23 =	vadd.f32 $1.000000020e-16, v26;
	v24 =	vld [tilespmem:s11+$0xFFFFFFF0];
	[tilespmem:s24+$0x10] =	vst v18;
	v14 =	vpsel p4, v14, v22  }
0x26e: {  	v13 =	vadd.f32 v13, v6;
	v18 =	vadd.f32 $1.000000020e-16, v19;
	v19 =	vld [tilespmem:s22+$0x0];
	[tilespmem:s23+$0x10] =	vst v14  }
0x26f: {  	v16 =	vadd.f32 v16, v8;
	v14 =	vadd.f32 $1.000000020e-16, v20;
	(erf) = vrcp.f32 v23;
	v20 =	vld [tilespmem:s6+$0x0];
	[tilespmem:s16+$0x0] =	vst v12;
	s16 =	smov.u32 s23  }
0x270: {  	v12 =	vadd.f32 $1.000000020e-16, v21;
	(erf) = vrcp.f32 v18;
	v21 =	vadd.f32 v15, v7;
	v15 =	vld [tilespmem:s11+$0x0]  }
0x271: {  	v18 =	vmax.f32 v11, $0.0e+00;
	(erf) = vrcp.f32 v14;
	v14 =	vmul.f32 v10, v17  }
0x272: {  	(erf) = vrcp.f32 v12;
	v12 =	vmax.f32 v13, $0.0e+00;
	v10 =	vmul.f32 v24, v10  }
0x273: {  	s22 =	sadd.s32 $0x40, s22;
	v17 =	vmax.f32 v16, $0.0e+00;
	v23 =	vadd.f32 v14, v6;
	v14 =	vmul.f32 v9, v19  }
0x274: {  	s6 =	sadd.s32 $0x40, s6;
	v22 =	vld [tilespmem:s22+$0x10];
	v25 =	vadd.f32 v10, v8;
	v10 =	vmax.f32 v21, $0.0e+00;
	v19 =	vmul.f32 v9, v20  }
0x275: {  	s11 =	sadd.s32 $0x40, s11;
	v24 =	vld [tilespmem:s6+$0x10];
	v20 =	vmax.f32 v23, $0.0e+00;
	v26 =	vadd.f32 v14, v7;
	v9 =	vmul.f32 v15, v9  }
.Ltmp17:
0x276: {  	v29 =	vpsel p4, v11, v18;
	v14 =	vld [tilespmem:s11+$0x10];
	v27 =	vmax.f32 v25, $0.0e+00;
	v15 =	vadd.f32 v19, v6;
	(pc) =	sbr.rel @p5 .LBB2_40-.Ltmp17, $4  }
0x277: {  	v19 =	vpsel p4, v13, v12;
	v11 =	vld [tilespmem:s22+$0xFFFFFFE0];
	[tilespmem:s25+$0xFFFFFFE0] =	vst v29;
	v12 =	vadd.f32 v9, v8;
	v28 =	vmax.f32 v26, $0.0e+00  }
0x278: {  	v21 =	vpsel p4, v21, v10;
	v29 =	vpsel p4, v16, v17;
	v13 =	vld [tilespmem:s6+$0xFFFFFFE0];
	v18 =	vpop (erf);
	[tilespmem:s24+$0xFFFFFFE0] =	vst v19;
	v19 =	vmax.f32 v15, $0.0e+00  }
0x279: {  	v23 =	vpsel p4, v23, v20;
	v16 =	vld [tilespmem:s11+$0xFFFFFFE0];
	v22 =	vmul.f32 v18, v22;
	v10 =	vpop (erf);
	[tilespmem:s23+$0xFFFFFFE0] =	vst v29;
	v20 =	vmax.f32 v12, $0.0e+00  }
0x27a: {  	s28 =	sadd.s32 $0x40, s28;
	v25 =	vpsel p4, v25, v27;
	v17 =	vld [tilespmem:s22+$0xFFFFFFF0];
	v24 =	vmul.f32 v18, v24;
	v9 =	vpop (erf);
	[tilespmem:s25+$0xFFFFFFF0] =	vst v21;
	v21 =	vpsel p4, v26, v28  }
0x27b: {  	v36 =	vld [tilespmem:s6+$0xFFFFFFF0]  }
0x27c: {  	v14 =	vmul.f32 v14, v18;
	v38 =	vld [tilespmem:s11+$0xFFFFFFF0]  }
0x27d: {  	v34 =	vpop (erf);
	v22 =	vadd.f32 v22, v7;
	v15 =	vpsel p4, v15, v19;
	v12 =	vpsel p4, v12, v20;
	v41 =	vld [tilespmem:s22+$0x0]  }
0x27e: {  	[tilespmem:s24+$0xFFFFFFF0] =	vst v23;
	v44 =	vld [tilespmem:s6+$0x0];
	v11 =	vmul.f32 v34, v11;
	v35 =	vadd.f32 v24, v6;
	v13 =	vmul.f32 v34, v13  }
0x27f: {  	[tilespmem:s25+$0x0] =	vst v21;
	v46 =	vld [tilespmem:s11+$0x0];
	v14 =	vadd.f32 v14, v8;
	v37 =	vmax.f32 v22, $0.0e+00;
	v16 =	vmul.f32 v16, v34  }
0x280: {  	[tilespmem:s23+$0xFFFFFFF0] =	vst v25;
	v39 =	vpsel p4, v22, v37;
	v40 =	vmax.f32 v35, $0.0e+00;
	v11 =	vadd.f32 v11, v7  }
0x281: {  	[tilespmem:s24+$0x0] =	vst v15;
	v17 =	vmul.f32 v10, v17;
	v42 =	vpsel p4, v35, v40;
	v43 =	vmax.f32 v14, $0.0e+00  }
0x282: {  	s25 =	sadd.s32 $0x40, s25;
	[tilespmem:s16+$0x0] =	vst v12;
	v13 =	vadd.f32 v13, v6;
	v14 =	vpsel p4, v14, v43;
	v20 =	vmul.f32 v10, v36  }
0x283: {  	s26 =	sadd.s32 $0x40, s24;
	[tilespmem:s25+$0x10] =	vst v39;
	v16 =	vadd.f32 v16, v8;
	v49 =	vmul.f32 v38, v10;
	v52 =	vmul.f32 v9, v41  }
0x284: {  	s28 =	sadd.s32 $0x40, s23;
	[tilespmem:s26+$0x10] =	vst v42;
	v47 =	vmax.f32 v11, $0.0e+00;
	v55 =	vmul.f32 v9, v44;
	v58 =	vmul.f32 v46, v9  }
0x285: {  	v45 =	vadd.f32 v17, v7;
	[tilespmem:s28+$0x10] =	vst v14;
	v48 =	vmax.f32 v13, $0.0e+00;
	v11 =	vpsel p4, v11, v47  }
0x286: {  	v50 =	vmax.f32 v16, $0.0e+00;
	v51 =	vadd.f32 v20, v6;
	[tilespmem:s25+$0xFFFFFFE0] =	vst v11;
	v54 =	vpsel p4, v13, v48  }
0x287: {  	v7 =	vadd.f32 v52, v7;
	v53 =	vmax.f32 v45, $0.0e+00;
	[tilespmem:s26+$0xFFFFFFE0] =	vst v54;
	v57 =	vpsel p4, v16, v50  }
0x288: {  	v10 =	vadd.f32 v49, v8;
	v56 =	vmax.f32 v51, $0.0e+00;
	v15 =	vpsel p4, v45, v53;
	[tilespmem:s28+$0xFFFFFFE0] =	vst v57  }
0x289: {  	v6 =	vadd.f32 v55, v6;
	v61 =	vmax.f32 v7, $0.0e+00;
	v12 =	vpsel p4, v51, v56;
	[tilespmem:s25+$0xFFFFFFF0] =	vst v15  }
0x28a: {  	v60 =	vadd.f32 v58, v8;
	v59 =	vmax.f32 v10, $0.0e+00;
	v7 =	vpsel p4, v7, v61;
	[tilespmem:s26+$0xFFFFFFF0] =	vst v12  }
0x28b: {  	v62 =	vmax.f32 v6, $0.0e+00;
	v10 =	vpsel p4, v10, v59;
	[tilespmem:s25+$0x0] =	vst v7  }
0x28c: {  	v63 =	vmax.f32 v60, $0.0e+00;
	v6 =	vpsel p4, v6, v62;
	[tilespmem:s28+$0xFFFFFFF0] =	vst v10  }
0x28d: {  	v7 =	vpsel p4, v60, v63;
	[tilespmem:s26+$0x0] =	vst v6  }
0x28e: {  	[tilespmem:s28+$0x0] =	vst v7  }
0x28f: {  	s6 =	rddreg [dreg:$0x4]  }
0x290: {  	s16 =	simm.s32 $0x0;
	s23 =	rddreg [dreg:$0x6]  }
0x291: {  	[hbm4b:s6+s16] =	stream.linear.scatter [tilespmem:s23], [sflag:$0x1], $0x100, $0x38;
	[tilespmem:$0x15100] =	vst v63  }
0x292: {  	_ =	swait.ge [sflag:s15], $0x100  }
0x293: {  	[sflag:s15] =	ssyncset.done $0x0;
	s24 =	rddreg [dreg:$0x7]  }
0x294: {  	s25 =	rddreg [dreg:$0x8];
	[sflag:s15] =	ssyncadd.s32 $0xFFFFFF00  }
0x295: {  	[hbm4b:s24+s16] =	stream.linear.scatter [tilespmem:s25], [sflag:$0x1], $0x100, $0x38;
	[tilespmem:$0x15100] =	vst v63  }
0x296: {  	_ =	swait.ge [sflag:s15], $0x100  }
0x297: {  	[sflag:s15] =	ssyncset.done $0x0;
	s26 =	rddreg [dreg:$0xa]  }
0x298: {  	s28 =	rddreg [dreg:$0xb];
	[sflag:s15] =	ssyncadd.s32 $0xFFFFFF00  }
0x299: {  	[hbm4b:s26+s16] =	stream.linear.scatter [tilespmem:s28], [sflag:$0x1], $0x100, $0x38;
	[tilespmem:$0x15100] =	vst v63  }
0x29a: {  	_ =	swait.ge [sflag:s15], $0x100  }
0x29b: {  	[sflag:s15] =	ssyncset.done $0x0  }
0x29c: {  	[sflag:s15] =	ssyncadd.s32 $0xFFFFFF00  }
0x29d: {  	[bflag:$0x0] =	sbarrier.arrive $0xFFFF  }
0x29e: {  	s23 =	simm.s32 $0x8100;
	s22 =	rddreg [dreg:$0x3]  }
0x29f: {  	[tilespmem:s23], [sflag:$0x1] =	stream.linear.gather [hbm4b:s22+s16], $0x1000, $0x38;
	[tilespmem:$0x15100] =	vst v63  }
0x2a0: {  	_ =	swait.ge [sflag:s15], $0x1000  }
0x2a1: {  	[sflag:s15] =	ssyncset.done $0x0  }
0x2a2: {  	s25 =	simm.s32 $0x9100;
	s24 =	rddreg [dreg:$0x5];
	[sflag:s15] =	ssyncadd.s32 $0xFFFFF000  }
0x2a3: {  	[tilespmem:s25], [sflag:$0x1] =	stream.linear.gather [hbm4b:s24+s16], $0x1000, $0x38;
	[tilespmem:$0x15100] =	vst v63  }
0x2a4: {  	s21 =	sadd.s32 $0x1, s21;
	_ =	swait.ge [sflag:s15], $0x1000  }
0x2a5: {  	p4 =	sne.s32 s21, $0xA;
	[sflag:s15] =	ssyncset.done $0x0  }
0x2a6: {  	s28 =	simm.s32 $0xA100;
	s26 =	rddreg [dreg:$0x9];
	[sflag:s15] =	ssyncadd.s32 $0xFFFFF000  }
0x2a7: {  	[tilespmem:s28], [sflag:$0x1] =	stream.linear.gather [hbm4b:s26+s16], $0x1000, $0x38;
	[tilespmem:$0x15100] =	vst v63  }
.Ltmp18:
0x2a8: {  	_ =	swait.ge [sflag:s15], $0x1000;
	(pc) =	sbr.rel @p4 .LBB2_9-.Ltmp18, $4  }
.Ltmp19:
0x2a9: {  	[sflag:s15] =	ssyncset.done $0x0;
	(pc) =	sbr.rel @!p4 .LBB2_42-.Ltmp19, $4  }
0x2aa: {  	[sflag:s15] =	ssyncadd.s32 $0xFFFFF000  }
0x2ab: {  	[bflag:$0x0] =	sbarrier.arrive $0xFFFF  }
0x2ac: {  	_ = 	snop  }
0x2ad: {  	_ = 	snop  }
.LBB2_17:
0x2ae: {  	s6 =	sadd.s32 $0x1, s6  }
0x2af: {  	p4 =	sne.s32 s6, s7  }
.Ltmp20:
0x2b0: {  	_ = 	snop;
	(pc) =	sbr.rel @!p4 .LBB2_18-.Ltmp20, $1  }
0x2b1: {  	_ =	sdelay $0x3  }
.LBB2_14:
0x2b2: {  	s11 =	sshll.u32 s6, $0x4  }
0x2b3: {  	v9 =	vor.u32 s11, v4  }
0x2b4: {  	vm0 =	vlt.s32 v9, v1  }
0x2b5: {  	v9 =	vsel vm0, $0x1, v5  }
0x2b6: {  	v9 =	vor.u32 $0x80000000, v9  }
0x2b7: {  	(xrf0) =	vmax.scan.msk.u32 $0xffff, v9;
	_ =	sdelay $0x5  }
0x2b8: {  	v9, _, _ =	vpop (xrf0)  }
0x2b9: {  	(v2sf) =	vpush v9, $0xF;
	_ =	sdelay $0xb  }
0x2ba: {  	v10 =	vld [tilespmem:s11+$0x4000]  }
0x2bb: {  	v9 =	vld [tilespmem:s11+$0x6000];
	_ =	sdelay $0x1  }
0x2bc: {  	s28 =	spop (v2sf)  }
0x2bd: {  	p4 =	slt.u32 s28, $0x80000001  }
.Ltmp21:
0x2be: {  	_ = 	snop;
	(pc) =	sbr.rel @p4 .LBB2_17-.Ltmp21, $3  }
0x2bf: {  	_ =	sdelay $0x1  }
0x2c0: {  	v10 =	vld.idx.msk [tilespmem:v10+s30+$0x0], $0xffff  }
0x2c1: {  	v11 =	vld.idx.msk [tilespmem:v9+s31+$0x0], $0xffff  }
0x2c2: {  	_ =	sdelay $0x3  }
0x2c3: {  	v10 =	vadd.f32 v11, v10;
	_ =	sdelay $0x1  }
0x2c4: {  	v11 =	vmul.f32 $2.000000030e-01, v10;
	_ =	sdelay $0x1  }
0x2c5: {  	v10 =	vmax.f32 v10, v11  }
.LBB2_16:
0x2c6: {  	v11 =	vld.idx.msk [tilespmem:v9+s0+$0x0], $0xffff;
	_ =	sdelay $0x4  }
0x2c7: {  	vm1 =	vgt.f32 v10, v11  }
0x2c8: {  	vm0 =	vmand vm0, vm1;
	_ =	sdelay $0x5  }
0x2c9: {  	[tilespmem:v9+s0+$0x0] =	vst.idx.msk vm0, v10  }
0x2ca: {  	v11 =	vld.idx.msk [tilespmem:v9+s0+$0x0], $0xffff;
	_ =	sdelay $0x4  }
0x2cb: {  	vm1 =	vlt.f32 v11, v10  }
0x2cc: {  	vm0 =	vmand vm0, vm1  }
0x2cd: {  	v11 =	vsel vm0, $0x1, v5  }
0x2ce: {  	v11 =	vor.u32 $0x80000000, v11  }
0x2cf: {  	(xrf0) =	vmax.scan.msk.u32 $0xffff, v11;
	_ =	sdelay $0x5  }
0x2d0: {  	v11, _, _ =	vpop (xrf0)  }
0x2d1: {  	(v2sf) =	vpush v11, $0xF;
	_ =	sdelay $0xe  }
0x2d2: {  	s11 =	spop (v2sf)  }
0x2d3: {  	p4 =	sgt.u32 s11, $0x80000000  }
.Ltmp22:
0x2d4: {  	_ = 	snop;
	(pc) =	sbr.rel @p4 .LBB2_16-.Ltmp22, $1  }
0x2d5: {  	_ =	sdelay $0x3  }
.Ltmp23:
0x2d6: {  	_ = 	snop;
	(pc) =	sbr.rel .LBB2_17-.Ltmp23, $1  }
0x2d7: {  	_ =	sdelay $0x3  }
.LBB2_24:
0x2d8: {  	s11 =	sadd.s32 $0x1, s11  }
0x2d9: {  	p4 =	sne.s32 s11, $0x8  }
.Ltmp24:
0x2da: {  	_ = 	snop;
	(pc) =	sbr.rel @!p4 .LBB2_25-.Ltmp24, $1  }
0x2db: {  	_ =	sdelay $0x3  }
.LBB2_19:
0x2dc: {  	s16 =	sshll.u32 s11, $0xA  }
0x2dd: {  	s22 =	sadd.s32 s2, s16  }
0x2de: {  	[tilespmem:s6], [sflag:$0x1] =	stream.linear.gather [hbm4b:s22+s6], $0x2000, $0x38;
	[tilespmem:$0x15100] =	vst v63  }
0x2df: {  	_ =	swait.ge [sflag:s15], $0x2000  }
0x2e0: {  	[sflag:s15] =	ssyncset.done $0x0  }
.Ltmp25:
0x2e1: {  	s16 =	sadd.s32 s3, s16;
	[sflag:s15] =	ssyncadd.s32 $0xFFFFE000;
	(pc) =	sbr.rel .LBB2_20-.Ltmp25, $4  }
0x2e2: {  	[tilespmem:s1], [sflag:$0x1] =	stream.linear.gather [hbm4b:s16+s6], $0x2000, $0x38;
	[tilespmem:$0x15100] =	vst v63  }
0x2e3: {  	_ =	swait.ge [sflag:s15], $0x2000  }
0x2e4: {  	[sflag:s15] =	ssyncset.done $0x0  }
0x2e5: {  	s16 =	simm.s32 $0x0;
	[sflag:s15] =	ssyncadd.s32 $0xFFFFE000  }
.LBB2_23:
0x2e6: {  	s16 =	sadd.s32 $0x1, s16  }
0x2e7: {  	p4 =	sne.s32 s16, $0x200  }
.Ltmp26:
0x2e8: {  	_ = 	snop;
	(pc) =	sbr.rel @!p4 .LBB2_24-.Ltmp26, $3  }
0x2e9: {  	_ = 	snop  }
0x2ea: {  	v10 =	vmpcnt.ones.xlane vm0;
	_ =	sdelay $0x1  }
0x2eb: {  	v9 =	vadd.s32 v9, v10  }
.LBB2_20:
0x2ec: {  	s22 =	sshll.u32 s16, $0x4  }
0x2ed: {  	v10 =	vld [tilespmem:s22+$0x2000];
	_ =	sdelay $0x4  }
0x2ee: {  	v11 =	vshra.s32 v10, $0x1F;
	v12 =	vand.u32 $0xFF, v10  }
0x2ef: {  	vm0 =	vlt.s32 v10, $0x1;
	v11 =	vshrl.u32 v11, $0x18;
	vm1 =	vne.s32 v12, $0x0  }
0x2f0: {  	v11 =	vadd.s32 v11, v10;
	vm0 =	vmand vm0, vm1  }
0x2f1: {  	v11 =	vshra.s32 v11, $0x8;
	v12 =	vsel vm0, $0xFFFFFFFF, v5  }
0x2f2: {  	v11 =	vadd.s32 v12, v11  }
0x2f3: {  	vm0 =	veq.s32 v11, v0  }
0x2f4: {  	v11 =	vsel vm0, $0x1, v5  }
0x2f5: {  	(xrf0) =	vadd.scan.msk.s32 $0xffff, v11;
	_ =	sdelay $0x5  }
0x2f6: {  	v11, _, _ =	vpop (xrf0)  }
0x2f7: {  	v11 =	vadd.s32 v11, v9  }
0x2f8: {  	v11 =	vadd.s32 $0xFFFFFFFF, v11  }
0x2f9: {  	vm1 =	vgt.s32 v11, $0x1FFF  }
0x2fa: {  	vm1 =	vmand vm0, vm1  }
0x2fb: {  	v11 =	vsel vm1, $0x1, v5  }
0x2fc: {  	v11 =	vor.u32 $0x80000000, v11  }
0x2fd: {  	(xrf0) =	vmax.scan.msk.u32 $0xffff, v11;
	_ =	sdelay $0x5  }
0x2fe: {  	v11, _, _ =	vpop (xrf0)  }
0x2ff: {  	(v2sf) =	vpush v11, $0xF;
	_ =	sdelay $0xc  }
0x300: {  	v11 =	vld [tilespmem:s22+$0x0];
	_ =	sdelay $0x1  }
0x301: {  	s28 =	spop (v2sf)  }
0x302: {  	p4 =	slt.u32 s28, $0x80000001  }
.Ltmp27:
0x303: {  	_ = 	snop;
	(pc) =	sbr.rel @p4 .LBB2_23-.Ltmp27, $3  }
0x304: {  	_ =	sdelay $0x1  }
0x305: {  	v12 =	vld.idx.msk [tilespmem:v10+s31+$0x0], $0xffff  }
0x306: {  	v11 =	vld.idx.msk [tilespmem:v11+s30+$0x0], $0xffff  }
0x307: {  	_ =	sdelay $0x3  }
0x308: {  	v11 =	vadd.f32 v12, v11;
	_ =	sdelay $0x1  }
0x309: {  	v12 =	vmul.f32 $2.000000030e-01, v11;
	_ =	sdelay $0x1  }
0x30a: {  	v11 =	vmax.f32 v11, v12  }
.LBB2_22:
0x30b: {  	v12 =	vld.idx.msk [tilespmem:v10+s0+$0x0], $0xffff;
	_ =	sdelay $0x4  }
0x30c: {  	vm2 =	vgt.f32 v11, v12  }
0x30d: {  	vm1 =	vmand vm1, vm2;
	_ =	sdelay $0x5  }
0x30e: {  	[tilespmem:v10+s0+$0x0] =	vst.idx.msk vm1, v11  }
0x30f: {  	v62 =	vld.idx.msk [tilespmem:v10+s0+$0x0], $0xffff;
	_ =	sdelay $0x4  }
0x310: {  	vm2 =	vlt.f32 v62, v11  }
0x311: {  	vm1 =	vmand vm1, vm2  }
0x312: {  	v63 =	vsel vm1, $0x1, v5  }
0x313: {  	v12 =	vor.u32 $0x80000000, v63  }
0x314: {  	(xrf0) =	vmax.scan.msk.u32 $0xffff, v12;
	_ =	sdelay $0x5  }
0x315: {  	v12, _, _ =	vpop (xrf0)  }
0x316: {  	(v2sf) =	vpush v12, $0xF;
	_ =	sdelay $0xe  }
0x317: {  	s22 =	spop (v2sf)  }
0x318: {  	p4 =	sgt.u32 s22, $0x80000000  }
.Ltmp28:
0x319: {  	_ = 	snop;
	(pc) =	sbr.rel @p4 .LBB2_22-.Ltmp28, $1  }
0x31a: {  	_ =	sdelay $0x3  }
.Ltmp29:
0x31b: {  	_ = 	snop;
	(pc) =	sbr.rel .LBB2_23-.Ltmp29, $1  }
0x31c: {  	_ =	sdelay $0x3  }
.LBB2_27:
.Ltmp30:
0x31d: {  	(pc) =	sbr.rel .LBB2_32-.Ltmp30, $2  }
0x31e: {  	_ =	sdelay $0x2  }
0x31f: {  	v13 =	vmov v10  }
.LBB2_29:
.Ltmp31:
0x320: {  	(pc) =	sbr.rel .LBB2_32-.Ltmp31, $3  }
0x321: {  	_ =	sdelay $0x1  }
0x322: {  	v33 =	vmov v10;
	v32 =	vmov v9;
	v29 =	vmov v18  }
0x323: {  	v28 =	vmovc v15;
	v27 =	vmovc v16;
	v25 =	vmov v14;
	v9 =	vmov v17;
	v10 =	vmov v13  }
.LBB2_42:
0x324: {  	_ =	sfence.sel $0x180000  }
0x325: {  	[bflag:$0x0] =	sbarrier.arrive $0xFFFF  }
0x326: {  	_ =	strace $0x90000047  }
0x327: {  	s0 =	stileid.u32;
	[bflag:$0x2] =	sbarrier.arrive $0xFFFF  }
0x328: {  	p0 =	sne.s32 s0, $0x0;
	s0 =	rddreg [dreg:$0x2]  }
0x329: {  	s0 =	sadd.s32 @!p0 $0x100000, s0  }
0x32a: {  	[sflag:s0] =	ssyncadd.tile.s32 @!p0 $0x1;
	_ =	shalt  }
.Lfunc_end2:
_tile_overlayer_lowered:
.L_overlay_start_2:
0x32b: {  	(tag) =	ssettag $0x2  }
0x32c: {  	s0 =	rddreg [dreg:$0x0];
	s2 =	stileid.u32  }
0x32d: {  	s1 =	rddreg [dreg:$0x1];
	p0 =	sne.s32 s2, $0x0  }
0x32e: {  	s3 =	rddreg [dreg:$0x2];
	[bflag:$0x3] =	sbarrier.arrive $0xFFFF;
	s2 =	simm.s32 @!p0 $0x1C01  }
0x32f: {  	[timem:s3], [sflag:s2] =	dma.local @!p0 [hbm:s0], s1  }
0x330: {  	s0 =	simm.s32 @!p0 $0x1  }
0x331: {  	_ =	swait.ge @!p0 [sflag:s0], s1  }
0x332: {  	s1 =	ssub.s32 @!p0 $0x0, s1;
	[sflag:s0] =	ssyncset.done @!p0 $0x0  }
0x333: {  	[sflag:s0] =	ssyncadd.s32 @!p0 s1  }
0x334: {  	[bflag:$0x3] =	sbarrier.arrive $0xFFFF  }
0x335: {  	_ =	shalt  }

</sc_bundles>
